<compile_context>
chip_gen: v7x
topology: tpu7x:2x2x1
jax: 0.10.2.dev20260603
libtpu: 0.0.44.dev20260713+nightly
codegen_flags: <defaults>
</compile_context>

<pallas_src>
import functools

import jax
import jax.numpy as jnp
from jax import lax
from jax.experimental import pallas as pl
from jax.experimental.pallas import tpu as pltpu
from jax.experimental.pallas import tpu_sc as plsc

EMB_DIM = 64
SCALE = 8.0
LANES = 16
CHUNK = 128
DEPTH = 4


def _emb_call(n_tokens, per_w, num_cores):
    n_chunks = per_w // CHUNK
    n_groups = n_chunks // DEPTH
    mesh = plsc.VectorSubcoreMesh(core_axis_name="c", subcore_axis_name="s")

    buf = lambda: pltpu.VMEM((CHUNK, EMB_DIM), jnp.float32)

    @functools.partial(
        pl.kernel,
        mesh=mesh,
        out_type=jax.ShapeDtypeStruct((n_tokens, EMB_DIM), jnp.float32),
        compiler_params=pltpu.CompilerParams(use_tc_tiling_on_sc=False),
        scratch_types=(
            [pltpu.VMEM((per_w,), jnp.int32)]
            + [buf() for _ in range(2 * DEPTH)]
            + [pltpu.SemaphoreType.DMA for _ in range(2 * DEPTH)]
        ),
    )
    def emb_k(idx_hbm, tab_hbm, out_hbm, idx_v, *bufs):
        ins = bufs[0:DEPTH]
        outs = bufs[DEPTH:2 * DEPTH]
        gsems = bufs[2 * DEPTH:3 * DEPTH]
        wsems = bufs[3 * DEPTH:4 * DEPTH]

        wid = lax.axis_index("s") * num_cores + lax.axis_index("c")
        base = wid * per_w
        pltpu.sync_copy(idx_hbm.at[pl.ds(base, per_w)], idx_v)

        def gather(c, b):
            pltpu.async_copy(
                tab_hbm.at[idx_v.at[pl.ds(c * CHUNK, CHUNK)]],
                ins[b], gsems[b]
            )

        def gather_wait(b):
            pltpu.make_async_copy(
                tab_hbm.at[idx_v.at[pl.ds(0, CHUNK)]], ins[b], gsems[b]
            ).wait()

        def write(c, b):
            pltpu.async_copy(
                outs[b], out_hbm.at[pl.ds(base + c * CHUNK, CHUNK)], wsems[b]
            )

        def write_wait(b):
            pltpu.make_async_copy(
                outs[b], out_hbm.at[pl.ds(base, CHUNK)], wsems[b]
            ).wait()

        for b in range(DEPTH):
            gather(b, b)

        def group_body(g, carry):
            for b in range(DEPTH):
                c = g * DEPTH + b
                gather_wait(b)

                @pl.when(g >= 1)
                def _():
                    write_wait(b)

                src, dst = ins[b], outs[b]

                def row_body(r8, carry2):
                    r0 = r8 * 8
                    for k in range(8):
                        for j in range(EMB_DIM // LANES):
                            sl = pl.ds(j * LANES, LANES)
                            dst[r0 + k, sl] = src[r0 + k, sl] * SCALE
                    return carry2

                lax.fori_loop(0, CHUNK // 8, row_body, 0)

                write(c, b)

                @pl.when(g < n_groups - 1)
                def _():
                    gather(c + DEPTH, b)

            return carry

        lax.fori_loop(0, n_groups, group_body, 0)
        for b in range(DEPTH):
            write_wait(b)

    return emb_k


def kernel(x, table):
    b, l = x.shape
    n_tokens = b * l
    info = plsc.get_sparse_core_info()
    n_workers = info.num_cores * info.num_subcores
    per_w = n_tokens // n_workers
    emb_k = _emb_call(n_tokens, per_w, info.num_cores)
    return emb_k(x.reshape(n_tokens), table).reshape(b, l, EMB_DIM)

# --- scband reference (transcript-rebuilt; emitter-appended) ---
"""Pipeline reference for scband-token-embedding-29059748725408 (READ-ONLY COPY).

The authoritative reference and input builder live on the scoring server;
editing this copy changes nothing except your own understanding.
"""

import jax, jax.numpy as jnp
import numpy as np

VOCAB = 1000000
EMB_DIM = 64

def setup_inputs(seed: int = 0) -> dict:
    key = jax.random.key(seed)
    k_idx, k_tab = jax.random.split(key)
    x = jax.random.randint(k_idx, (4096, 200), 0, VOCAB, dtype=jnp.int64 if jax.config.jax_enable_x64 else jnp.int32)
    table = jax.random.normal(k_tab, (VOCAB, EMB_DIM), dtype=jnp.float32) * (EMB_DIM ** -0.5)
    table = table.at[0].set(0.0)  # padding_idx=0 initialized to zeros
    return {"x": x, "table": table}

def reference(x, table):
    # TokenEmbedding.forward: embedding lookup scaled by sqrt(embedding_dim)
    emb = jnp.take(table, x, axis=0)  # (B, L, D)
    return emb * (EMB_DIM ** 0.5)

if __name__ == "__main__":
    import jax
    _d = setup_inputs()
    print(jax.jit(kernel)(*tuple(_d.values())))

</pallas_src>

<mosaic_0001>
#map = affine_map<(d0, d1) -> (0)>
#map1 = affine_map<(d0, d1) -> (0, 0)>
module attributes {stable_mosaic.version = 14 : i64} {
  func.func @emb_k(%arg0: i32, %arg1: i32, %arg2: memref<819200xi32, #tpu.memory_space<hbm>>, %arg3: memref<1000000x64xf32, #tpu.memory_space<hbm>>, %arg4: memref<819200x64xf32, #tpu.memory_space<hbm>>, %arg5: memref<25600xi32, #tpu.memory_space<vmem>>, %arg6: memref<128x64xf32, #tpu.memory_space<vmem>>, %arg7: memref<128x64xf32, #tpu.memory_space<vmem>>, %arg8: memref<128x64xf32, #tpu.memory_space<vmem>>, %arg9: memref<128x64xf32, #tpu.memory_space<vmem>>, %arg10: memref<128x64xf32, #tpu.memory_space<vmem>>, %arg11: memref<128x64xf32, #tpu.memory_space<vmem>>, %arg12: memref<128x64xf32, #tpu.memory_space<vmem>>, %arg13: memref<128x64xf32, #tpu.memory_space<vmem>>, %arg14: memref<!tpu.dma_semaphore, #tpu.memory_space<semaphore_mem>>, %arg15: memref<!tpu.dma_semaphore, #tpu.memory_space<semaphore_mem>>, %arg16: memref<!tpu.dma_semaphore, #tpu.memory_space<semaphore_mem>>, %arg17: memref<!tpu.dma_semaphore, #tpu.memory_space<semaphore_mem>>, %arg18: memref<!tpu.dma_semaphore, #tpu.memory_space<semaphore_mem>>, %arg19: memref<!tpu.dma_semaphore, #tpu.memory_space<semaphore_mem>>, %arg20: memref<!tpu.dma_semaphore, #tpu.memory_space<semaphore_mem>>, %arg21: memref<!tpu.dma_semaphore, #tpu.memory_space<semaphore_mem>>) attributes {dimension_semantics = [#tpu.dimension_semantics<core_parallel>, #tpu.dimension_semantics<subcore_parallel>], iteration_bounds = array<i64: 2, 16>, scalar_prefetch = 0 : i64, scratch_operands = 17 : i64, tpu.core_type = #tpu.core_type<sc_vector_subcore>, window_params = [{transform_indices = #map}, {transform_indices = #map1}, {transform_indices = #map1}]} {
    %mul3A = arith.constant 2 : i32
    %mul3A_0 = arith.muli %arg1, %mul3A : i32
    %add3A = arith.addi %mul3A_0, %arg0 : i32
    %mul3A_1 = arith.constant 25600 : i32
    %mul3A_2 = arith.muli %add3A, %mul3A_1 : i32
    "tpu.region"() ({
      %run_scoped3A = tpu.sem_alloc : memref<!tpu.dma_semaphore, #tpu.memory_space<semaphore_mem>>
      %dma_start3A_42 = tpu.memref_slice %arg2[%mul3A_2] : memref<819200xi32, #tpu.memory_space<hbm>> -> memref<25600xi32, #tpu.memory_space<hbm>>
      %dma_start3A_43 = tpu.memref_slice %arg2[%mul3A_2] : memref<819200xi32, #tpu.memory_space<hbm>> -> memref<25600xi32, #tpu.memory_space<hbm>>
      tpu.enqueue_dma source(%dma_start3A_43 : memref<25600xi32, #tpu.memory_space<hbm>>) target(%arg5 : memref<25600xi32, #tpu.memory_space<vmem>>) target_semaphore(%run_scoped3A : memref<!tpu.dma_semaphore, #tpu.memory_space<semaphore_mem>>)
      %dma_wait3A_44 = tpu.memref_slice %arg2[%mul3A_2] : memref<819200xi32, #tpu.memory_space<hbm>> -> memref<25600xi32, #tpu.memory_space<hbm>>
      %dma_wait3A_45 = tpu.memref_slice %arg2[%mul3A_2] : memref<819200xi32, #tpu.memory_space<hbm>> -> memref<25600xi32, #tpu.memory_space<hbm>>
      tpu.wait_dma2 semaphore(%run_scoped3A : memref<!tpu.dma_semaphore, #tpu.memory_space<semaphore_mem>>) src(%dma_wait3A_45 : memref<25600xi32, #tpu.memory_space<hbm>>) dst(%arg5 : memref<25600xi32, #tpu.memory_space<vmem>>)
      tpu.yield
    }) : () -> ()
    %dma_start3A = arith.constant 0 : i32
    %dma_start3A_3 = tpu.memref_slice %arg5[%dma_start3A] : memref<25600xi32, #tpu.memory_space<vmem>> -> memref<128xi32, #tpu.memory_space<vmem>>
    %dma_start3A_4 = arith.constant 0 : i32
    %dma_start3A_5 = arith.constant 0 : i32
    %dma_start3A_6 = tpu.memref_slice %arg3[%dma_start3A_4, %dma_start3A_5] : memref<1000000x64xf32, #tpu.memory_space<hbm>> -> memref<1000000x64xf32, #tpu.memory_space<hbm>>
    tpu.enqueue_indirect_dma source(%dma_start3A_6 : memref<1000000x64xf32, #tpu.memory_space<hbm>>) target(%arg6 : memref<128x64xf32, #tpu.memory_space<vmem>>) offsets(%dma_start3A_3 : memref<128xi32, #tpu.memory_space<vmem>>) semaphore(%arg14 : memref<!tpu.dma_semaphore, #tpu.memory_space<semaphore_mem>>)
    %dma_start3A_7 = arith.constant 128 : i32
    %dma_start3A_8 = tpu.memref_slice %arg5[%dma_start3A_7] : memref<25600xi32, #tpu.memory_space<vmem>> -> memref<128xi32, #tpu.memory_space<vmem>>
    %dma_start3A_9 = arith.constant 0 : i32
    %dma_start3A_10 = arith.constant 0 : i32
    %dma_start3A_11 = tpu.memref_slice %arg3[%dma_start3A_9, %dma_start3A_10] : memref<1000000x64xf32, #tpu.memory_space<hbm>> -> memref<1000000x64xf32, #tpu.memory_space<hbm>>
    tpu.enqueue_indirect_dma source(%dma_start3A_11 : memref<1000000x64xf32, #tpu.memory_space<hbm>>) target(%arg7 : memref<128x64xf32, #tpu.memory_space<vmem>>) offsets(%dma_start3A_8 : memref<128xi32, #tpu.memory_space<vmem>>) semaphore(%arg15 : memref<!tpu.dma_semaphore, #tpu.memory_space<semaphore_mem>>)
    %dma_start3A_12 = arith.constant 256 : i32
    %dma_start3A_13 = tpu.memref_slice %arg5[%dma_start3A_12] : memref<25600xi32, #tpu.memory_space<vmem>> -> memref<128xi32, #tpu.memory_space<vmem>>
    %dma_start3A_14 = arith.constant 0 : i32
    %dma_start3A_15 = arith.constant 0 : i32
    %dma_start3A_16 = tpu.memref_slice %arg3[%dma_start3A_14, %dma_start3A_15] : memref<1000000x64xf32, #tpu.memory_space<hbm>> -> memref<1000000x64xf32, #tpu.memory_space<hbm>>
    tpu.enqueue_indirect_dma source(%dma_start3A_16 : memref<1000000x64xf32, #tpu.memory_space<hbm>>) target(%arg8 : memref<128x64xf32, #tpu.memory_space<vmem>>) offsets(%dma_start3A_13 : memref<128xi32, #tpu.memory_space<vmem>>) semaphore(%arg16 : memref<!tpu.dma_semaphore, #tpu.memory_space<semaphore_mem>>)
    %dma_start3A_17 = arith.constant 384 : i32
    %dma_start3A_18 = tpu.memref_slice %arg5[%dma_start3A_17] : memref<25600xi32, #tpu.memory_space<vmem>> -> memref<128xi32, #tpu.memory_space<vmem>>
    %dma_start3A_19 = arith.constant 0 : i32
    %dma_start3A_20 = arith.constant 0 : i32
    %dma_start3A_21 = tpu.memref_slice %arg3[%dma_start3A_19, %dma_start3A_20] : memref<1000000x64xf32, #tpu.memory_space<hbm>> -> memref<1000000x64xf32, #tpu.memory_space<hbm>>
    tpu.enqueue_indirect_dma source(%dma_start3A_21 : memref<1000000x64xf32, #tpu.memory_space<hbm>>) target(%arg9 : memref<128x64xf32, #tpu.memory_space<vmem>>) offsets(%dma_start3A_18 : memref<128xi32, #tpu.memory_space<vmem>>) semaphore(%arg17 : memref<!tpu.dma_semaphore, #tpu.memory_space<semaphore_mem>>)
    %scan3A = arith.constant 0 : i32
    %scan3A_22 = arith.constant 0 : i32
    %scan3A_23 = arith.constant 50 : i32
    %scan3A_24 = arith.addi %scan3A_22, %scan3A_23 : i32
    %scan3A_25 = arith.constant 1 : i32
    scf.for %scan3A_42 = %scan3A_22 to %scan3A_24 step %scan3A_25  : i32 {
      %mul3A_43 = arith.constant 4 : i32
      %mul3A_44 = arith.muli %scan3A_42, %mul3A_43 : i32
      %add3A_45 = arith.constant 0 : i32
      %add3A_46 = arith.addi %mul3A_44, %add3A_45 : i32
      %dma_wait3A_47 = arith.constant 0 : i32
      %dma_wait3A_48 = tpu.memref_slice %arg5[%dma_wait3A_47] : memref<25600xi32, #tpu.memory_space<vmem>> -> memref<128xi32, #tpu.memory_space<vmem>>
      %dma_wait3A_49 = arith.constant 0 : i32
      %dma_wait3A_50 = arith.constant 0 : i32
      %dma_wait3A_51 = tpu.memref_slice %arg3[%dma_wait3A_49, %dma_wait3A_50] : memref<1000000x64xf32, #tpu.memory_space<hbm>> -> memref<1000000x64xf32, #tpu.memory_space<hbm>>
      tpu.wait_indirect_dma semaphore(%arg14 : memref<!tpu.dma_semaphore, #tpu.memory_space<semaphore_mem>>) src(%dma_wait3A_51 : memref<1000000x64xf32, #tpu.memory_space<hbm>>) dst(%arg6 : memref<128x64xf32, #tpu.memory_space<vmem>>)
      %ge3A = arith.constant 1 : i32
      %ge3A_52 = arith.cmpi sge, %scan3A_42, %ge3A : i32
      %convert_element_type3A = arith.extui %ge3A_52 : i1 to i32
      %cond3A = arith.constant 0 : i32
      %cond3A_53 = arith.cmpi ne, %convert_element_type3A, %cond3A : i32
      scf.if %cond3A_53 {
        %dma_wait3A_167 = arith.constant 0 : i32
        %dma_wait3A_168 = tpu.memref_slice %arg4[%mul3A_2, %dma_wait3A_167] : memref<819200x64xf32, #tpu.memory_space<hbm>> -> memref<128x64xf32, #tpu.memory_space<hbm>>
        %dma_wait3A_169 = arith.constant 0 : i32
        %dma_wait3A_170 = tpu.memref_slice %arg4[%mul3A_2, %dma_wait3A_169] : memref<819200x64xf32, #tpu.memory_space<hbm>> -> memref<128x64xf32, #tpu.memory_space<hbm>>
        tpu.wait_dma2 semaphore(%arg18 : memref<!tpu.dma_semaphore, #tpu.memory_space<semaphore_mem>>) src(%arg10 : memref<128x64xf32, #tpu.memory_space<vmem>>) dst(%dma_wait3A_170 : memref<128x64xf32, #tpu.memory_space<hbm>>)
      } else {
      }
      %scan3A_54 = arith.constant 0 : i32
      %scan3A_55 = arith.constant 0 : i32
      %scan3A_56 = arith.constant 16 : i32
      %scan3A_57 = arith.addi %scan3A_55, %scan3A_56 : i32
      %scan3A_58 = arith.constant 1 : i32
      scf.for %scan3A_167 = %scan3A_55 to %scan3A_57 step %scan3A_58  : i32 {
        %mul3A_168 = arith.constant 8 : i32
        %mul3A_169 = arith.muli %scan3A_167, %mul3A_168 : i32
        %add3A_170 = arith.constant 0 : i32
        %add3A_171 = arith.addi %mul3A_169, %add3A_170 : i32
        %get3A = arith.index_cast %add3A_171 : i32 to index
        %get3A_172 = arith.constant 0 : index
        %get3A_173 = tpu.vector_load %arg6[%get3A, %get3A_172] {strides = array<i32>} : memref<128x64xf32, #tpu.memory_space<vmem>>, vector<1x16xf32>,
        %get3A_174 = vector.shape_cast %get3A_173 : vector<1x16xf32> to vector<16xf32>
        %mul3A_175 = arith.constant 8.000000e+00 : f32
        %mul3A_176 = vector.broadcast %mul3A_175 : f32 to vector<16xf32>
        %mul3A_177 = arith.mulf %get3A_174, %mul3A_176 : vector<16xf32>
        %add3A_178 = arith.constant 0 : i32
        %add3A_179 = arith.addi %mul3A_169, %add3A_178 : i32
        %swap3A = arith.index_cast %add3A_179 : i32 to index
        %swap3A_180 = arith.constant 0 : index
        %swap3A_181 = tpu.vector_load %arg10[%swap3A, %swap3A_180] {strides = array<i32>} : memref<128x64xf32, #tpu.memory_space<vmem>>, vector<1x16xf32>,
        %swap3A_182 = vector.shape_cast %swap3A_181 : vector<1x16xf32> to vector<16xf32>
        %swap3A_183 = vector.shape_cast %mul3A_177 : vector<16xf32> to vector<1x16xf32>
        tpu.vector_store %arg10[%swap3A, %swap3A_180], %swap3A_183 {strides = array<i32>} : memref<128x64xf32, #tpu.memory_space<vmem>>, vector<1x16xf32>,
        %add3A_184 = arith.constant 0 : i32
        %add3A_185 = arith.addi %mul3A_169, %add3A_184 : i32
        %get3A_186 = arith.index_cast %add3A_185 : i32 to index
        %get3A_187 = arith.constant 16 : index
        %get3A_188 = tpu.vector_load %arg6[%get3A_186, %get3A_187] {strides = array<i32>} : memref<128x64xf32, #tpu.memory_space<vmem>>, vector<1x16xf32>,
        %get3A_189 = vector.shape_cast %get3A_188 : vector<1x16xf32> to vector<16xf32>
        %mul3A_190 = arith.constant 8.000000e+00 : f32
        %mul3A_191 = vector.broadcast %mul3A_190 : f32 to vector<16xf32>
        %mul3A_192 = arith.mulf %get3A_189, %mul3A_191 : vector<16xf32>
        %add3A_193 = arith.constant 0 : i32
        %add3A_194 = arith.addi %mul3A_169, %add3A_193 : i32
        %swap3A_195 = arith.index_cast %add3A_194 : i32 to index
        %swap3A_196 = arith.constant 16 : index
        %swap3A_197 = tpu.vector_load %arg10[%swap3A_195, %swap3A_196] {strides = array<i32>} : memref<128x64xf32, #tpu.memory_space<vmem>>, vector<1x16xf32>,
        %swap3A_198 = vector.shape_cast %swap3A_197 : vector<1x16xf32> to vector<16xf32>
        %swap3A_199 = vector.shape_cast %mul3A_192 : vector<16xf32> to vector<1x16xf32>
        tpu.vector_store %arg10[%swap3A_195, %swap3A_196], %swap3A_199 {strides = array<i32>} : memref<128x64xf32, #tpu.memory_space<vmem>>, vector<1x16xf32>,
        %add3A_200 = arith.constant 0 : i32
        %add3A_201 = arith.addi %mul3A_169, %add3A_200 : i32
        %get3A_202 = arith.index_cast %add3A_201 : i32 to index
        %get3A_203 = arith.constant 32 : index
        %get3A_204 = tpu.vector_load %arg6[%get3A_202, %get3A_203] {strides = array<i32>} : memref<128x64xf32, #tpu.memory_space<vmem>>, vector<1x16xf32>,
        %get3A_205 = vector.shape_cast %get3A_204 : vector<1x16xf32> to vector<16xf32>
        %mul3A_206 = arith.constant 8.000000e+00 : f32
        %mul3A_207 = vector.broadcast %mul3A_206 : f32 to vector<16xf32>
        %mul3A_208 = arith.mulf %get3A_205, %mul3A_207 : vector<16xf32>
        %add3A_209 = arith.constant 0 : i32
        %add3A_210 = arith.addi %mul3A_169, %add3A_209 : i32
        %swap3A_211 = arith.index_cast %add3A_210 : i32 to index
        %swap3A_212 = arith.constant 32 : index
        %swap3A_213 = tpu.vector_load %arg10[%swap3A_211, %swap3A_212] {strides = array<i32>} : memref<128x64xf32, #tpu.memory_space<vmem>>, vector<1x16xf32>,
        %swap3A_214 = vector.shape_cast %swap3A_213 : vector<1x16xf32> to vector<16xf32>
        %swap3A_215 = vector.shape_cast %mul3A_208 : vector<16xf32> to vector<1x16xf32>
        tpu.vector_store %arg10[%swap3A_211, %swap3A_212], %swap3A_215 {strides = array<i32>} : memref<128x64xf32, #tpu.memory_space<vmem>>, vector<1x16xf32>,
        %add3A_216 = arith.constant 0 : i32
        %add3A_217 = arith.addi %mul3A_169, %add3A_216 : i32
        %get3A_218 = arith.index_cast %add3A_217 : i32 to index
        %get3A_219 = arith.constant 48 : index
        %get3A_220 = tpu.vector_load %arg6[%get3A_218, %get3A_219] {strides = array<i32>} : memref<128x64xf32, #tpu.memory_space<vmem>>, vector<1x16xf32>,
        %get3A_221 = vector.shape_cast %get3A_220 : vector<1x16xf32> to vector<16xf32>
        %mul3A_222 = arith.constant 8.000000e+00 : f32
        %mul3A_223 = vector.broadcast %mul3A_222 : f32 to vector<16xf32>
        %mul3A_224 = arith.mulf %get3A_221, %mul3A_223 : vector<16xf32>
        %add3A_225 = arith.constant 0 : i32
        %add3A_226 = arith.addi %mul3A_169, %add3A_225 : i32
        %swap3A_227 = arith.index_cast %add3A_226 : i32 to index
        %swap3A_228 = arith.constant 48 : index
        %swap3A_229 = tpu.vector_load %arg10[%swap3A_227, %swap3A_228] {strides = array<i32>} : memref<128x64xf32, #tpu.memory_space<vmem>>, vector<1x16xf32>,
        %swap3A_230 = vector.shape_cast %swap3A_229 : vector<1x16xf32> to vector<16xf32>
        %swap3A_231 = vector.shape_cast %mul3A_224 : vector<16xf32> to vector<1x16xf32>
        tpu.vector_store %arg10[%swap3A_227, %swap3A_228], %swap3A_231 {strides = array<i32>} : memref<128x64xf32, #tpu.memory_space<vmem>>, vector<1x16xf32>,
        %add3A_232 = arith.constant 1 : i32
        %add3A_233 = arith.addi %mul3A_169, %add3A_232 : i32
        %get3A_234 = arith.index_cast %add3A_233 : i32 to index
        %get3A_235 = arith.constant 0 : index
        %get3A_236 = tpu.vector_load %arg6[%get3A_234, %get3A_235] {strides = array<i32>} : memref<128x64xf32, #tpu.memory_space<vmem>>, vector<1x16xf32>,
        %get3A_237 = vector.shape_cast %get3A_236 : vector<1x16xf32> to vector<16xf32>
        %mul3A_238 = arith.constant 8.000000e+00 : f32
        %mul3A_239 = vector.broadcast %mul3A_238 : f32 to vector<16xf32>
        %mul3A_240 = arith.mulf %get3A_237, %mul3A_239 : vector<16xf32>
        %add3A_241 = arith.constant 1 : i32
        %add3A_242 = arith.addi %mul3A_169, %add3A_241 : i32
        %swap3A_243 = arith.index_cast %add3A_242 : i32 to index
        %swap3A_244 = arith.constant 0 : index
        %swap3A_245 = tpu.vector_load %arg10[%swap3A_243, %swap3A_244] {strides = array<i32>} : memref<128x64xf32, #tpu.memory_space<vmem>>, vector<1x16xf32>,
        %swap3A_246 = vector.shape_cast %swap3A_245 : vector<1x16xf32> to vector<16xf32>
        %swap3A_247 = vector.shape_cast %mul3A_240 : vector<16xf32> to vector<1x16xf32>
        tpu.vector_store %arg10[%swap3A_243, %swap3A_244], %swap3A_247 {strides = array<i32>} : memref<128x64xf32, #tpu.memory_space<vmem>>, vector<1x16xf32>,
        %add3A_248 = arith.constant 1 : i32
        %add3A_249 = arith.addi %mul3A_169, %add3A_248 : i32
        %get3A_250 = arith.index_cast %add3A_249 : i32 to index
        %get3A_251 = arith.constant 16 : index
        %get3A_252 = tpu.vector_load %arg6[%get3A_250, %get3A_251] {strides = array<i32>} : memref<128x64xf32, #tpu.memory_space<vmem>>, vector<1x16xf32>,
        %get3A_253 = vector.shape_cast %get3A_252 : vector<1x16xf32> to vector<16xf32>
        %mul3A_254 = arith.constant 8.000000e+00 : f32
        %mul3A_255 = vector.broadcast %mul3A_254 : f32 to vector<16xf32>
        %mul3A_256 = arith.mulf %get3A_253, %mul3A_255 : vector<16xf32>
        %add3A_257 = arith.constant 1 : i32
        %add3A_258 = arith.addi %mul3A_169, %add3A_257 : i32
        %swap3A_259 = arith.index_cast %add3A_258 : i32 to index
        %swap3A_260 = arith.constant 16 : index
        %swap3A_261 = tpu.vector_load %arg10[%swap3A_259, %swap3A_260] {strides = array<i32>} : memref<128x64xf32, #tpu.memory_space<vmem>>, vector<1x16xf32>,
        %swap3A_262 = vector.shape_cast %swap3A_261 : vector<1x16xf32> to vector<16xf32>
        %swap3A_263 = vector.shape_cast %mul3A_256 : vector<16xf32> to vector<1x16xf32>
        tpu.vector_store %arg10[%swap3A_259, %swap3A_260], %swap3A_263 {strides = array<i32>} : memref<128x64xf32, #tpu.memory_space<vmem>>, vector<1x16xf32>,
        %add3A_264 = arith.constant 1 : i32
        %add3A_265 = arith.addi %mul3A_169, %add3A_264 : i32
        %get3A_266 = arith.index_cast %add3A_265 : i32 to index
        %get3A_267 = arith.constant 32 : index
        %get3A_268 = tpu.vector_load %arg6[%get3A_266, %get3A_267] {strides = array<i32>} : memref<128x64xf32, #tpu.memory_space<vmem>>, vector<1x16xf32>,
        %get3A_269 = vector.shape_cast %get3A_268 : vector<1x16xf32> to vector<16xf32>
        %mul3A_270 = arith.constant 8.000000e+00 : f32
        %mul3A_271 = vector.broadcast %mul3A_270 : f32 to vector<16xf32>
        %mul3A_272 = arith.mulf %get3A_269, %mul3A_271 : vector<16xf32>
        %add3A_273 = arith.constant 1 : i32
        %add3A_274 = arith.addi %mul3A_169, %add3A_273 : i32
        %swap3A_275 = arith.index_cast %add3A_274 : i32 to index
        %swap3A_276 = arith.constant 32 : index
        %swap3A_277 = tpu.vector_load %arg10[%swap3A_275, %swap3A_276] {strides = array<i32>} : memref<128x64xf32, #tpu.memory_space<vmem>>, vector<1x16xf32>,
        %swap3A_278 = vector.shape_cast %swap3A_277 : vector<1x16xf32> to vector<16xf32>
        %swap3A_279 = vector.shape_cast %mul3A_272 : vector<16xf32> to vector<1x16xf32>
        tpu.vector_store %arg10[%swap3A_275, %swap3A_276], %swap3A_279 {strides = array<i32>} : memref<128x64xf32, #tpu.memory_space<vmem>>, vector<1x16xf32>,
        %add3A_280 = arith.constant 1 : i32
        %add3A_281 = arith.addi %mul3A_169, %add3A_280 : i32
        %get3A_282 = arith.index_cast %add3A_281 : i32 to index
        %get3A_283 = arith.constant 48 : index
        %get3A_284 = tpu.vector_load %arg6[%get3A_282, %get3A_283] {strides = array<i32>} : memref<128x64xf32, #tpu.memory_space<vmem>>, vector<1x16xf32>,
        %get3A_285 = vector.shape_cast %get3A_284 : vector<1x16xf32> to vector<16xf32>
        %mul3A_286 = arith.constant 8.000000e+00 : f32
        %mul3A_287 = vector.broadcast %mul3A_286 : f32 to vector<16xf32>
        %mul3A_288 = arith.mulf %get3A_285, %mul3A_287 : vector<16xf32>
        %add3A_289 = arith.constant 1 : i32
        %add3A_290 = arith.addi %mul3A_169, %add3A_289 : i32
        %swap3A_291 = arith.index_cast %add3A_290 : i32 to index
        %swap3A_292 = arith.constant 48 : index
        %swap3A_293 = tpu.vector_load %arg10[%swap3A_291, %swap3A_292] {strides = array<i32>} : memref<128x64xf32, #tpu.memory_space<vmem>>, vector<1x16xf32>,
        %swap3A_294 = vector.shape_cast %swap3A_293 : vector<1x16xf32> to vector<16xf32>
        %swap3A_295 = vector.shape_cast %mul3A_288 : vector<16xf32> to vector<1x16xf32>
        tpu.vector_store %arg10[%swap3A_291, %swap3A_292], %swap3A_295 {strides = array<i32>} : memref<128x64xf32, #tpu.memory_space<vmem>>, vector<1x16xf32>,
        %add3A_296 = arith.constant 2 : i32
        %add3A_297 = arith.addi %mul3A_169, %add3A_296 : i32
        %get3A_298 = arith.index_cast %add3A_297 : i32 to index
        %get3A_299 = arith.constant 0 : index
        %get3A_300 = tpu.vector_load %arg6[%get3A_298, %get3A_299] {strides = array<i32>} : memref<128x64xf32, #tpu.memory_space<vmem>>, vector<1x16xf32>,
        %get3A_301 = vector.shape_cast %get3A_300 : vector<1x16xf32> to vector<16xf32>
        %mul3A_302 = arith.constant 8.000000e+00 : f32
        %mul3A_303 = vector.broadcast %mul3A_302 : f32 to vector<16xf32>
        %mul3A_304 = arith.mulf %get3A_301, %mul3A_303 : vector<16xf32>
        %add3A_305 = arith.constant 2 : i32
        %add3A_306 = arith.addi %mul3A_169, %add3A_305 : i32
        %swap3A_307 = arith.index_cast %add3A_306 : i32 to index
        %swap3A_308 = arith.constant 0 : index
        %swap3A_309 = tpu.vector_load %arg10[%swap3A_307, %swap3A_308] {strides = array<i32>} : memref<128x64xf32, #tpu.memory_space<vmem>>, vector<1x16xf32>,
        %swap3A_310 = vector.shape_cast %swap3A_309 : vector<1x16xf32> to vector<16xf32>
        %swap3A_311 = vector.shape_cast %mul3A_304 : vector<16xf32> to vector<1x16xf32>
        tpu.vector_store %arg10[%swap3A_307, %swap3A_308], %swap3A_311 {strides = array<i32>} : memref<128x64xf32, #tpu.memory_space<vmem>>, vector<1x16xf32>,
        %add3A_312 = arith.constant 2 : i32
        %add3A_313 = arith.addi %mul3A_169, %add3A_312 : i32
        %get3A_314 = arith.index_cast %add3A_313 : i32 to index
        %get3A_315 = arith.constant 16 : index
        %get3A_316 = tpu.vector_load %arg6[%get3A_314, %get3A_315] {strides = array<i32>} : memref<128x64xf32, #tpu.memory_space<vmem>>, vector<1x16xf32>,
        %get3A_317 = vector.shape_cast %get3A_316 : vector<1x16xf32> to vector<16xf32>
        %mul3A_318 = arith.constant 8.000000e+00 : f32
        %mul3A_319 = vector.broadcast %mul3A_318 : f32 to vector<16xf32>
        %mul3A_320 = arith.mulf %get3A_317, %mul3A_319 : vector<16xf32>
        %add3A_321 = arith.constant 2 : i32
        %add3A_322 = arith.addi %mul3A_169, %add3A_321 : i32
        %swap3A_323 = arith.index_cast %add3A_322 : i32 to index
        %swap3A_324 = arith.constant 16 : index
        %swap3A_325 = tpu.vector_load %arg10[%swap3A_323, %swap3A_324] {strides = array<i32>} : memref<128x64xf32, #tpu.memory_space<vmem>>, vector<1x16xf32>,
        %swap3A_326 = vector.shape_cast %swap3A_325 : vector<1x16xf32> to vector<16xf32>
        %swap3A_327 = vector.shape_cast %mul3A_320 : vector<16xf32> to vector<1x16xf32>
        tpu.vector_store %arg10[%swap3A_323, %swap3A_324], %swap3A_327 {strides = array<i32>} : memref<128x64xf32, #tpu.memory_space<vmem>>, vector<1x16xf32>,
        %add3A_328 = arith.constant 2 : i32
        %add3A_329 = arith.addi %mul3A_169, %add3A_328 : i32
        %get3A_330 = arith.index_cast %add3A_329 : i32 to index
        %get3A_331 = arith.constant 32 : index
        %get3A_332 = tpu.vector_load %arg6[%get3A_330, %get3A_331] {strides = array<i32>} : memref<128x64xf32, #tpu.memory_space<vmem>>, vector<1x16xf32>,
        %get3A_333 = vector.shape_cast %get3A_332 : vector<1x16xf32> to vector<16xf32>
        %mul3A_334 = arith.constant 8.000000e+00 : f32
        %mul3A_335 = vector.broadcast %mul3A_334 : f32 to vector<16xf32>
        %mul3A_336 = arith.mulf %get3A_333, %mul3A_335 : vector<16xf32>
        %add3A_337 = arith.constant 2 : i32
        %add3A_338 = arith.addi %mul3A_169, %add3A_337 : i32
        %swap3A_339 = arith.index_cast %add3A_338 : i32 to index
        %swap3A_340 = arith.constant 32 : index
        %swap3A_341 = tpu.vector_load %arg10[%swap3A_339, %swap3A_340] {strides = array<i32>} : memref<128x64xf32, #tpu.memory_space<vmem>>, vector<1x16xf32>,
        %swap3A_342 = vector.shape_cast %swap3A_341 : vector<1x16xf32> to vector<16xf32>
        %swap3A_343 = vector.shape_cast %mul3A_336 : vector<16xf32> to vector<1x16xf32>
        tpu.vector_store %arg10[%swap3A_339, %swap3A_340], %swap3A_343 {strides = array<i32>} : memref<128x64xf32, #tpu.memory_space<vmem>>, vector<1x16xf32>,
        %add3A_344 = arith.constant 2 : i32
        %add3A_345 = arith.addi %mul3A_169, %add3A_344 : i32
        %get3A_346 = arith.index_cast %add3A_345 : i32 to index
        %get3A_347 = arith.constant 48 : index
        %get3A_348 = tpu.vector_load %arg6[%get3A_346, %get3A_347] {strides = array<i32>} : memref<128x64xf32, #tpu.memory_space<vmem>>, vector<1x16xf32>,
        %get3A_349 = vector.shape_cast %get3A_348 : vector<1x16xf32> to vector<16xf32>
        %mul3A_350 = arith.constant 8.000000e+00 : f32
        %mul3A_351 = vector.broadcast %mul3A_350 : f32 to vector<16xf32>
        %mul3A_352 = arith.mulf %get3A_349, %mul3A_351 : vector<16xf32>
        %add3A_353 = arith.constant 2 : i32
        %add3A_354 = arith.addi %mul3A_169, %add3A_353 : i32
        %swap3A_355 = arith.index_cast %add3A_354 : i32 to index
        %swap3A_356 = arith.constant 48 : index
        %swap3A_357 = tpu.vector_load %arg10[%swap3A_355, %swap3A_356] {strides = array<i32>} : memref<128x64xf32, #tpu.memory_space<vmem>>, vector<1x16xf32>,
        %swap3A_358 = vector.shape_cast %swap3A_357 : vector<1x16xf32> to vector<16xf32>
        %swap3A_359 = vector.shape_cast %mul3A_352 : vector<16xf32> to vector<1x16xf32>
        tpu.vector_store %arg10[%swap3A_355, %swap3A_356], %swap3A_359 {strides = array<i32>} : memref<128x64xf32, #tpu.memory_space<vmem>>, vector<1x16xf32>,
        %add3A_360 = arith.constant 3 : i32
        %add3A_361 = arith.addi %mul3A_169, %add3A_360 : i32
        %get3A_362 = arith.index_cast %add3A_361 : i32 to index
        %get3A_363 = arith.constant 0 : index
        %get3A_364 = tpu.vector_load %arg6[%get3A_362, %get3A_363] {strides = array<i32>} : memref<128x64xf32, #tpu.memory_space<vmem>>, vector<1x16xf32>,
        %get3A_365 = vector.shape_cast %get3A_364 : vector<1x16xf32> to vector<16xf32>
        %mul3A_366 = arith.constant 8.000000e+00 : f32
        %mul3A_367 = vector.broadcast %mul3A_366 : f32 to vector<16xf32>
        %mul3A_368 = arith.mulf %get3A_365, %mul3A_367 : vector<16xf32>
        %add3A_369 = arith.constant 3 : i32
        %add3A_370 = arith.addi %mul3A_169, %add3A_369 : i32
        %swap3A_371 = arith.index_cast %add3A_370 : i32 to index
        %swap3A_372 = arith.constant 0 : index
        %swap3A_373 = tpu.vector_load %arg10[%swap3A_371, %swap3A_372] {strides = array<i32>} : memref<128x64xf32, #tpu.memory_space<vmem>>, vector<1x16xf32>,
        %swap3A_374 = vector.shape_cast %swap3A_373 : vector<1x16xf32> to vector<16xf32>
        %swap3A_375 = vector.shape_cast %mul3A_368 : vector<16xf32> to vector<1x16xf32>
        tpu.vector_store %arg10[%swap3A_371, %swap3A_372], %swap3A_375 {strides = array<i32>} : memref<128x64xf32, #tpu.memory_space<vmem>>, vector<1x16xf32>,
        %add3A_376 = arith.constant 3 : i32
        %add3A_377 = arith.addi %mul3A_169, %add3A_376 : i32
        %get3A_378 = arith.index_cast %add3A_377 : i32 to index
        %get3A_379 = arith.constant 16 : index
        %get3A_380 = tpu.vector_load %arg6[%get3A_378, %get3A_379] {strides = array<i32>} : memref<128x64xf32, #tpu.memory_space<vmem>>, vector<1x16xf32>,
        %get3A_381 = vector.shape_cast %get3A_380 : vector<1x16xf32> to vector<16xf32>
        %mul3A_382 = arith.constant 8.000000e+00 : f32
        %mul3A_383 = vector.broadcast %mul3A_382 : f32 to vector<16xf32>
        %mul3A_384 = arith.mulf %get3A_381, %mul3A_383 : vector<16xf32>
        %add3A_385 = arith.constant 3 : i32
        %add3A_386 = arith.addi %mul3A_169, %add3A_385 : i32
        %swap3A_387 = arith.index_cast %add3A_386 : i32 to index
        %swap3A_388 = arith.constant 16 : index
        %swap3A_389 = tpu.vector_load %arg10[%swap3A_387, %swap3A_388] {strides = array<i32>} : memref<128x64xf32, #tpu.memory_space<vmem>>, vector<1x16xf32>,
        %swap3A_390 = vector.shape_cast %swap3A_389 : vector<1x16xf32> to vector<16xf32>
        %swap3A_391 = vector.shape_cast %mul3A_384 : vector<16xf32> to vector<1x16xf32>
        tpu.vector_store %arg10[%swap3A_387, %swap3A_388], %swap3A_391 {strides = array<i32>} : memref<128x64xf32, #tpu.memory_space<vmem>>, vector<1x16xf32>,
        %add3A_392 = arith.constant 3 : i32
        %add3A_393 = arith.addi %mul3A_169, %add3A_392 : i32
        %get3A_394 = arith.index_cast %add3A_393 : i32 to index
        %get3A_395 = arith.constant 32 : index
        %get3A_396 = tpu.vector_load %arg6[%get3A_394, %get3A_395] {strides = array<i32>} : memref<128x64xf32, #tpu.memory_space<vmem>>, vector<1x16xf32>,
        %get3A_397 = vector.shape_cast %get3A_396 : vector<1x16xf32> to vector<16xf32>
        %mul3A_398 = arith.constant 8.000000e+00 : f32
        %mul3A_399 = vector.broadcast %mul3A_398 : f32 to vector<16xf32>
        %mul3A_400 = arith.mulf %get3A_397, %mul3A_399 : vector<16xf32>
        %add3A_401 = arith.constant 3 : i32
        %add3A_402 = arith.addi %mul3A_169, %add3A_401 : i32
        %swap3A_403 = arith.index_cast %add3A_402 : i32 to index
        %swap3A_404 = arith.constant 32 : index
        %swap3A_405 = tpu.vector_load %arg10[%swap3A_403, %swap3A_404] {strides = array<i32>} : memref<128x64xf32, #tpu.memory_space<vmem>>, vector<1x16xf32>,
        %swap3A_406 = vector.shape_cast %swap3A_405 : vector<1x16xf32> to vector<16xf32>
        %swap3A_407 = vector.shape_cast %mul3A_400 : vector<16xf32> to vector<1x16xf32>
        tpu.vector_store %arg10[%swap3A_403, %swap3A_404], %swap3A_407 {strides = array<i32>} : memref<128x64xf32, #tpu.memory_space<vmem>>, vector<1x16xf32>,
        %add3A_408 = arith.constant 3 : i32
        %add3A_409 = arith.addi %mul3A_169, %add3A_408 : i32
        %get3A_410 = arith.index_cast %add3A_409 : i32 to index
        %get3A_411 = arith.constant 48 : index
        %get3A_412 = tpu.vector_load %arg6[%get3A_410, %get3A_411] {strides = array<i32>} : memref<128x64xf32, #tpu.memory_space<vmem>>, vector<1x16xf32>,
        %get3A_413 = vector.shape_cast %get3A_412 : vector<1x16xf32> to vector<16xf32>
        %mul3A_414 = arith.constant 8.000000e+00 : f32
        %mul3A_415 = vector.broadcast %mul3A_414 : f32 to vector<16xf32>
        %mul3A_416 = arith.mulf %get3A_413, %mul3A_415 : vector<16xf32>
        %add3A_417 = arith.constant 3 : i32
        %add3A_418 = arith.addi %mul3A_169, %add3A_417 : i32
        %swap3A_419 = arith.index_cast %add3A_418 : i32 to index
        %swap3A_420 = arith.constant 48 : index
        %swap3A_421 = tpu.vector_load %arg10[%swap3A_419, %swap3A_420] {strides = array<i32>} : memref<128x64xf32, #tpu.memory_space<vmem>>, vector<1x16xf32>,
        %swap3A_422 = vector.shape_cast %swap3A_421 : vector<1x16xf32> to vector<16xf32>
        %swap3A_423 = vector.shape_cast %mul3A_416 : vector<16xf32> to vector<1x16xf32>
        tpu.vector_store %arg10[%swap3A_419, %swap3A_420], %swap3A_423 {strides = array<i32>} : memref<128x64xf32, #tpu.memory_space<vmem>>, vector<1x16xf32>,
        %add3A_424 = arith.constant 4 : i32
        %add3A_425 = arith.addi %mul3A_169, %add3A_424 : i32
        %get3A_426 = arith.index_cast %add3A_425 : i32 to index
        %get3A_427 = arith.constant 0 : index
        %get3A_428 = tpu.vector_load %arg6[%get3A_426, %get3A_427] {strides = array<i32>} : memref<128x64xf32, #tpu.memory_space<vmem>>, vector<1x16xf32>,
        %get3A_429 = vector.shape_cast %get3A_428 : vector<1x16xf32> to vector<16xf32>
        %mul3A_430 = arith.constant 8.000000e+00 : f32
        %mul3A_431 = vector.broadcast %mul3A_430 : f32 to vector<16xf32>
        %mul3A_432 = arith.mulf %get3A_429, %mul3A_431 : vector<16xf32>
        %add3A_433 = arith.constant 4 : i32
        %add3A_434 = arith.addi %mul3A_169, %add3A_433 : i32
        %swap3A_435 = arith.index_cast %add3A_434 : i32 to index
        %swap3A_436 = arith.constant 0 : index
        %swap3A_437 = tpu.vector_load %arg10[%swap3A_435, %swap3A_436] {strides = array<i32>} : memref<128x64xf32, #tpu.memory_space<vmem>>, vector<1x16xf32>,
        %swap3A_438 = vector.shape_cast %swap3A_437 : vector<1x16xf32> to vector<16xf32>
        %swap3A_439 = vector.shape_cast %mul3A_432 : vector<16xf32> to vector<1x16xf32>
        tpu.vector_store %arg10[%swap3A_435, %swap3A_436], %swap3A_439 {strides = array<i32>} : memref<128x64xf32, #tpu.memory_space<vmem>>, vector<1x16xf32>,
        %add3A_440 = arith.constant 4 : i32
        %add3A_441 = arith.addi %mul3A_169, %add3A_440 : i32
        %get3A_442 = arith.index_cast %add3A_441 : i32 to index
        %get3A_443 = arith.constant 16 : index
        %get3A_444 = tpu.vector_load %arg6[%get3A_442, %get3A_443] {strides = array<i32>} : memref<128x64xf32, #tpu.memory_space<vmem>>, vector<1x16xf32>,
        %get3A_445 = vector.shape_cast %get3A_444 : vector<1x16xf32> to vector<16xf32>
        %mul3A_446 = arith.constant 8.000000e+00 : f32
        %mul3A_447 = vector.broadcast %mul3A_446 : f32 to vector<16xf32>
        %mul3A_448 = arith.mulf %get3A_445, %mul3A_447 : vector<16xf32>
        %add3A_449 = arith.constant 4 : i32
        %add3A_450 = arith.addi %mul3A_169, %add3A_449 : i32
        %swap3A_451 = arith.index_cast %add3A_450 : i32 to index
        %swap3A_452 = arith.constant 16 : index
        %swap3A_453 = tpu.vector_load %arg10[%swap3A_451, %swap3A_452] {strides = array<i32>} : memref<128x64xf32, #tpu.memory_space<vmem>>, vector<1x16xf32>,
        %swap3A_454 = vector.shape_cast %swap3A_453 : vector<1x16xf32> to vector<16xf32>
        %swap3A_455 = vector.shape_cast %mul3A_448 : vector<16xf32> to vector<1x16xf32>
        tpu.vector_store %arg10[%swap3A_451, %swap3A_452], %swap3A_455 {strides = array<i32>} : memref<128x64xf32, #tpu.memory_space<vmem>>, vector<1x16xf32>,
        %add3A_456 = arith.constant 4 : i32
        %add3A_457 = arith.addi %mul3A_169, %add3A_456 : i32
        %get3A_458 = arith.index_cast %add3A_457 : i32 to index
        %get3A_459 = arith.constant 32 : index
        %get3A_460 = tpu.vector_load %arg6[%get3A_458, %get3A_459] {strides = array<i32>} : memref<128x64xf32, #tpu.memory_space<vmem>>, vector<1x16xf32>,
        %get3A_461 = vector.shape_cast %get3A_460 : vector<1x16xf32> to vector<16xf32>
        %mul3A_462 = arith.constant 8.000000e+00 : f32
        %mul3A_463 = vector.broadcast %mul3A_462 : f32 to vector<16xf32>
        %mul3A_464 = arith.mulf %get3A_461, %mul3A_463 : vector<16xf32>
        %add3A_465 = arith.constant 4 : i32
        %add3A_466 = arith.addi %mul3A_169, %add3A_465 : i32
        %swap3A_467 = arith.index_cast %add3A_466 : i32 to index
        %swap3A_468 = arith.constant 32 : index
        %swap3A_469 = tpu.vector_load %arg10[%swap3A_467, %swap3A_468] {strides = array<i32>} : memref<128x64xf32, #tpu.memory_space<vmem>>, vector<1x16xf32>,
        %swap3A_470 = vector.shape_cast %swap3A_469 : vector<1x16xf32> to vector<16xf32>
        %swap3A_471 = vector.shape_cast %mul3A_464 : vector<16xf32> to vector<1x16xf32>
        tpu.vector_store %arg10[%swap3A_467, %swap3A_468], %swap3A_471 {strides = array<i32>} : memref<128x64xf32, #tpu.memory_space<vmem>>, vector<1x16xf32>,
        %add3A_472 = arith.constant 4 : i32
        %add3A_473 = arith.addi %mul3A_169, %add3A_472 : i32
        %get3A_474 = arith.index_cast %add3A_473 : i32 to index
        %get3A_475 = arith.constant 48 : index
        %get3A_476 = tpu.vector_load %arg6[%get3A_474, %get3A_475] {strides = array<i32>} : memref<128x64xf32, #tpu.memory_space<vmem>>, vector<1x16xf32>,
        %get3A_477 = vector.shape_cast %get3A_476 : vector<1x16xf32> to vector<16xf32>
        %mul3A_478 = arith.constant 8.000000e+00 : f32
        %mul3A_479 = vector.broadcast %mul3A_478 : f32 to vector<16xf32>
        %mul3A_480 = arith.mulf %get3A_477, %mul3A_479 : vector<16xf32>
        %add3A_481 = arith.constant 4 : i32
        %add3A_482 = arith.addi %mul3A_169, %add3A_481 : i32
        %swap3A_483 = arith.index_cast %add3A_482 : i32 to index
        %swap3A_484 = arith.constant 48 : index
        %swap3A_485 = tpu.vector_load %arg10[%swap3A_483, %swap3A_484] {strides = array<i32>} : memref<128x64xf32, #tpu.memory_space<vmem>>, vector<1x16xf32>,
        %swap3A_486 = vector.shape_cast %swap3A_485 : vector<1x16xf32> to vector<16xf32>
        %swap3A_487 = vector.shape_cast %mul3A_480 : vector<16xf32> to vector<1x16xf32>
        tpu.vector_store %arg10[%swap3A_483, %swap3A_484], %swap3A_487 {strides = array<i32>} : memref<128x64xf32, #tpu.memory_space<vmem>>, vector<1x16xf32>,
        %add3A_488 = arith.constant 5 : i32
        %add3A_489 = arith.addi %mul3A_169, %add3A_488 : i32
        %get3A_490 = arith.index_cast %add3A_489 : i32 to index
        %get3A_491 = arith.constant 0 : index
        %get3A_492 = tpu.vector_load %arg6[%get3A_490, %get3A_491] {strides = array<i32>} : memref<128x64xf32, #tpu.memory_space<vmem>>, vector<1x16xf32>,
        %get3A_493 = vector.shape_cast %get3A_492 : vector<1x16xf32> to vector<16xf32>
        %mul3A_494 = arith.constant 8.000000e+00 : f32
        %mul3A_495 = vector.broadcast %mul3A_494 : f32 to vector<16xf32>
        %mul3A_496 = arith.mulf %get3A_493, %mul3A_495 : vector<16xf32>
        %add3A_497 = arith.constant 5 : i32
        %add3A_498 = arith.addi %mul3A_169, %add3A_497 : i32
        %swap3A_499 = arith.index_cast %add3A_498 : i32 to index
        %swap3A_500 = arith.constant 0 : index
        %swap3A_501 = tpu.vector_load %arg10[%swap3A_499, %swap3A_500] {strides = array<i32>} : memref<128x64xf32, #tpu.memory_space<vmem>>, vector<1x16xf32>,
        %swap3A_502 = vector.shape_cast %swap3A_501 : vector<1x16xf32> to vector<16xf32>
        %swap3A_503 = vector.shape_cast %mul3A_496 : vector<16xf32> to vector<1x16xf32>
        tpu.vector_store %arg10[%swap3A_499, %swap3A_500], %swap3A_503 {strides = array<i32>} : memref<128x64xf32, #tpu.memory_space<vmem>>, vector<1x16xf32>,
        %add3A_504 = arith.constant 5 : i32
        %add3A_505 = arith.addi %mul3A_169, %add3A_504 : i32
        %get3A_506 = arith.index_cast %add3A_505 : i32 to index
        %get3A_507 = arith.constant 16 : index
        %get3A_508 = tpu.vector_load %arg6[%get3A_506, %get3A_507] {strides = array<i32>} : memref<128x64xf32, #tpu.memory_space<vmem>>, vector<1x16xf32>,
        %get3A_509 = vector.shape_cast %get3A_508 : vector<1x16xf32> to vector<16xf32>
        %mul3A_510 = arith.constant 8.000000e+00 : f32
        %mul3A_511 = vector.broadcast %mul3A_510 : f32 to vector<16xf32>
        %mul3A_512 = arith.mulf %get3A_509, %mul3A_511 : vector<16xf32>
        %add3A_513 = arith.constant 5 : i32
        %add3A_514 = arith.addi %mul3A_169, %add3A_513 : i32
        %swap3A_515 = arith.index_cast %add3A_514 : i32 to index
        %swap3A_516 = arith.constant 16 : index
        %swap3A_517 = tpu.vector_load %arg10[%swap3A_515, %swap3A_516] {strides = array<i32>} : memref<128x64xf32, #tpu.memory_space<vmem>>, vector<1x16xf32>,
        %swap3A_518 = vector.shape_cast %swap3A_517 : vector<1x16xf32> to vector<16xf32>
        %swap3A_519 = vector.shape_cast %mul3A_512 : vector<16xf32> to vector<1x16xf32>
        tpu.vector_store %arg10[%swap3A_515, %swap3A_516], %swap3A_519 {strides = array<i32>} : memref<128x64xf32, #tpu.memory_space<vmem>>, vector<1x16xf32>,
        %add3A_520 = arith.constant 5 : i32
        %add3A_521 = arith.addi %mul3A_169, %add3A_520 : i32
        %get3A_522 = arith.index_cast %add3A_521 : i32 to index
        %get3A_523 = arith.constant 32 : index
        %get3A_524 = tpu.vector_load %arg6[%get3A_522, %get3A_523] {strides = array<i32>} : memref<128x64xf32, #tpu.memory_space<vmem>>, vector<1x16xf32>,
        %get3A_525 = vector.shape_cast %get3A_524 : vector<1x16xf32> to vector<16xf32>
        %mul3A_526 = arith.constant 8.000000e+00 : f32
        %mul3A_527 = vector.broadcast %mul3A_526 : f32 to vector<16xf32>
        %mul3A_528 = arith.mulf %get3A_525, %mul3A_527 : vector<16xf32>
        %add3A_529 = arith.constant 5 : i32
        %add3A_530 = arith.addi %mul3A_169, %add3A_529 : i32
        %swap3A_531 = arith.index_cast %add3A_530 : i32 to index
        %swap3A_532 = arith.constant 32 : index
        %swap3A_533 = tpu.vector_load %arg10[%swap3A_531, %swap3A_532] {strides = array<i32>} : memref<128x64xf32, #tpu.memory_space<vmem>>, vector<1x16xf32>,
        %swap3A_534 = vector.shape_cast %swap3A_533 : vector<1x16xf32> to vector<16xf32>
        %swap3A_535 = vector.shape_cast %mul3A_528 : vector<16xf32> to vector<1x16xf32>
        tpu.vector_store %arg10[%swap3A_531, %swap3A_532], %swap3A_535 {strides = array<i32>} : memref<128x64xf32, #tpu.memory_space<vmem>>, vector<1x16xf32>,
        %add3A_536 = arith.constant 5 : i32
        %add3A_537 = arith.addi %mul3A_169, %add3A_536 : i32
        %get3A_538 = arith.index_cast %add3A_537 : i32 to index
        %get3A_539 = arith.constant 48 : index
        %get3A_540 = tpu.vector_load %arg6[%get3A_538, %get3A_539] {strides = array<i32>} : memref<128x64xf32, #tpu.memory_space<vmem>>, vector<1x16xf32>,
        %get3A_541 = vector.shape_cast %get3A_540 : vector<1x16xf32> to vector<16xf32>
        %mul3A_542 = arith.constant 8.000000e+00 : f32
        %mul3A_543 = vector.broadcast %mul3A_542 : f32 to vector<16xf32>
        %mul3A_544 = arith.mulf %get3A_541, %mul3A_543 : vector<16xf32>
        %add3A_545 = arith.constant 5 : i32
        %add3A_546 = arith.addi %mul3A_169, %add3A_545 : i32
        %swap3A_547 = arith.index_cast %add3A_546 : i32 to index
        %swap3A_548 = arith.constant 48 : index
        %swap3A_549 = tpu.vector_load %arg10[%swap3A_547, %swap3A_548] {strides = array<i32>} : memref<128x64xf32, #tpu.memory_space<vmem>>, vector<1x16xf32>,
        %swap3A_550 = vector.shape_cast %swap3A_549 : vector<1x16xf32> to vector<16xf32>
        %swap3A_551 = vector.shape_cast %mul3A_544 : vector<16xf32> to vector<1x16xf32>
        tpu.vector_store %arg10[%swap3A_547, %swap3A_548], %swap3A_551 {strides = array<i32>} : memref<128x64xf32, #tpu.memory_space<vmem>>, vector<1x16xf32>,
        %add3A_552 = arith.constant 6 : i32
        %add3A_553 = arith.addi %mul3A_169, %add3A_552 : i32
        %get3A_554 = arith.index_cast %add3A_553 : i32 to index
        %get3A_555 = arith.constant 0 : index
        %get3A_556 = tpu.vector_load %arg6[%get3A_554, %get3A_555] {strides = array<i32>} : memref<128x64xf32, #tpu.memory_space<vmem>>, vector<1x16xf32>,
        %get3A_557 = vector.shape_cast %get3A_556 : vector<1x16xf32> to vector<16xf32>
        %mul3A_558 = arith.constant 8.000000e+00 : f32
        %mul3A_559 = vector.broadcast %mul3A_558 : f32 to vector<16xf32>
        %mul3A_560 = arith.mulf %get3A_557, %mul3A_559 : vector<16xf32>
        %add3A_561 = arith.constant 6 : i32
        %add3A_562 = arith.addi %mul3A_169, %add3A_561 : i32
        %swap3A_563 = arith.index_cast %add3A_562 : i32 to index
        %swap3A_564 = arith.constant 0 : index
        %swap3A_565 = tpu.vector_load %arg10[%swap3A_563, %swap3A_564] {strides = array<i32>} : memref<128x64xf32, #tpu.memory_space<vmem>>, vector<1x16xf32>,
        %swap3A_566 = vector.shape_cast %swap3A_565 : vector<1x16xf32> to vector<16xf32>
        %swap3A_567 = vector.shape_cast %mul3A_560 : vector<16xf32> to vector<1x16xf32>
        tpu.vector_store %arg10[%swap3A_563, %swap3A_564], %swap3A_567 {strides = array<i32>} : memref<128x64xf32, #tpu.memory_space<vmem>>, vector<1x16xf32>,
        %add3A_568 = arith.constant 6 : i32
        %add3A_569 = arith.addi %mul3A_169, %add3A_568 : i32
        %get3A_570 = arith.index_cast %add3A_569 : i32 to index
        %get3A_571 = arith.constant 16 : index
        %get3A_572 = tpu.vector_load %arg6[%get3A_570, %get3A_571] {strides = array<i32>} : memref<128x64xf32, #tpu.memory_space<vmem>>, vector<1x16xf32>,
        %get3A_573 = vector.shape_cast %get3A_572 : vector<1x16xf32> to vector<16xf32>
        %mul3A_574 = arith.constant 8.000000e+00 : f32
        %mul3A_575 = vector.broadcast %mul3A_574 : f32 to vector<16xf32>
        %mul3A_576 = arith.mulf %get3A_573, %mul3A_575 : vector<16xf32>
        %add3A_577 = arith.constant 6 : i32
        %add3A_578 = arith.addi %mul3A_169, %add3A_577 : i32
        %swap3A_579 = arith.index_cast %add3A_578 : i32 to index
        %swap3A_580 = arith.constant 16 : index
        %swap3A_581 = tpu.vector_load %arg10[%swap3A_579, %swap3A_580] {strides = array<i32>} : memref<128x64xf32, #tpu.memory_space<vmem>>, vector<1x16xf32>,
        %swap3A_582 = vector.shape_cast %swap3A_581 : vector<1x16xf32> to vector<16xf32>
        %swap3A_583 = vector.shape_cast %mul3A_576 : vector<16xf32> to vector<1x16xf32>
        tpu.vector_store %arg10[%swap3A_579, %swap3A_580], %swap3A_583 {strides = array<i32>} : memref<128x64xf32, #tpu.memory_space<vmem>>, vector<1x16xf32>,
        %add3A_584 = arith.constant 6 : i32
        %add3A_585 = arith.addi %mul3A_169, %add3A_584 : i32
        %get3A_586 = arith.index_cast %add3A_585 : i32 to index
        %get3A_587 = arith.constant 32 : index
        %get3A_588 = tpu.vector_load %arg6[%get3A_586, %get3A_587] {strides = array<i32>} : memref<128x64xf32, #tpu.memory_space<vmem>>, vector<1x16xf32>,
        %get3A_589 = vector.shape_cast %get3A_588 : vector<1x16xf32> to vector<16xf32>
        %mul3A_590 = arith.constant 8.000000e+00 : f32
        %mul3A_591 = vector.broadcast %mul3A_590 : f32 to vector<16xf32>
        %mul3A_592 = arith.mulf %get3A_589, %mul3A_591 : vector<16xf32>
        %add3A_593 = arith.constant 6 : i32
        %add3A_594 = arith.addi %mul3A_169, %add3A_593 : i32
        %swap3A_595 = arith.index_cast %add3A_594 : i32 to index
        %swap3A_596 = arith.constant 32 : index
        %swap3A_597 = tpu.vector_load %arg10[%swap3A_595, %swap3A_596] {strides = array<i32>} : memref<128x64xf32, #tpu.memory_space<vmem>>, vector<1x16xf32>,
        %swap3A_598 = vector.shape_cast %swap3A_597 : vector<1x16xf32> to vector<16xf32>
        %swap3A_599 = vector.shape_cast %mul3A_592 : vector<16xf32> to vector<1x16xf32>
        tpu.vector_store %arg10[%swap3A_595, %swap3A_596], %swap3A_599 {strides = array<i32>} : memref<128x64xf32, #tpu.memory_space<vmem>>, vector<1x16xf32>,
        %add3A_600 = arith.constant 6 : i32
        %add3A_601 = arith.addi %mul3A_169, %add3A_600 : i32
        %get3A_602 = arith.index_cast %add3A_601 : i32 to index
        %get3A_603 = arith.constant 48 : index
        %get3A_604 = tpu.vector_load %arg6[%get3A_602, %get3A_603] {strides = array<i32>} : memref<128x64xf32, #tpu.memory_space<vmem>>, vector<1x16xf32>,
        %get3A_605 = vector.shape_cast %get3A_604 : vector<1x16xf32> to vector<16xf32>
        %mul3A_606 = arith.constant 8.000000e+00 : f32
        %mul3A_607 = vector.broadcast %mul3A_606 : f32 to vector<16xf32>
        %mul3A_608 = arith.mulf %get3A_605, %mul3A_607 : vector<16xf32>
        %add3A_609 = arith.constant 6 : i32
        %add3A_610 = arith.addi %mul3A_169, %add3A_609 : i32
        %swap3A_611 = arith.index_cast %add3A_610 : i32 to index
        %swap3A_612 = arith.constant 48 : index
        %swap3A_613 = tpu.vector_load %arg10[%swap3A_611, %swap3A_612] {strides = array<i32>} : memref<128x64xf32, #tpu.memory_space<vmem>>, vector<1x16xf32>,
        %swap3A_614 = vector.shape_cast %swap3A_613 : vector<1x16xf32> to vector<16xf32>
        %swap3A_615 = vector.shape_cast %mul3A_608 : vector<16xf32> to vector<1x16xf32>
        tpu.vector_store %arg10[%swap3A_611, %swap3A_612], %swap3A_615 {strides = array<i32>} : memref<128x64xf32, #tpu.memory_space<vmem>>, vector<1x16xf32>,
        %add3A_616 = arith.constant 7 : i32
        %add3A_617 = arith.addi %mul3A_169, %add3A_616 : i32
        %get3A_618 = arith.index_cast %add3A_617 : i32 to index
        %get3A_619 = arith.constant 0 : index
        %get3A_620 = tpu.vector_load %arg6[%get3A_618, %get3A_619] {strides = array<i32>} : memref<128x64xf32, #tpu.memory_space<vmem>>, vector<1x16xf32>,
        %get3A_621 = vector.shape_cast %get3A_620 : vector<1x16xf32> to vector<16xf32>
        %mul3A_622 = arith.constant 8.000000e+00 : f32
        %mul3A_623 = vector.broadcast %mul3A_622 : f32 to vector<16xf32>
        %mul3A_624 = arith.mulf %get3A_621, %mul3A_623 : vector<16xf32>
        %add3A_625 = arith.constant 7 : i32
        %add3A_626 = arith.addi %mul3A_169, %add3A_625 : i32
        %swap3A_627 = arith.index_cast %add3A_626 : i32 to index
        %swap3A_628 = arith.constant 0 : index
        %swap3A_629 = tpu.vector_load %arg10[%swap3A_627, %swap3A_628] {strides = array<i32>} : memref<128x64xf32, #tpu.memory_space<vmem>>, vector<1x16xf32>,
        %swap3A_630 = vector.shape_cast %swap3A_629 : vector<1x16xf32> to vector<16xf32>
        %swap3A_631 = vector.shape_cast %mul3A_624 : vector<16xf32> to vector<1x16xf32>
        tpu.vector_store %arg10[%swap3A_627, %swap3A_628], %swap3A_631 {strides = array<i32>} : memref<128x64xf32, #tpu.memory_space<vmem>>, vector<1x16xf32>,
        %add3A_632 = arith.constant 7 : i32
        %add3A_633 = arith.addi %mul3A_169, %add3A_632 : i32
        %get3A_634 = arith.index_cast %add3A_633 : i32 to index
        %get3A_635 = arith.constant 16 : index
        %get3A_636 = tpu.vector_load %arg6[%get3A_634, %get3A_635] {strides = array<i32>} : memref<128x64xf32, #tpu.memory_space<vmem>>, vector<1x16xf32>,
        %get3A_637 = vector.shape_cast %get3A_636 : vector<1x16xf32> to vector<16xf32>
        %mul3A_638 = arith.constant 8.000000e+00 : f32
        %mul3A_639 = vector.broadcast %mul3A_638 : f32 to vector<16xf32>
        %mul3A_640 = arith.mulf %get3A_637, %mul3A_639 : vector<16xf32>
        %add3A_641 = arith.constant 7 : i32
        %add3A_642 = arith.addi %mul3A_169, %add3A_641 : i32
        %swap3A_643 = arith.index_cast %add3A_642 : i32 to index
        %swap3A_644 = arith.constant 16 : index
        %swap3A_645 = tpu.vector_load %arg10[%swap3A_643, %swap3A_644] {strides = array<i32>} : memref<128x64xf32, #tpu.memory_space<vmem>>, vector<1x16xf32>,
        %swap3A_646 = vector.shape_cast %swap3A_645 : vector<1x16xf32> to vector<16xf32>
        %swap3A_647 = vector.shape_cast %mul3A_640 : vector<16xf32> to vector<1x16xf32>
        tpu.vector_store %arg10[%swap3A_643, %swap3A_644], %swap3A_647 {strides = array<i32>} : memref<128x64xf32, #tpu.memory_space<vmem>>, vector<1x16xf32>,
        %add3A_648 = arith.constant 7 : i32
        %add3A_649 = arith.addi %mul3A_169, %add3A_648 : i32
        %get3A_650 = arith.index_cast %add3A_649 : i32 to index
        %get3A_651 = arith.constant 32 : index
        %get3A_652 = tpu.vector_load %arg6[%get3A_650, %get3A_651] {strides = array<i32>} : memref<128x64xf32, #tpu.memory_space<vmem>>, vector<1x16xf32>,
        %get3A_653 = vector.shape_cast %get3A_652 : vector<1x16xf32> to vector<16xf32>
        %mul3A_654 = arith.constant 8.000000e+00 : f32
        %mul3A_655 = vector.broadcast %mul3A_654 : f32 to vector<16xf32>
        %mul3A_656 = arith.mulf %get3A_653, %mul3A_655 : vector<16xf32>
        %add3A_657 = arith.constant 7 : i32
        %add3A_658 = arith.addi %mul3A_169, %add3A_657 : i32
        %swap3A_659 = arith.index_cast %add3A_658 : i32 to index
        %swap3A_660 = arith.constant 32 : index
        %swap3A_661 = tpu.vector_load %arg10[%swap3A_659, %swap3A_660] {strides = array<i32>} : memref<128x64xf32, #tpu.memory_space<vmem>>, vector<1x16xf32>,
        %swap3A_662 = vector.shape_cast %swap3A_661 : vector<1x16xf32> to vector<16xf32>
        %swap3A_663 = vector.shape_cast %mul3A_656 : vector<16xf32> to vector<1x16xf32>
        tpu.vector_store %arg10[%swap3A_659, %swap3A_660], %swap3A_663 {strides = array<i32>} : memref<128x64xf32, #tpu.memory_space<vmem>>, vector<1x16xf32>,
        %add3A_664 = arith.constant 7 : i32
        %add3A_665 = arith.addi %mul3A_169, %add3A_664 : i32
        %get3A_666 = arith.index_cast %add3A_665 : i32 to index
        %get3A_667 = arith.constant 48 : index
        %get3A_668 = tpu.vector_load %arg6[%get3A_666, %get3A_667] {strides = array<i32>} : memref<128x64xf32, #tpu.memory_space<vmem>>, vector<1x16xf32>,
        %get3A_669 = vector.shape_cast %get3A_668 : vector<1x16xf32> to vector<16xf32>
        %mul3A_670 = arith.constant 8.000000e+00 : f32
        %mul3A_671 = vector.broadcast %mul3A_670 : f32 to vector<16xf32>
        %mul3A_672 = arith.mulf %get3A_669, %mul3A_671 : vector<16xf32>
        %add3A_673 = arith.constant 7 : i32
        %add3A_674 = arith.addi %mul3A_169, %add3A_673 : i32
        %swap3A_675 = arith.index_cast %add3A_674 : i32 to index
        %swap3A_676 = arith.constant 48 : index
        %swap3A_677 = tpu.vector_load %arg10[%swap3A_675, %swap3A_676] {strides = array<i32>} : memref<128x64xf32, #tpu.memory_space<vmem>>, vector<1x16xf32>,
        %swap3A_678 = vector.shape_cast %swap3A_677 : vector<1x16xf32> to vector<16xf32>
        %swap3A_679 = vector.shape_cast %mul3A_672 : vector<16xf32> to vector<1x16xf32>
        tpu.vector_store %arg10[%swap3A_675, %swap3A_676], %swap3A_679 {strides = array<i32>} : memref<128x64xf32, #tpu.memory_space<vmem>>, vector<1x16xf32>,
      }
      %scan3A_59 = arith.constant 16 : i32
      %mul3A_60 = arith.constant 128 : i32
      %mul3A_61 = arith.muli %add3A_46, %mul3A_60 : i32
      %add3A_62 = arith.addi %mul3A_2, %mul3A_61 : i32
      %dma_start3A_63 = arith.constant 0 : i32
      %dma_start3A_64 = tpu.memref_slice %arg4[%add3A_62, %dma_start3A_63] : memref<819200x64xf32, #tpu.memory_space<hbm>> -> memref<128x64xf32, #tpu.memory_space<hbm>>
      %dma_start3A_65 = arith.constant 0 : i32
      %dma_start3A_66 = tpu.memref_slice %arg4[%add3A_62, %dma_start3A_65] : memref<819200x64xf32, #tpu.memory_space<hbm>> -> memref<128x64xf32, #tpu.memory_space<hbm>>
      tpu.enqueue_dma source(%arg10 : memref<128x64xf32, #tpu.memory_space<vmem>>) target(%dma_start3A_66 : memref<128x64xf32, #tpu.memory_space<hbm>>) target_semaphore(%arg18 : memref<!tpu.dma_semaphore, #tpu.memory_space<semaphore_mem>>)
      %lt3A = arith.constant 49 : i32
      %lt3A_67 = arith.cmpi slt, %scan3A_42, %lt3A : i32
      %convert_element_type3A_68 = arith.extui %lt3A_67 : i1 to i32
      %cond3A_69 = arith.constant 0 : i32
      %cond3A_70 = arith.cmpi ne, %convert_element_type3A_68, %cond3A_69 : i32
      scf.if %cond3A_70 {
        %add3A_167 = arith.constant 4 : i32
        %add3A_168 = arith.addi %add3A_46, %add3A_167 : i32
        %mul3A_169 = arith.constant 128 : i32
        %mul3A_170 = arith.muli %add3A_168, %mul3A_169 : i32
        %dma_start3A_171 = tpu.memref_slice %arg5[%mul3A_170] : memref<25600xi32, #tpu.memory_space<vmem>> -> memref<128xi32, #tpu.memory_space<vmem>>
        %dma_start3A_172 = arith.constant 0 : i32
        %dma_start3A_173 = arith.constant 0 : i32
        %dma_start3A_174 = tpu.memref_slice %arg3[%dma_start3A_172, %dma_start3A_173] : memref<1000000x64xf32, #tpu.memory_space<hbm>> -> memref<1000000x64xf32, #tpu.memory_space<hbm>>
        tpu.enqueue_indirect_dma source(%dma_start3A_174 : memref<1000000x64xf32, #tpu.memory_space<hbm>>) target(%arg6 : memref<128x64xf32, #tpu.memory_space<vmem>>) offsets(%dma_start3A_171 : memref<128xi32, #tpu.memory_space<vmem>>) semaphore(%arg14 : memref<!tpu.dma_semaphore, #tpu.memory_space<semaphore_mem>>)
      } else {
      }
      %mul3A_71 = arith.constant 4 : i32
      %mul3A_72 = arith.muli %scan3A_42, %mul3A_71 : i32
      %add3A_73 = arith.constant 1 : i32
      %add3A_74 = arith.addi %mul3A_72, %add3A_73 : i32
      %dma_wait3A_75 = arith.constant 0 : i32
      %dma_wait3A_76 = tpu.memref_slice %arg5[%dma_wait3A_75] : memref<25600xi32, #tpu.memory_space<vmem>> -> memref<128xi32, #tpu.memory_space<vmem>>
      %dma_wait3A_77 = arith.constant 0 : i32
      %dma_wait3A_78 = arith.constant 0 : i32
      %dma_wait3A_79 = tpu.memref_slice %arg3[%dma_wait3A_77, %dma_wait3A_78] : memref<1000000x64xf32, #tpu.memory_space<hbm>> -> memref<1000000x64xf32, #tpu.memory_space<hbm>>
      tpu.wait_indirect_dma semaphore(%arg15 : memref<!tpu.dma_semaphore, #tpu.memory_space<semaphore_mem>>) src(%dma_wait3A_79 : memref<1000000x64xf32, #tpu.memory_space<hbm>>) dst(%arg7 : memref<128x64xf32, #tpu.memory_space<vmem>>)
      %ge3A_80 = arith.constant 1 : i32
      %ge3A_81 = arith.cmpi sge, %scan3A_42, %ge3A_80 : i32
      %convert_element_type3A_82 = arith.extui %ge3A_81 : i1 to i32
      %cond3A_83 = arith.constant 0 : i32
      %cond3A_84 = arith.cmpi ne, %convert_element_type3A_82, %cond3A_83 : i32
      scf.if %cond3A_84 {
        %dma_wait3A_167 = arith.constant 0 : i32
        %dma_wait3A_168 = tpu.memref_slice %arg4[%mul3A_2, %dma_wait3A_167] : memref<819200x64xf32, #tpu.memory_space<hbm>> -> memref<128x64xf32, #tpu.memory_space<hbm>>
        %dma_wait3A_169 = arith.constant 0 : i32
        %dma_wait3A_170 = tpu.memref_slice %arg4[%mul3A_2, %dma_wait3A_169] : memref<819200x64xf32, #tpu.memory_space<hbm>> -> memref<128x64xf32, #tpu.memory_space<hbm>>
        tpu.wait_dma2 semaphore(%arg19 : memref<!tpu.dma_semaphore, #tpu.memory_space<semaphore_mem>>) src(%arg11 : memref<128x64xf32, #tpu.memory_space<vmem>>) dst(%dma_wait3A_170 : memref<128x64xf32, #tpu.memory_space<hbm>>)
      } else {
      }
      %scan3A_85 = arith.constant 0 : i32
      %scan3A_86 = arith.constant 0 : i32
      %scan3A_87 = arith.constant 16 : i32
      %scan3A_88 = arith.addi %scan3A_86, %scan3A_87 : i32
      %scan3A_89 = arith.constant 1 : i32
      scf.for %scan3A_167 = %scan3A_86 to %scan3A_88 step %scan3A_89  : i32 {
        %mul3A_168 = arith.constant 8 : i32
        %mul3A_169 = arith.muli %scan3A_167, %mul3A_168 : i32
        %add3A_170 = arith.constant 0 : i32
        %add3A_171 = arith.addi %mul3A_169, %add3A_170 : i32
        %get3A = arith.index_cast %add3A_171 : i32 to index
        %get3A_172 = arith.constant 0 : index
        %get3A_173 = tpu.vector_load %arg7[%get3A, %get3A_172] {strides = array<i32>} : memref<128x64xf32, #tpu.memory_space<vmem>>, vector<1x16xf32>,
        %get3A_174 = vector.shape_cast %get3A_173 : vector<1x16xf32> to vector<16xf32>
        %mul3A_175 = arith.constant 8.000000e+00 : f32
        %mul3A_176 = vector.broadcast %mul3A_175 : f32 to vector<16xf32>
        %mul3A_177 = arith.mulf %get3A_174, %mul3A_176 : vector<16xf32>
        %add3A_178 = arith.constant 0 : i32
        %add3A_179 = arith.addi %mul3A_169, %add3A_178 : i32
        %swap3A = arith.index_cast %add3A_179 : i32 to index
        %swap3A_180 = arith.constant 0 : index
        %swap3A_181 = tpu.vector_load %arg11[%swap3A, %swap3A_180] {strides = array<i32>} : memref<128x64xf32, #tpu.memory_space<vmem>>, vector<1x16xf32>,
        %swap3A_182 = vector.shape_cast %swap3A_181 : vector<1x16xf32> to vector<16xf32>
        %swap3A_183 = vector.shape_cast %mul3A_177 : vector<16xf32> to vector<1x16xf32>
        tpu.vector_store %arg11[%swap3A, %swap3A_180], %swap3A_183 {strides = array<i32>} : memref<128x64xf32, #tpu.memory_space<vmem>>, vector<1x16xf32>,
        %add3A_184 = arith.constant 0 : i32
        %add3A_185 = arith.addi %mul3A_169, %add3A_184 : i32
        %get3A_186 = arith.index_cast %add3A_185 : i32 to index
        %get3A_187 = arith.constant 16 : index
        %get3A_188 = tpu.vector_load %arg7[%get3A_186, %get3A_187] {strides = array<i32>} : memref<128x64xf32, #tpu.memory_space<vmem>>, vector<1x16xf32>,
        %get3A_189 = vector.shape_cast %get3A_188 : vector<1x16xf32> to vector<16xf32>
        %mul3A_190 = arith.constant 8.000000e+00 : f32
        %mul3A_191 = vector.broadcast %mul3A_190 : f32 to vector<16xf32>
        %mul3A_192 = arith.mulf %get3A_189, %mul3A_191 : vector<16xf32>
        %add3A_193 = arith.constant 0 : i32
        %add3A_194 = arith.addi %mul3A_169, %add3A_193 : i32
        %swap3A_195 = arith.index_cast %add3A_194 : i32 to index
        %swap3A_196 = arith.constant 16 : index
        %swap3A_197 = tpu.vector_load %arg11[%swap3A_195, %swap3A_196] {strides = array<i32>} : memref<128x64xf32, #tpu.memory_space<vmem>>, vector<1x16xf32>,
        %swap3A_198 = vector.shape_cast %swap3A_197 : vector<1x16xf32> to vector<16xf32>
        %swap3A_199 = vector.shape_cast %mul3A_192 : vector<16xf32> to vector<1x16xf32>
        tpu.vector_store %arg11[%swap3A_195, %swap3A_196], %swap3A_199 {strides = array<i32>} : memref<128x64xf32, #tpu.memory_space<vmem>>, vector<1x16xf32>,
        %add3A_200 = arith.constant 0 : i32
        %add3A_201 = arith.addi %mul3A_169, %add3A_200 : i32
        %get3A_202 = arith.index_cast %add3A_201 : i32 to index
        %get3A_203 = arith.constant 32 : index
        %get3A_204 = tpu.vector_load %arg7[%get3A_202, %get3A_203] {strides = array<i32>} : memref<128x64xf32, #tpu.memory_space<vmem>>, vector<1x16xf32>,
        %get3A_205 = vector.shape_cast %get3A_204 : vector<1x16xf32> to vector<16xf32>
        %mul3A_206 = arith.constant 8.000000e+00 : f32
        %mul3A_207 = vector.broadcast %mul3A_206 : f32 to vector<16xf32>
        %mul3A_208 = arith.mulf %get3A_205, %mul3A_207 : vector<16xf32>
        %add3A_209 = arith.constant 0 : i32
        %add3A_210 = arith.addi %mul3A_169, %add3A_209 : i32
        %swap3A_211 = arith.index_cast %add3A_210 : i32 to index
        %swap3A_212 = arith.constant 32 : index
        %swap3A_213 = tpu.vector_load %arg11[%swap3A_211, %swap3A_212] {strides = array<i32>} : memref<128x64xf32, #tpu.memory_space<vmem>>, vector<1x16xf32>,
        %swap3A_214 = vector.shape_cast %swap3A_213 : vector<1x16xf32> to vector<16xf32>
        %swap3A_215 = vector.shape_cast %mul3A_208 : vector<16xf32> to vector<1x16xf32>
        tpu.vector_store %arg11[%swap3A_211, %swap3A_212], %swap3A_215 {strides = array<i32>} : memref<128x64xf32, #tpu.memory_space<vmem>>, vector<1x16xf32>,
        %add3A_216 = arith.constant 0 : i32
        %add3A_217 = arith.addi %mul3A_169, %add3A_216 : i32
        %get3A_218 = arith.index_cast %add3A_217 : i32 to index
        %get3A_219 = arith.constant 48 : index
        %get3A_220 = tpu.vector_load %arg7[%get3A_218, %get3A_219] {strides = array<i32>} : memref<128x64xf32, #tpu.memory_space<vmem>>, vector<1x16xf32>,
        %get3A_221 = vector.shape_cast %get3A_220 : vector<1x16xf32> to vector<16xf32>
        %mul3A_222 = arith.constant 8.000000e+00 : f32
        %mul3A_223 = vector.broadcast %mul3A_222 : f32 to vector<16xf32>
        %mul3A_224 = arith.mulf %get3A_221, %mul3A_223 : vector<16xf32>
        %add3A_225 = arith.constant 0 : i32
        %add3A_226 = arith.addi %mul3A_169, %add3A_225 : i32
        %swap3A_227 = arith.index_cast %add3A_226 : i32 to index
        %swap3A_228 = arith.constant 48 : index
        %swap3A_229 = tpu.vector_load %arg11[%swap3A_227, %swap3A_228] {strides = array<i32>} : memref<128x64xf32, #tpu.memory_space<vmem>>, vector<1x16xf32>,
        %swap3A_230 = vector.shape_cast %swap3A_229 : vector<1x16xf32> to vector<16xf32>
        %swap3A_231 = vector.shape_cast %mul3A_224 : vector<16xf32> to vector<1x16xf32>
        tpu.vector_store %arg11[%swap3A_227, %swap3A_228], %swap3A_231 {strides = array<i32>} : memref<128x64xf32, #tpu.memory_space<vmem>>, vector<1x16xf32>,
        %add3A_232 = arith.constant 1 : i32
        %add3A_233 = arith.addi %mul3A_169, %add3A_232 : i32
        %get3A_234 = arith.index_cast %add3A_233 : i32 to index
        %get3A_235 = arith.constant 0 : index
        %get3A_236 = tpu.vector_load %arg7[%get3A_234, %get3A_235] {strides = array<i32>} : memref<128x64xf32, #tpu.memory_space<vmem>>, vector<1x16xf32>,
        %get3A_237 = vector.shape_cast %get3A_236 : vector<1x16xf32> to vector<16xf32>
        %mul3A_238 = arith.constant 8.000000e+00 : f32
        %mul3A_239 = vector.broadcast %mul3A_238 : f32 to vector<16xf32>
        %mul3A_240 = arith.mulf %get3A_237, %mul3A_239 : vector<16xf32>
        %add3A_241 = arith.constant 1 : i32
        %add3A_242 = arith.addi %mul3A_169, %add3A_241 : i32
        %swap3A_243 = arith.index_cast %add3A_242 : i32 to index
        %swap3A_244 = arith.constant 0 : index
        %swap3A_245 = tpu.vector_load %arg11[%swap3A_243, %swap3A_244] {strides = array<i32>} : memref<128x64xf32, #tpu.memory_space<vmem>>, vector<1x16xf32>,
        %swap3A_246 = vector.shape_cast %swap3A_245 : vector<1x16xf32> to vector<16xf32>
        %swap3A_247 = vector.shape_cast %mul3A_240 : vector<16xf32> to vector<1x16xf32>
        tpu.vector_store %arg11[%swap3A_243, %swap3A_244], %swap3A_247 {strides = array<i32>} : memref<128x64xf32, #tpu.memory_space<vmem>>, vector<1x16xf32>,
        %add3A_248 = arith.constant 1 : i32
        %add3A_249 = arith.addi %mul3A_169, %add3A_248 : i32
        %get3A_250 = arith.index_cast %add3A_249 : i32 to index
        %get3A_251 = arith.constant 16 : index
        %get3A_252 = tpu.vector_load %arg7[%get3A_250, %get3A_251] {strides = array<i32>} : memref<128x64xf32, #tpu.memory_space<vmem>>, vector<1x16xf32>,
        %get3A_253 = vector.shape_cast %get3A_252 : vector<1x16xf32> to vector<16xf32>
        %mul3A_254 = arith.constant 8.000000e+00 : f32
        %mul3A_255 = vector.broadcast %mul3A_254 : f32 to vector<16xf32>
        %mul3A_256 = arith.mulf %get3A_253, %mul3A_255 : vector<16xf32>
        %add3A_257 = arith.constant 1 : i32
        %add3A_258 = arith.addi %mul3A_169, %add3A_257 : i32
        %swap3A_259 = arith.index_cast %add3A_258 : i32 to index
        %swap3A_260 = arith.constant 16 : index
        %swap3A_261 = tpu.vector_load %arg11[%swap3A_259, %swap3A_260] {strides = array<i32>} : memref<128x64xf32, #tpu.memory_space<vmem>>, vector<1x16xf32>,
        %swap3A_262 = vector.shape_cast %swap3A_261 : vector<1x16xf32> to vector<16xf32>
        %swap3A_263 = vector.shape_cast %mul3A_256 : vector<16xf32> to vector<1x16xf32>
        tpu.vector_store %arg11[%swap3A_259, %swap3A_260], %swap3A_263 {strides = array<i32>} : memref<128x64xf32, #tpu.memory_space<vmem>>, vector<1x16xf32>,
        %add3A_264 = arith.constant 1 : i32
        %add3A_265 = arith.addi %mul3A_169, %add3A_264 : i32
        %get3A_266 = arith.index_cast %add3A_265 : i32 to index
        %get3A_267 = arith.constant 32 : index
        %get3A_268 = tpu.vector_load %arg7[%get3A_266, %get3A_267] {strides = array<i32>} : memref<128x64xf32, #tpu.memory_space<vmem>>, vector<1x16xf32>,
        %get3A_269 = vector.shape_cast %get3A_268 : vector<1x16xf32> to vector<16xf32>
        %mul3A_270 = arith.constant 8.000000e+00 : f32
        %mul3A_271 = vector.broadcast %mul3A_270 : f32 to vector<16xf32>
        %mul3A_272 = arith.mulf %get3A_269, %mul3A_271 : vector<16xf32>
        %add3A_273 = arith.constant 1 : i32
        %add3A_274 = arith.addi %mul3A_169, %add3A_273 : i32
        %swap3A_275 = arith.index_cast %add3A_274 : i32 to index
        %swap3A_276 = arith.constant 32 : index
        %swap3A_277 = tpu.vector_load %arg11[%swap3A_275, %swap3A_276] {strides = array<i32>} : memref<128x64xf32, #tpu.memory_space<vmem>>, vector<1x16xf32>,
        %swap3A_278 = vector.shape_cast %swap3A_277 : vector<1x16xf32> to vector<16xf32>
        %swap3A_279 = vector.shape_cast %mul3A_272 : vector<16xf32> to vector<1x16xf32>
        tpu.vector_store %arg11[%swap3A_275, %swap3A_276], %swap3A_279 {strides = array<i32>} : memref<128x64xf32, #tpu.memory_space<vmem>>, vector<1x16xf32>,
        %add3A_280 = arith.constant 1 : i32
        %add3A_281 = arith.addi %mul3A_169, %add3A_280 : i32
        %get3A_282 = arith.index_cast %add3A_281 : i32 to index
        %get3A_283 = arith.constant 48 : index
        %get3A_284 = tpu.vector_load %arg7[%get3A_282, %get3A_283] {strides = array<i32>} : memref<128x64xf32, #tpu.memory_space<vmem>>, vector<1x16xf32>,
        %get3A_285 = vector.shape_cast %get3A_284 : vector<1x16xf32> to vector<16xf32>
        %mul3A_286 = arith.constant 8.000000e+00 : f32
        %mul3A_287 = vector.broadcast %mul3A_286 : f32 to vector<16xf32>
        %mul3A_288 = arith.mulf %get3A_285, %mul3A_287 : vector<16xf32>
        %add3A_289 = arith.constant 1 : i32
        %add3A_290 = arith.addi %mul3A_169, %add3A_289 : i32
        %swap3A_291 = arith.index_cast %add3A_290 : i32 to index
        %swap3A_292 = arith.constant 48 : index
        %swap3A_293 = tpu.vector_load %arg11[%swap3A_291, %swap3A_292] {strides = array<i32>} : memref<128x64xf32, #tpu.memory_space<vmem>>, vector<1x16xf32>,
        %swap3A_294 = vector.shape_cast %swap3A_293 : vector<1x16xf32> to vector<16xf32>
        %swap3A_295 = vector.shape_cast %mul3A_288 : vector<16xf32> to vector<1x16xf32>
        tpu.vector_store %arg11[%swap3A_291, %swap3A_292], %swap3A_295 {strides = array<i32>} : memref<128x64xf32, #tpu.memory_space<vmem>>, vector<1x16xf32>,
        %add3A_296 = arith.constant 2 : i32
        %add3A_297 = arith.addi %mul3A_169, %add3A_296 : i32
        %get3A_298 = arith.index_cast %add3A_297 : i32 to index
        %get3A_299 = arith.constant 0 : index
        %get3A_300 = tpu.vector_load %arg7[%get3A_298, %get3A_299] {strides = array<i32>} : memref<128x64xf32, #tpu.memory_space<vmem>>, vector<1x16xf32>,
        %get3A_301 = vector.shape_cast %get3A_300 : vector<1x16xf32> to vector<16xf32>
        %mul3A_302 = arith.constant 8.000000e+00 : f32
        %mul3A_303 = vector.broadcast %mul3A_302 : f32 to vector<16xf32>
        %mul3A_304 = arith.mulf %get3A_301, %mul3A_303 : vector<16xf32>
        %add3A_305 = arith.constant 2 : i32
        %add3A_306 = arith.addi %mul3A_169, %add3A_305 : i32
        %swap3A_307 = arith.index_cast %add3A_306 : i32 to index
        %swap3A_308 = arith.constant 0 : index
        %swap3A_309 = tpu.vector_load %arg11[%swap3A_307, %swap3A_308] {strides = array<i32>} : memref<128x64xf32, #tpu.memory_space<vmem>>, vector<1x16xf32>,
        %swap3A_310 = vector.shape_cast %swap3A_309 : vector<1x16xf32> to vector<16xf32>
        %swap3A_311 = vector.shape_cast %mul3A_304 : vector<16xf32> to vector<1x16xf32>
        tpu.vector_store %arg11[%swap3A_307, %swap3A_308], %swap3A_311 {strides = array<i32>} : memref<128x64xf32, #tpu.memory_space<vmem>>, vector<1x16xf32>,
        %add3A_312 = arith.constant 2 : i32
        %add3A_313 = arith.addi %mul3A_169, %add3A_312 : i32
        %get3A_314 = arith.index_cast %add3A_313 : i32 to index
        %get3A_315 = arith.constant 16 : index
        %get3A_316 = tpu.vector_load %arg7[%get3A_314, %get3A_315] {strides = array<i32>} : memref<128x64xf32, #tpu.memory_space<vmem>>, vector<1x16xf32>,
        %get3A_317 = vector.shape_cast %get3A_316 : vector<1x16xf32> to vector<16xf32>
        %mul3A_318 = arith.constant 8.000000e+00 : f32
        %mul3A_319 = vector.broadcast %mul3A_318 : f32 to vector<16xf32>
        %mul3A_320 = arith.mulf %get3A_317, %mul3A_319 : vector<16xf32>
        %add3A_321 = arith.constant 2 : i32
        %add3A_322 = arith.addi %mul3A_169, %add3A_321 : i32
        %swap3A_323 = arith.index_cast %add3A_322 : i32 to index
        %swap3A_324 = arith.constant 16 : index
        %swap3A_325 = tpu.vector_load %arg11[%swap3A_323, %swap3A_324] {strides = array<i32>} : memref<128x64xf32, #tpu.memory_space<vmem>>, vector<1x16xf32>,
        %swap3A_326 = vector.shape_cast %swap3A_325 : vector<1x16xf32> to vector<16xf32>
        %swap3A_327 = vector.shape_cast %mul3A_320 : vector<16xf32> to vector<1x16xf32>
        tpu.vector_store %arg11[%swap3A_323, %swap3A_324], %swap3A_327 {strides = array<i32>} : memref<128x64xf32, #tpu.memory_space<vmem>>, vector<1x16xf32>,
        %add3A_328 = arith.constant 2 : i32
        %add3A_329 = arith.addi %mul3A_169, %add3A_328 : i32
        %get3A_330 = arith.index_cast %add3A_329 : i32 to index
        %get3A_331 = arith.constant 32 : index
        %get3A_332 = tpu.vector_load %arg7[%get3A_330, %get3A_331] {strides = array<i32>} : memref<128x64xf32, #tpu.memory_space<vmem>>, vector<1x16xf32>,
        %get3A_333 = vector.shape_cast %get3A_332 : vector<1x16xf32> to vector<16xf32>
        %mul3A_334 = arith.constant 8.000000e+00 : f32
        %mul3A_335 = vector.broadcast %mul3A_334 : f32 to vector<16xf32>
        %mul3A_336 = arith.mulf %get3A_333, %mul3A_335 : vector<16xf32>
        %add3A_337 = arith.constant 2 : i32
        %add3A_338 = arith.addi %mul3A_169, %add3A_337 : i32
        %swap3A_339 = arith.index_cast %add3A_338 : i32 to index
        %swap3A_340 = arith.constant 32 : index
        %swap3A_341 = tpu.vector_load %arg11[%swap3A_339, %swap3A_340] {strides = array<i32>} : memref<128x64xf32, #tpu.memory_space<vmem>>, vector<1x16xf32>,
        %swap3A_342 = vector.shape_cast %swap3A_341 : vector<1x16xf32> to vector<16xf32>
        %swap3A_343 = vector.shape_cast %mul3A_336 : vector<16xf32> to vector<1x16xf32>
        tpu.vector_store %arg11[%swap3A_339, %swap3A_340], %swap3A_343 {strides = array<i32>} : memref<128x64xf32, #tpu.memory_space<vmem>>, vector<1x16xf32>,
        %add3A_344 = arith.constant 2 : i32
        %add3A_345 = arith.addi %mul3A_169, %add3A_344 : i32
        %get3A_346 = arith.index_cast %add3A_345 : i32 to index
        %get3A_347 = arith.constant 48 : index
        %get3A_348 = tpu.vector_load %arg7[%get3A_346, %get3A_347] {strides = array<i32>} : memref<128x64xf32, #tpu.memory_space<vmem>>, vector<1x16xf32>,
        %get3A_349 = vector.shape_cast %get3A_348 : vector<1x16xf32> to vector<16xf32>
        %mul3A_350 = arith.constant 8.000000e+00 : f32
        %mul3A_351 = vector.broadcast %mul3A_350 : f32 to vector<16xf32>
        %mul3A_352 = arith.mulf %get3A_349, %mul3A_351 : vector<16xf32>
        %add3A_353 = arith.constant 2 : i32
        %add3A_354 = arith.addi %mul3A_169, %add3A_353 : i32
        %swap3A_355 = arith.index_cast %add3A_354 : i32 to index
        %swap3A_356 = arith.constant 48 : index
        %swap3A_357 = tpu.vector_load %arg11[%swap3A_355, %swap3A_356] {strides = array<i32>} : memref<128x64xf32, #tpu.memory_space<vmem>>, vector<1x16xf32>,
        %swap3A_358 = vector.shape_cast %swap3A_357 : vector<1x16xf32> to vector<16xf32>
        %swap3A_359 = vector.shape_cast %mul3A_352 : vector<16xf32> to vector<1x16xf32>
        tpu.vector_store %arg11[%swap3A_355, %swap3A_356], %swap3A_359 {strides = array<i32>} : memref<128x64xf32, #tpu.memory_space<vmem>>, vector<1x16xf32>,
        %add3A_360 = arith.constant 3 : i32
        %add3A_361 = arith.addi %mul3A_169, %add3A_360 : i32
        %get3A_362 = arith.index_cast %add3A_361 : i32 to index
        %get3A_363 = arith.constant 0 : index
        %get3A_364 = tpu.vector_load %arg7[%get3A_362, %get3A_363] {strides = array<i32>} : memref<128x64xf32, #tpu.memory_space<vmem>>, vector<1x16xf32>,
        %get3A_365 = vector.shape_cast %get3A_364 : vector<1x16xf32> to vector<16xf32>
        %mul3A_366 = arith.constant 8.000000e+00 : f32
        %mul3A_367 = vector.broadcast %mul3A_366 : f32 to vector<16xf32>
        %mul3A_368 = arith.mulf %get3A_365, %mul3A_367 : vector<16xf32>
        %add3A_369 = arith.constant 3 : i32
        %add3A_370 = arith.addi %mul3A_169, %add3A_369 : i32
        %swap3A_371 = arith.index_cast %add3A_370 : i32 to index
        %swap3A_372 = arith.constant 0 : index
        %swap3A_373 = tpu.vector_load %arg11[%swap3A_371, %swap3A_372] {strides = array<i32>} : memref<128x64xf32, #tpu.memory_space<vmem>>, vector<1x16xf32>,
        %swap3A_374 = vector.shape_cast %swap3A_373 : vector<1x16xf32> to vector<16xf32>
        %swap3A_375 = vector.shape_cast %mul3A_368 : vector<16xf32> to vector<1x16xf32>
        tpu.vector_store %arg11[%swap3A_371, %swap3A_372], %swap3A_375 {strides = array<i32>} : memref<128x64xf32, #tpu.memory_space<vmem>>, vector<1x16xf32>,
        %add3A_376 = arith.constant 3 : i32
        %add3A_377 = arith.addi %mul3A_169, %add3A_376 : i32
        %get3A_378 = arith.index_cast %add3A_377 : i32 to index
        %get3A_379 = arith.constant 16 : index
        %get3A_380 = tpu.vector_load %arg7[%get3A_378, %get3A_379] {strides = array<i32>} : memref<128x64xf32, #tpu.memory_space<vmem>>, vector<1x16xf32>,
        %get3A_381 = vector.shape_cast %get3A_380 : vector<1x16xf32> to vector<16xf32>
        %mul3A_382 = arith.constant 8.000000e+00 : f32
        %mul3A_383 = vector.broadcast %mul3A_382 : f32 to vector<16xf32>
        %mul3A_384 = arith.mulf %get3A_381, %mul3A_383 : vector<16xf32>
        %add3A_385 = arith.constant 3 : i32
        %add3A_386 = arith.addi %mul3A_169, %add3A_385 : i32
        %swap3A_387 = arith.index_cast %add3A_386 : i32 to index
        %swap3A_388 = arith.constant 16 : index
        %swap3A_389 = tpu.vector_load %arg11[%swap3A_387, %swap3A_388] {strides = array<i32>} : memref<128x64xf32, #tpu.memory_space<vmem>>, vector<1x16xf32>,
        %swap3A_390 = vector.shape_cast %swap3A_389 : vector<1x16xf32> to vector<16xf32>
        %swap3A_391 = vector.shape_cast %mul3A_384 : vector<16xf32> to vector<1x16xf32>
        tpu.vector_store %arg11[%swap3A_387, %swap3A_388], %swap3A_391 {strides = array<i32>} : memref<128x64xf32, #tpu.memory_space<vmem>>, vector<1x16xf32>,
        %add3A_392 = arith.constant 3 : i32
        %add3A_393 = arith.addi %mul3A_169, %add3A_392 : i32
        %get3A_394 = arith.index_cast %add3A_393 : i32 to index
        %get3A_395 = arith.constant 32 : index
        %get3A_396 = tpu.vector_load %arg7[%get3A_394, %get3A_395] {strides = array<i32>} : memref<128x64xf32, #tpu.memory_space<vmem>>, vector<1x16xf32>,
        %get3A_397 = vector.shape_cast %get3A_396 : vector<1x16xf32> to vector<16xf32>
        %mul3A_398 = arith.constant 8.000000e+00 : f32
        %mul3A_399 = vector.broadcast %mul3A_398 : f32 to vector<16xf32>
        %mul3A_400 = arith.mulf %get3A_397, %mul3A_399 : vector<16xf32>
        %add3A_401 = arith.constant 3 : i32
        %add3A_402 = arith.addi %mul3A_169, %add3A_401 : i32
        %swap3A_403 = arith.index_cast %add3A_402 : i32 to index
        %swap3A_404 = arith.constant 32 : index
        %swap3A_405 = tpu.vector_load %arg11[%swap3A_403, %swap3A_404] {strides = array<i32>} : memref<128x64xf32, #tpu.memory_space<vmem>>, vector<1x16xf32>,
        %swap3A_406 = vector.shape_cast %swap3A_405 : vector<1x16xf32> to vector<16xf32>
        %swap3A_407 = vector.shape_cast %mul3A_400 : vector<16xf32> to vector<1x16xf32>
        tpu.vector_store %arg11[%swap3A_403, %swap3A_404], %swap3A_407 {strides = array<i32>} : memref<128x64xf32, #tpu.memory_space<vmem>>, vector<1x16xf32>,
        %add3A_408 = arith.constant 3 : i32
        %add3A_409 = arith.addi %mul3A_169, %add3A_408 : i32
        %get3A_410 = arith.index_cast %add3A_409 : i32 to index
        %get3A_411 = arith.constant 48 : index
        %get3A_412 = tpu.vector_load %arg7[%get3A_410, %get3A_411] {strides = array<i32>} : memref<128x64xf32, #tpu.memory_space<vmem>>, vector<1x16xf32>,
        %get3A_413 = vector.shape_cast %get3A_412 : vector<1x16xf32> to vector<16xf32>
        %mul3A_414 = arith.constant 8.000000e+00 : f32
        %mul3A_415 = vector.broadcast %mul3A_414 : f32 to vector<16xf32>
        %mul3A_416 = arith.mulf %get3A_413, %mul3A_415 : vector<16xf32>
        %add3A_417 = arith.constant 3 : i32
        %add3A_418 = arith.addi %mul3A_169, %add3A_417 : i32
        %swap3A_419 = arith.index_cast %add3A_418 : i32 to index
        %swap3A_420 = arith.constant 48 : index
        %swap3A_421 = tpu.vector_load %arg11[%swap3A_419, %swap3A_420] {strides = array<i32>} : memref<128x64xf32, #tpu.memory_space<vmem>>, vector<1x16xf32>,
        %swap3A_422 = vector.shape_cast %swap3A_421 : vector<1x16xf32> to vector<16xf32>
        %swap3A_423 = vector.shape_cast %mul3A_416 : vector<16xf32> to vector<1x16xf32>
        tpu.vector_store %arg11[%swap3A_419, %swap3A_420], %swap3A_423 {strides = array<i32>} : memref<128x64xf32, #tpu.memory_space<vmem>>, vector<1x16xf32>,
        %add3A_424 = arith.constant 4 : i32
        %add3A_425 = arith.addi %mul3A_169, %add3A_424 : i32
        %get3A_426 = arith.index_cast %add3A_425 : i32 to index
        %get3A_427 = arith.constant 0 : index
        %get3A_428 = tpu.vector_load %arg7[%get3A_426, %get3A_427] {strides = array<i32>} : memref<128x64xf32, #tpu.memory_space<vmem>>, vector<1x16xf32>,
        %get3A_429 = vector.shape_cast %get3A_428 : vector<1x16xf32> to vector<16xf32>
        %mul3A_430 = arith.constant 8.000000e+00 : f32
        %mul3A_431 = vector.broadcast %mul3A_430 : f32 to vector<16xf32>
        %mul3A_432 = arith.mulf %get3A_429, %mul3A_431 : vector<16xf32>
        %add3A_433 = arith.constant 4 : i32
        %add3A_434 = arith.addi %mul3A_169, %add3A_433 : i32
        %swap3A_435 = arith.index_cast %add3A_434 : i32 to index
        %swap3A_436 = arith.constant 0 : index
        %swap3A_437 = tpu.vector_load %arg11[%swap3A_435, %swap3A_436] {strides = array<i32>} : memref<128x64xf32, #tpu.memory_space<vmem>>, vector<1x16xf32>,
        %swap3A_438 = vector.shape_cast %swap3A_437 : vector<1x16xf32> to vector<16xf32>
        %swap3A_439 = vector.shape_cast %mul3A_432 : vector<16xf32> to vector<1x16xf32>
        tpu.vector_store %arg11[%swap3A_435, %swap3A_436], %swap3A_439 {strides = array<i32>} : memref<128x64xf32, #tpu.memory_space<vmem>>, vector<1x16xf32>,
        %add3A_440 = arith.constant 4 : i32
        %add3A_441 = arith.addi %mul3A_169, %add3A_440 : i32
        %get3A_442 = arith.index_cast %add3A_441 : i32 to index
        %get3A_443 = arith.constant 16 : index
        %get3A_444 = tpu.vector_load %arg7[%get3A_442, %get3A_443] {strides = array<i32>} : memref<128x64xf32, #tpu.memory_space<vmem>>, vector<1x16xf32>,
        %get3A_445 = vector.shape_cast %get3A_444 : vector<1x16xf32> to vector<16xf32>
        %mul3A_446 = arith.constant 8.000000e+00 : f32
        %mul3A_447 = vector.broadcast %mul3A_446 : f32 to vector<16xf32>
        %mul3A_448 = arith.mulf %get3A_445, %mul3A_447 : vector<16xf32>
        %add3A_449 = arith.constant 4 : i32
        %add3A_450 = arith.addi %mul3A_169, %add3A_449 : i32
        %swap3A_451 = arith.index_cast %add3A_450 : i32 to index
        %swap3A_452 = arith.constant 16 : index
        %swap3A_453 = tpu.vector_load %arg11[%swap3A_451, %swap3A_452] {strides = array<i32>} : memref<128x64xf32, #tpu.memory_space<vmem>>, vector<1x16xf32>,
        %swap3A_454 = vector.shape_cast %swap3A_453 : vector<1x16xf32> to vector<16xf32>
        %swap3A_455 = vector.shape_cast %mul3A_448 : vector<16xf32> to vector<1x16xf32>
        tpu.vector_store %arg11[%swap3A_451, %swap3A_452], %swap3A_455 {strides = array<i32>} : memref<128x64xf32, #tpu.memory_space<vmem>>, vector<1x16xf32>,
        %add3A_456 = arith.constant 4 : i32
        %add3A_457 = arith.addi %mul3A_169, %add3A_456 : i32
        %get3A_458 = arith.index_cast %add3A_457 : i32 to index
        %get3A_459 = arith.constant 32 : index
        %get3A_460 = tpu.vector_load %arg7[%get3A_458, %get3A_459] {strides = array<i32>} : memref<128x64xf32, #tpu.memory_space<vmem>>, vector<1x16xf32>,
        %get3A_461 = vector.shape_cast %get3A_460 : vector<1x16xf32> to vector<16xf32>
        %mul3A_462 = arith.constant 8.000000e+00 : f32
        %mul3A_463 = vector.broadcast %mul3A_462 : f32 to vector<16xf32>
        %mul3A_464 = arith.mulf %get3A_461, %mul3A_463 : vector<16xf32>
        %add3A_465 = arith.constant 4 : i32
        %add3A_466 = arith.addi %mul3A_169, %add3A_465 : i32
        %swap3A_467 = arith.index_cast %add3A_466 : i32 to index
        %swap3A_468 = arith.constant 32 : index
        %swap3A_469 = tpu.vector_load %arg11[%swap3A_467, %swap3A_468] {strides = array<i32>} : memref<128x64xf32, #tpu.memory_space<vmem>>, vector<1x16xf32>,
        %swap3A_470 = vector.shape_cast %swap3A_469 : vector<1x16xf32> to vector<16xf32>
        %swap3A_471 = vector.shape_cast %mul3A_464 : vector<16xf32> to vector<1x16xf32>
        tpu.vector_store %arg11[%swap3A_467, %swap3A_468], %swap3A_471 {strides = array<i32>} : memref<128x64xf32, #tpu.memory_space<vmem>>, vector<1x16xf32>,
        %add3A_472 = arith.constant 4 : i32
        %add3A_473 = arith.addi %mul3A_169, %add3A_472 : i32
        %get3A_474 = arith.index_cast %add3A_473 : i32 to index
        %get3A_475 = arith.constant 48 : index
        %get3A_476 = tpu.vector_load %arg7[%get3A_474, %get3A_475] {strides = array<i32>} : memref<128x64xf32, #tpu.memory_space<vmem>>, vector<1x16xf32>,
        %get3A_477 = vector.shape_cast %get3A_476 : vector<1x16xf32> to vector<16xf32>
        %mul3A_478 = arith.constant 8.000000e+00 : f32
        %mul3A_479 = vector.broadcast %mul3A_478 : f32 to vector<16xf32>
        %mul3A_480 = arith.mulf %get3A_477, %mul3A_479 : vector<16xf32>
        %add3A_481 = arith.constant 4 : i32
        %add3A_482 = arith.addi %mul3A_169, %add3A_481 : i32
        %swap3A_483 = arith.index_cast %add3A_482 : i32 to index
        %swap3A_484 = arith.constant 48 : index
        %swap3A_485 = tpu.vector_load %arg11[%swap3A_483, %swap3A_484] {strides = array<i32>} : memref<128x64xf32, #tpu.memory_space<vmem>>, vector<1x16xf32>,
        %swap3A_486 = vector.shape_cast %swap3A_485 : vector<1x16xf32> to vector<16xf32>
        %swap3A_487 = vector.shape_cast %mul3A_480 : vector<16xf32> to vector<1x16xf32>
        tpu.vector_store %arg11[%swap3A_483, %swap3A_484], %swap3A_487 {strides = array<i32>} : memref<128x64xf32, #tpu.memory_space<vmem>>, vector<1x16xf32>,
        %add3A_488 = arith.constant 5 : i32
        %add3A_489 = arith.addi %mul3A_169, %add3A_488 : i32
        %get3A_490 = arith.index_cast %add3A_489 : i32 to index
        %get3A_491 = arith.constant 0 : index
        %get3A_492 = tpu.vector_load %arg7[%get3A_490, %get3A_491] {strides = array<i32>} : memref<128x64xf32, #tpu.memory_space<vmem>>, vector<1x16xf32>,
        %get3A_493 = vector.shape_cast %get3A_492 : vector<1x16xf32> to vector<16xf32>
        %mul3A_494 = arith.constant 8.000000e+00 : f32
        %mul3A_495 = vector.broadcast %mul3A_494 : f32 to vector<16xf32>
        %mul3A_496 = arith.mulf %get3A_493, %mul3A_495 : vector<16xf32>
        %add3A_497 = arith.constant 5 : i32
        %add3A_498 = arith.addi %mul3A_169, %add3A_497 : i32
        %swap3A_499 = arith.index_cast %add3A_498 : i32 to index
        %swap3A_500 = arith.constant 0 : index
        %swap3A_501 = tpu.vector_load %arg11[%swap3A_499, %swap3A_500] {strides = array<i32>} : memref<128x64xf32, #tpu.memory_space<vmem>>, vector<1x16xf32>,
        %swap3A_502 = vector.shape_cast %swap3A_501 : vector<1x16xf32> to vector<16xf32>
        %swap3A_503 = vector.shape_cast %mul3A_496 : vector<16xf32> to vector<1x16xf32>
        tpu.vector_store %arg11[%swap3A_499, %swap3A_500], %swap3A_503 {strides = array<i32>} : memref<128x64xf32, #tpu.memory_space<vmem>>, vector<1x16xf32>,
        %add3A_504 = arith.constant 5 : i32
        %add3A_505 = arith.addi %mul3A_169, %add3A_504 : i32
        %get3A_506 = arith.index_cast %add3A_505 : i32 to index
        %get3A_507 = arith.constant 16 : index
        %get3A_508 = tpu.vector_load %arg7[%get3A_506, %get3A_507] {strides = array<i32>} : memref<128x64xf32, #tpu.memory_space<vmem>>, vector<1x16xf32>,
        %get3A_509 = vector.shape_cast %get3A_508 : vector<1x16xf32> to vector<16xf32>
        %mul3A_510 = arith.constant 8.000000e+00 : f32
        %mul3A_511 = vector.broadcast %mul3A_510 : f32 to vector<16xf32>
        %mul3A_512 = arith.mulf %get3A_509, %mul3A_511 : vector<16xf32>
        %add3A_513 = arith.constant 5 : i32
        %add3A_514 = arith.addi %mul3A_169, %add3A_513 : i32
        %swap3A_515 = arith.index_cast %add3A_514 : i32 to index
        %swap3A_516 = arith.constant 16 : index
        %swap3A_517 = tpu.vector_load %arg11[%swap3A_515, %swap3A_516] {strides = array<i32>} : memref<128x64xf32, #tpu.memory_space<vmem>>, vector<1x16xf32>,
        %swap3A_518 = vector.shape_cast %swap3A_517 : vector<1x16xf32> to vector<16xf32>
        %swap3A_519 = vector.shape_cast %mul3A_512 : vector<16xf32> to vector<1x16xf32>
        tpu.vector_store %arg11[%swap3A_515, %swap3A_516], %swap3A_519 {strides = array<i32>} : memref<128x64xf32, #tpu.memory_space<vmem>>, vector<1x16xf32>,
        %add3A_520 = arith.constant 5 : i32
        %add3A_521 = arith.addi %mul3A_169, %add3A_520 : i32
        %get3A_522 = arith.index_cast %add3A_521 : i32 to index
        %get3A_523 = arith.constant 32 : index
        %get3A_524 = tpu.vector_load %arg7[%get3A_522, %get3A_523] {strides = array<i32>} : memref<128x64xf32, #tpu.memory_space<vmem>>, vector<1x16xf32>,
        %get3A_525 = vector.shape_cast %get3A_524 : vector<1x16xf32> to vector<16xf32>
        %mul3A_526 = arith.constant 8.000000e+00 : f32
        %mul3A_527 = vector.broadcast %mul3A_526 : f32 to vector<16xf32>
        %mul3A_528 = arith.mulf %get3A_525, %mul3A_527 : vector<16xf32>
        %add3A_529 = arith.constant 5 : i32
        %add3A_530 = arith.addi %mul3A_169, %add3A_529 : i32
        %swap3A_531 = arith.index_cast %add3A_530 : i32 to index
        %swap3A_532 = arith.constant 32 : index
        %swap3A_533 = tpu.vector_load %arg11[%swap3A_531, %swap3A_532] {strides = array<i32>} : memref<128x64xf32, #tpu.memory_space<vmem>>, vector<1x16xf32>,
        %swap3A_534 = vector.shape_cast %swap3A_533 : vector<1x16xf32> to vector<16xf32>
        %swap3A_535 = vector.shape_cast %mul3A_528 : vector<16xf32> to vector<1x16xf32>
        tpu.vector_store %arg11[%swap3A_531, %swap3A_532], %swap3A_535 {strides = array<i32>} : memref<128x64xf32, #tpu.memory_space<vmem>>, vector<1x16xf32>,
        %add3A_536 = arith.constant 5 : i32
        %add3A_537 = arith.addi %mul3A_169, %add3A_536 : i32
        %get3A_538 = arith.index_cast %add3A_537 : i32 to index
        %get3A_539 = arith.constant 48 : index
        %get3A_540 = tpu.vector_load %arg7[%get3A_538, %get3A_539] {strides = array<i32>} : memref<128x64xf32, #tpu.memory_space<vmem>>, vector<1x16xf32>,
        %get3A_541 = vector.shape_cast %get3A_540 : vector<1x16xf32> to vector<16xf32>
        %mul3A_542 = arith.constant 8.000000e+00 : f32
        %mul3A_543 = vector.broadcast %mul3A_542 : f32 to vector<16xf32>
        %mul3A_544 = arith.mulf %get3A_541, %mul3A_543 : vector<16xf32>
        %add3A_545 = arith.constant 5 : i32
        %add3A_546 = arith.addi %mul3A_169, %add3A_545 : i32
        %swap3A_547 = arith.index_cast %add3A_546 : i32 to index
        %swap3A_548 = arith.constant 48 : index
        %swap3A_549 = tpu.vector_load %arg11[%swap3A_547, %swap3A_548] {strides = array<i32>} : memref<128x64xf32, #tpu.memory_space<vmem>>, vector<1x16xf32>,
        %swap3A_550 = vector.shape_cast %swap3A_549 : vector<1x16xf32> to vector<16xf32>
        %swap3A_551 = vector.shape_cast %mul3A_544 : vector<16xf32> to vector<1x16xf32>
        tpu.vector_store %arg11[%swap3A_547, %swap3A_548], %swap3A_551 {strides = array<i32>} : memref<128x64xf32, #tpu.memory_space<vmem>>, vector<1x16xf32>,
        %add3A_552 = arith.constant 6 : i32
        %add3A_553 = arith.addi %mul3A_169, %add3A_552 : i32
        %get3A_554 = arith.index_cast %add3A_553 : i32 to index
        %get3A_555 = arith.constant 0 : index
        %get3A_556 = tpu.vector_load %arg7[%get3A_554, %get3A_555] {strides = array<i32>} : memref<128x64xf32, #tpu.memory_space<vmem>>, vector<1x16xf32>,
        %get3A_557 = vector.shape_cast %get3A_556 : vector<1x16xf32> to vector<16xf32>
        %mul3A_558 = arith.constant 8.000000e+00 : f32
        %mul3A_559 = vector.broadcast %mul3A_558 : f32 to vector<16xf32>
        %mul3A_560 = arith.mulf %get3A_557, %mul3A_559 : vector<16xf32>
        %add3A_561 = arith.constant 6 : i32
        %add3A_562 = arith.addi %mul3A_169, %add3A_561 : i32
        %swap3A_563 = arith.index_cast %add3A_562 : i32 to index
        %swap3A_564 = arith.constant 0 : index
        %swap3A_565 = tpu.vector_load %arg11[%swap3A_563, %swap3A_564] {strides = array<i32>} : memref<128x64xf32, #tpu.memory_space<vmem>>, vector<1x16xf32>,
        %swap3A_566 = vector.shape_cast %swap3A_565 : vector<1x16xf32> to vector<16xf32>
        %swap3A_567 = vector.shape_cast %mul3A_560 : vector<16xf32> to vector<1x16xf32>
        tpu.vector_store %arg11[%swap3A_563, %swap3A_564], %swap3A_567 {strides = array<i32>} : memref<128x64xf32, #tpu.memory_space<vmem>>, vector<1x16xf32>,
        %add3A_568 = arith.constant 6 : i32
        %add3A_569 = arith.addi %mul3A_169, %add3A_568 : i32
        %get3A_570 = arith.index_cast %add3A_569 : i32 to index
        %get3A_571 = arith.constant 16 : index
        %get3A_572 = tpu.vector_load %arg7[%get3A_570, %get3A_571] {strides = array<i32>} : memref<128x64xf32, #tpu.memory_space<vmem>>, vector<1x16xf32>,
        %get3A_573 = vector.shape_cast %get3A_572 : vector<1x16xf32> to vector<16xf32>
        %mul3A_574 = arith.constant 8.000000e+00 : f32
        %mul3A_575 = vector.broadcast %mul3A_574 : f32 to vector<16xf32>
        %mul3A_576 = arith.mulf %get3A_573, %mul3A_575 : vector<16xf32>
        %add3A_577 = arith.constant 6 : i32
        %add3A_578 = arith.addi %mul3A_169, %add3A_577 : i32
        %swap3A_579 = arith.index_cast %add3A_578 : i32 to index
        %swap3A_580 = arith.constant 16 : index
        %swap3A_581 = tpu.vector_load %arg11[%swap3A_579, %swap3A_580] {strides = array<i32>} : memref<128x64xf32, #tpu.memory_space<vmem>>, vector<1x16xf32>,
        %swap3A_582 = vector.shape_cast %swap3A_581 : vector<1x16xf32> to vector<16xf32>
        %swap3A_583 = vector.shape_cast %mul3A_576 : vector<16xf32> to vector<1x16xf32>
        tpu.vector_store %arg11[%swap3A_579, %swap3A_580], %swap3A_583 {strides = array<i32>} : memref<128x64xf32, #tpu.memory_space<vmem>>, vector<1x16xf32>,
        %add3A_584 = arith.constant 6 : i32
        %add3A_585 = arith.addi %mul3A_169, %add3A_584 : i32
        %get3A_586 = arith.index_cast %add3A_585 : i32 to index
        %get3A_587 = arith.constant 32 : index
        %get3A_588 = tpu.vector_load %arg7[%get3A_586, %get3A_587] {strides = array<i32>} : memref<128x64xf32, #tpu.memory_space<vmem>>, vector<1x16xf32>,
        %get3A_589 = vector.shape_cast %get3A_588 : vector<1x16xf32> to vector<16xf32>
        %mul3A_590 = arith.constant 8.000000e+00 : f32
        %mul3A_591 = vector.broadcast %mul3A_590 : f32 to vector<16xf32>
        %mul3A_592 = arith.mulf %get3A_589, %mul3A_591 : vector<16xf32>
        %add3A_593 = arith.constant 6 : i32
        %add3A_594 = arith.addi %mul3A_169, %add3A_593 : i32
        %swap3A_595 = arith.index_cast %add3A_594 : i32 to index
        %swap3A_596 = arith.constant 32 : index
        %swap3A_597 = tpu.vector_load %arg11[%swap3A_595, %swap3A_596] {strides = array<i32>} : memref<128x64xf32, #tpu.memory_space<vmem>>, vector<1x16xf32>,
        %swap3A_598 = vector.shape_cast %swap3A_597 : vector<1x16xf32> to vector<16xf32>
        %swap3A_599 = vector.shape_cast %mul3A_592 : vector<16xf32> to vector<1x16xf32>
        tpu.vector_store %arg11[%swap3A_595, %swap3A_596], %swap3A_599 {strides = array<i32>} : memref<128x64xf32, #tpu.memory_space<vmem>>, vector<1x16xf32>,
        %add3A_600 = arith.constant 6 : i32
        %add3A_601 = arith.addi %mul3A_169, %add3A_600 : i32
        %get3A_602 = arith.index_cast %add3A_601 : i32 to index
        %get3A_603 = arith.constant 48 : index
        %get3A_604 = tpu.vector_load %arg7[%get3A_602, %get3A_603] {strides = array<i32>} : memref<128x64xf32, #tpu.memory_space<vmem>>, vector<1x16xf32>,
        %get3A_605 = vector.shape_cast %get3A_604 : vector<1x16xf32> to vector<16xf32>
        %mul3A_606 = arith.constant 8.000000e+00 : f32
        %mul3A_607 = vector.broadcast %mul3A_606 : f32 to vector<16xf32>
        %mul3A_608 = arith.mulf %get3A_605, %mul3A_607 : vector<16xf32>
        %add3A_609 = arith.constant 6 : i32
        %add3A_610 = arith.addi %mul3A_169, %add3A_609 : i32
        %swap3A_611 = arith.index_cast %add3A_610 : i32 to index
        %swap3A_612 = arith.constant 48 : index
        %swap3A_613 = tpu.vector_load %arg11[%swap3A_611, %swap3A_612] {strides = array<i32>} : memref<128x64xf32, #tpu.memory_space<vmem>>, vector<1x16xf32>,
        %swap3A_614 = vector.shape_cast %swap3A_613 : vector<1x16xf32> to vector<16xf32>
        %swap3A_615 = vector.shape_cast %mul3A_608 : vector<16xf32> to vector<1x16xf32>
        tpu.vector_store %arg11[%swap3A_611, %swap3A_612], %swap3A_615 {strides = array<i32>} : memref<128x64xf32, #tpu.memory_space<vmem>>, vector<1x16xf32>,
        %add3A_616 = arith.constant 7 : i32
        %add3A_617 = arith.addi %mul3A_169, %add3A_616 : i32
        %get3A_618 = arith.index_cast %add3A_617 : i32 to index
        %get3A_619 = arith.constant 0 : index
        %get3A_620 = tpu.vector_load %arg7[%get3A_618, %get3A_619] {strides = array<i32>} : memref<128x64xf32, #tpu.memory_space<vmem>>, vector<1x16xf32>,
        %get3A_621 = vector.shape_cast %get3A_620 : vector<1x16xf32> to vector<16xf32>
        %mul3A_622 = arith.constant 8.000000e+00 : f32
        %mul3A_623 = vector.broadcast %mul3A_622 : f32 to vector<16xf32>
        %mul3A_624 = arith.mulf %get3A_621, %mul3A_623 : vector<16xf32>
        %add3A_625 = arith.constant 7 : i32
        %add3A_626 = arith.addi %mul3A_169, %add3A_625 : i32
        %swap3A_627 = arith.index_cast %add3A_626 : i32 to index
        %swap3A_628 = arith.constant 0 : index
        %swap3A_629 = tpu.vector_load %arg11[%swap3A_627, %swap3A_628] {strides = array<i32>} : memref<128x64xf32, #tpu.memory_space<vmem>>, vector<1x16xf32>,
        %swap3A_630 = vector.shape_cast %swap3A_629 : vector<1x16xf32> to vector<16xf32>
        %swap3A_631 = vector.shape_cast %mul3A_624 : vector<16xf32> to vector<1x16xf32>
        tpu.vector_store %arg11[%swap3A_627, %swap3A_628], %swap3A_631 {strides = array<i32>} : memref<128x64xf32, #tpu.memory_space<vmem>>, vector<1x16xf32>,
        %add3A_632 = arith.constant 7 : i32
        %add3A_633 = arith.addi %mul3A_169, %add3A_632 : i32
        %get3A_634 = arith.index_cast %add3A_633 : i32 to index
        %get3A_635 = arith.constant 16 : index
        %get3A_636 = tpu.vector_load %arg7[%get3A_634, %get3A_635] {strides = array<i32>} : memref<128x64xf32, #tpu.memory_space<vmem>>, vector<1x16xf32>,
        %get3A_637 = vector.shape_cast %get3A_636 : vector<1x16xf32> to vector<16xf32>
        %mul3A_638 = arith.constant 8.000000e+00 : f32
        %mul3A_639 = vector.broadcast %mul3A_638 : f32 to vector<16xf32>
        %mul3A_640 = arith.mulf %get3A_637, %mul3A_639 : vector<16xf32>
        %add3A_641 = arith.constant 7 : i32
        %add3A_642 = arith.addi %mul3A_169, %add3A_641 : i32
        %swap3A_643 = arith.index_cast %add3A_642 : i32 to index
        %swap3A_644 = arith.constant 16 : index
        %swap3A_645 = tpu.vector_load %arg11[%swap3A_643, %swap3A_644] {strides = array<i32>} : memref<128x64xf32, #tpu.memory_space<vmem>>, vector<1x16xf32>,
        %swap3A_646 = vector.shape_cast %swap3A_645 : vector<1x16xf32> to vector<16xf32>
        %swap3A_647 = vector.shape_cast %mul3A_640 : vector<16xf32> to vector<1x16xf32>
        tpu.vector_store %arg11[%swap3A_643, %swap3A_644], %swap3A_647 {strides = array<i32>} : memref<128x64xf32, #tpu.memory_space<vmem>>, vector<1x16xf32>,
        %add3A_648 = arith.constant 7 : i32
        %add3A_649 = arith.addi %mul3A_169, %add3A_648 : i32
        %get3A_650 = arith.index_cast %add3A_649 : i32 to index
        %get3A_651 = arith.constant 32 : index
        %get3A_652 = tpu.vector_load %arg7[%get3A_650, %get3A_651] {strides = array<i32>} : memref<128x64xf32, #tpu.memory_space<vmem>>, vector<1x16xf32>,
        %get3A_653 = vector.shape_cast %get3A_652 : vector<1x16xf32> to vector<16xf32>
        %mul3A_654 = arith.constant 8.000000e+00 : f32
        %mul3A_655 = vector.broadcast %mul3A_654 : f32 to vector<16xf32>
        %mul3A_656 = arith.mulf %get3A_653, %mul3A_655 : vector<16xf32>
        %add3A_657 = arith.constant 7 : i32
        %add3A_658 = arith.addi %mul3A_169, %add3A_657 : i32
        %swap3A_659 = arith.index_cast %add3A_658 : i32 to index
        %swap3A_660 = arith.constant 32 : index
        %swap3A_661 = tpu.vector_load %arg11[%swap3A_659, %swap3A_660] {strides = array<i32>} : memref<128x64xf32, #tpu.memory_space<vmem>>, vector<1x16xf32>,
        %swap3A_662 = vector.shape_cast %swap3A_661 : vector<1x16xf32> to vector<16xf32>
        %swap3A_663 = vector.shape_cast %mul3A_656 : vector<16xf32> to vector<1x16xf32>
        tpu.vector_store %arg11[%swap3A_659, %swap3A_660], %swap3A_663 {strides = array<i32>} : memref<128x64xf32, #tpu.memory_space<vmem>>, vector<1x16xf32>,
        %add3A_664 = arith.constant 7 : i32
        %add3A_665 = arith.addi %mul3A_169, %add3A_664 : i32
        %get3A_666 = arith.index_cast %add3A_665 : i32 to index
        %get3A_667 = arith.constant 48 : index
        %get3A_668 = tpu.vector_load %arg7[%get3A_666, %get3A_667] {strides = array<i32>} : memref<128x64xf32, #tpu.memory_space<vmem>>, vector<1x16xf32>,
        %get3A_669 = vector.shape_cast %get3A_668 : vector<1x16xf32> to vector<16xf32>
        %mul3A_670 = arith.constant 8.000000e+00 : f32
        %mul3A_671 = vector.broadcast %mul3A_670 : f32 to vector<16xf32>
        %mul3A_672 = arith.mulf %get3A_669, %mul3A_671 : vector<16xf32>
        %add3A_673 = arith.constant 7 : i32
        %add3A_674 = arith.addi %mul3A_169, %add3A_673 : i32
        %swap3A_675 = arith.index_cast %add3A_674 : i32 to index
        %swap3A_676 = arith.constant 48 : index
        %swap3A_677 = tpu.vector_load %arg11[%swap3A_675, %swap3A_676] {strides = array<i32>} : memref<128x64xf32, #tpu.memory_space<vmem>>, vector<1x16xf32>,
        %swap3A_678 = vector.shape_cast %swap3A_677 : vector<1x16xf32> to vector<16xf32>
        %swap3A_679 = vector.shape_cast %mul3A_672 : vector<16xf32> to vector<1x16xf32>
        tpu.vector_store %arg11[%swap3A_675, %swap3A_676], %swap3A_679 {strides = array<i32>} : memref<128x64xf32, #tpu.memory_space<vmem>>, vector<1x16xf32>,
      }
      %scan3A_90 = arith.constant 16 : i32
      %mul3A_91 = arith.constant 128 : i32
      %mul3A_92 = arith.muli %add3A_74, %mul3A_91 : i32
      %add3A_93 = arith.addi %mul3A_2, %mul3A_92 : i32
      %dma_start3A_94 = arith.constant 0 : i32
      %dma_start3A_95 = tpu.memref_slice %arg4[%add3A_93, %dma_start3A_94] : memref<819200x64xf32, #tpu.memory_space<hbm>> -> memref<128x64xf32, #tpu.memory_space<hbm>>
      %dma_start3A_96 = arith.constant 0 : i32
      %dma_start3A_97 = tpu.memref_slice %arg4[%add3A_93, %dma_start3A_96] : memref<819200x64xf32, #tpu.memory_space<hbm>> -> memref<128x64xf32, #tpu.memory_space<hbm>>
      tpu.enqueue_dma source(%arg11 : memref<128x64xf32, #tpu.memory_space<vmem>>) target(%dma_start3A_97 : memref<128x64xf32, #tpu.memory_space<hbm>>) target_semaphore(%arg19 : memref<!tpu.dma_semaphore, #tpu.memory_space<semaphore_mem>>)
      %lt3A_98 = arith.constant 49 : i32
      %lt3A_99 = arith.cmpi slt, %scan3A_42, %lt3A_98 : i32
      %convert_element_type3A_100 = arith.extui %lt3A_99 : i1 to i32
      %cond3A_101 = arith.constant 0 : i32
      %cond3A_102 = arith.cmpi ne, %convert_element_type3A_100, %cond3A_101 : i32
      scf.if %cond3A_102 {
        %add3A_167 = arith.constant 4 : i32
        %add3A_168 = arith.addi %add3A_74, %add3A_167 : i32
        %mul3A_169 = arith.constant 128 : i32
        %mul3A_170 = arith.muli %add3A_168, %mul3A_169 : i32
        %dma_start3A_171 = tpu.memref_slice %arg5[%mul3A_170] : memref<25600xi32, #tpu.memory_space<vmem>> -> memref<128xi32, #tpu.memory_space<vmem>>
        %dma_start3A_172 = arith.constant 0 : i32
        %dma_start3A_173 = arith.constant 0 : i32
        %dma_start3A_174 = tpu.memref_slice %arg3[%dma_start3A_172, %dma_start3A_173] : memref<1000000x64xf32, #tpu.memory_space<hbm>> -> memref<1000000x64xf32, #tpu.memory_space<hbm>>
        tpu.enqueue_indirect_dma source(%dma_start3A_174 : memref<1000000x64xf32, #tpu.memory_space<hbm>>) target(%arg7 : memref<128x64xf32, #tpu.memory_space<vmem>>) offsets(%dma_start3A_171 : memref<128xi32, #tpu.memory_space<vmem>>) semaphore(%arg15 : memref<!tpu.dma_semaphore, #tpu.memory_space<semaphore_mem>>)
      } else {
      }
      %mul3A_103 = arith.constant 4 : i32
      %mul3A_104 = arith.muli %scan3A_42, %mul3A_103 : i32
      %add3A_105 = arith.constant 2 : i32
      %add3A_106 = arith.addi %mul3A_104, %add3A_105 : i32
      %dma_wait3A_107 = arith.constant 0 : i32
      %dma_wait3A_108 = tpu.memref_slice %arg5[%dma_wait3A_107] : memref<25600xi32, #tpu.memory_space<vmem>> -> memref<128xi32, #tpu.memory_space<vmem>>
      %dma_wait3A_109 = arith.constant 0 : i32
      %dma_wait3A_110 = arith.constant 0 : i32
      %dma_wait3A_111 = tpu.memref_slice %arg3[%dma_wait3A_109, %dma_wait3A_110] : memref<1000000x64xf32, #tpu.memory_space<hbm>> -> memref<1000000x64xf32, #tpu.memory_space<hbm>>
      tpu.wait_indirect_dma semaphore(%arg16 : memref<!tpu.dma_semaphore, #tpu.memory_space<semaphore_mem>>) src(%dma_wait3A_111 : memref<1000000x64xf32, #tpu.memory_space<hbm>>) dst(%arg8 : memref<128x64xf32, #tpu.memory_space<vmem>>)
      %ge3A_112 = arith.constant 1 : i32
      %ge3A_113 = arith.cmpi sge, %scan3A_42, %ge3A_112 : i32
      %convert_element_type3A_114 = arith.extui %ge3A_113 : i1 to i32
      %cond3A_115 = arith.constant 0 : i32
      %cond3A_116 = arith.cmpi ne, %convert_element_type3A_114, %cond3A_115 : i32
      scf.if %cond3A_116 {
        %dma_wait3A_167 = arith.constant 0 : i32
        %dma_wait3A_168 = tpu.memref_slice %arg4[%mul3A_2, %dma_wait3A_167] : memref<819200x64xf32, #tpu.memory_space<hbm>> -> memref<128x64xf32, #tpu.memory_space<hbm>>
        %dma_wait3A_169 = arith.constant 0 : i32
        %dma_wait3A_170 = tpu.memref_slice %arg4[%mul3A_2, %dma_wait3A_169] : memref<819200x64xf32, #tpu.memory_space<hbm>> -> memref<128x64xf32, #tpu.memory_space<hbm>>
        tpu.wait_dma2 semaphore(%arg20 : memref<!tpu.dma_semaphore, #tpu.memory_space<semaphore_mem>>) src(%arg12 : memref<128x64xf32, #tpu.memory_space<vmem>>) dst(%dma_wait3A_170 : memref<128x64xf32, #tpu.memory_space<hbm>>)
      } else {
      }
      %scan3A_117 = arith.constant 0 : i32
      %scan3A_118 = arith.constant 0 : i32
      %scan3A_119 = arith.constant 16 : i32
      %scan3A_120 = arith.addi %scan3A_118, %scan3A_119 : i32
      %scan3A_121 = arith.constant 1 : i32
      scf.for %scan3A_167 = %scan3A_118 to %scan3A_120 step %scan3A_121  : i32 {
        %mul3A_168 = arith.constant 8 : i32
        %mul3A_169 = arith.muli %scan3A_167, %mul3A_168 : i32
        %add3A_170 = arith.constant 0 : i32
        %add3A_171 = arith.addi %mul3A_169, %add3A_170 : i32
        %get3A = arith.index_cast %add3A_171 : i32 to index
        %get3A_172 = arith.constant 0 : index
        %get3A_173 = tpu.vector_load %arg8[%get3A, %get3A_172] {strides = array<i32>} : memref<128x64xf32, #tpu.memory_space<vmem>>, vector<1x16xf32>,
        %get3A_174 = vector.shape_cast %get3A_173 : vector<1x16xf32> to vector<16xf32>
        %mul3A_175 = arith.constant 8.000000e+00 : f32
        %mul3A_176 = vector.broadcast %mul3A_175 : f32 to vector<16xf32>
        %mul3A_177 = arith.mulf %get3A_174, %mul3A_176 : vector<16xf32>
        %add3A_178 = arith.constant 0 : i32
        %add3A_179 = arith.addi %mul3A_169, %add3A_178 : i32
        %swap3A = arith.index_cast %add3A_179 : i32 to index
        %swap3A_180 = arith.constant 0 : index
        %swap3A_181 = tpu.vector_load %arg12[%swap3A, %swap3A_180] {strides = array<i32>} : memref<128x64xf32, #tpu.memory_space<vmem>>, vector<1x16xf32>,
        %swap3A_182 = vector.shape_cast %swap3A_181 : vector<1x16xf32> to vector<16xf32>
        %swap3A_183 = vector.shape_cast %mul3A_177 : vector<16xf32> to vector<1x16xf32>
        tpu.vector_store %arg12[%swap3A, %swap3A_180], %swap3A_183 {strides = array<i32>} : memref<128x64xf32, #tpu.memory_space<vmem>>, vector<1x16xf32>,
        %add3A_184 = arith.constant 0 : i32
        %add3A_185 = arith.addi %mul3A_169, %add3A_184 : i32
        %get3A_186 = arith.index_cast %add3A_185 : i32 to index
        %get3A_187 = arith.constant 16 : index
        %get3A_188 = tpu.vector_load %arg8[%get3A_186, %get3A_187] {strides = array<i32>} : memref<128x64xf32, #tpu.memory_space<vmem>>, vector<1x16xf32>,
        %get3A_189 = vector.shape_cast %get3A_188 : vector<1x16xf32> to vector<16xf32>
        %mul3A_190 = arith.constant 8.000000e+00 : f32
        %mul3A_191 = vector.broadcast %mul3A_190 : f32 to vector<16xf32>
        %mul3A_192 = arith.mulf %get3A_189, %mul3A_191 : vector<16xf32>
        %add3A_193 = arith.constant 0 : i32
        %add3A_194 = arith.addi %mul3A_169, %add3A_193 : i32
        %swap3A_195 = arith.index_cast %add3A_194 : i32 to index
        %swap3A_196 = arith.constant 16 : index
        %swap3A_197 = tpu.vector_load %arg12[%swap3A_195, %swap3A_196] {strides = array<i32>} : memref<128x64xf32, #tpu.memory_space<vmem>>, vector<1x16xf32>,
        %swap3A_198 = vector.shape_cast %swap3A_197 : vector<1x16xf32> to vector<16xf32>
        %swap3A_199 = vector.shape_cast %mul3A_192 : vector<16xf32> to vector<1x16xf32>
        tpu.vector_store %arg12[%swap3A_195, %swap3A_196], %swap3A_199 {strides = array<i32>} : memref<128x64xf32, #tpu.memory_space<vmem>>, vector<1x16xf32>,
        %add3A_200 = arith.constant 0 : i32
        %add3A_201 = arith.addi %mul3A_169, %add3A_200 : i32
        %get3A_202 = arith.index_cast %add3A_201 : i32 to index
        %get3A_203 = arith.constant 32 : index
        %get3A_204 = tpu.vector_load %arg8[%get3A_202, %get3A_203] {strides = array<i32>} : memref<128x64xf32, #tpu.memory_space<vmem>>, vector<1x16xf32>,
        %get3A_205 = vector.shape_cast %get3A_204 : vector<1x16xf32> to vector<16xf32>
        %mul3A_206 = arith.constant 8.000000e+00 : f32
        %mul3A_207 = vector.broadcast %mul3A_206 : f32 to vector<16xf32>
        %mul3A_208 = arith.mulf %get3A_205, %mul3A_207 : vector<16xf32>
        %add3A_209 = arith.constant 0 : i32
        %add3A_210 = arith.addi %mul3A_169, %add3A_209 : i32
        %swap3A_211 = arith.index_cast %add3A_210 : i32 to index
        %swap3A_212 = arith.constant 32 : index
        %swap3A_213 = tpu.vector_load %arg12[%swap3A_211, %swap3A_212] {strides = array<i32>} : memref<128x64xf32, #tpu.memory_space<vmem>>, vector<1x16xf32>,
        %swap3A_214 = vector.shape_cast %swap3A_213 : vector<1x16xf32> to vector<16xf32>
        %swap3A_215 = vector.shape_cast %mul3A_208 : vector<16xf32> to vector<1x16xf32>
        tpu.vector_store %arg12[%swap3A_211, %swap3A_212], %swap3A_215 {strides = array<i32>} : memref<128x64xf32, #tpu.memory_space<vmem>>, vector<1x16xf32>,
        %add3A_216 = arith.constant 0 : i32
        %add3A_217 = arith.addi %mul3A_169, %add3A_216 : i32
        %get3A_218 = arith.index_cast %add3A_217 : i32 to index
        %get3A_219 = arith.constant 48 : index
        %get3A_220 = tpu.vector_load %arg8[%get3A_218, %get3A_219] {strides = array<i32>} : memref<128x64xf32, #tpu.memory_space<vmem>>, vector<1x16xf32>,
        %get3A_221 = vector.shape_cast %get3A_220 : vector<1x16xf32> to vector<16xf32>
        %mul3A_222 = arith.constant 8.000000e+00 : f32
        %mul3A_223 = vector.broadcast %mul3A_222 : f32 to vector<16xf32>
        %mul3A_224 = arith.mulf %get3A_221, %mul3A_223 : vector<16xf32>
        %add3A_225 = arith.constant 0 : i32
        %add3A_226 = arith.addi %mul3A_169, %add3A_225 : i32
        %swap3A_227 = arith.index_cast %add3A_226 : i32 to index
        %swap3A_228 = arith.constant 48 : index
        %swap3A_229 = tpu.vector_load %arg12[%swap3A_227, %swap3A_228] {strides = array<i32>} : memref<128x64xf32, #tpu.memory_space<vmem>>, vector<1x16xf32>,
        %swap3A_230 = vector.shape_cast %swap3A_229 : vector<1x16xf32> to vector<16xf32>
        %swap3A_231 = vector.shape_cast %mul3A_224 : vector<16xf32> to vector<1x16xf32>
        tpu.vector_store %arg12[%swap3A_227, %swap3A_228], %swap3A_231 {strides = array<i32>} : memref<128x64xf32, #tpu.memory_space<vmem>>, vector<1x16xf32>,
        %add3A_232 = arith.constant 1 : i32
        %add3A_233 = arith.addi %mul3A_169, %add3A_232 : i32
        %get3A_234 = arith.index_cast %add3A_233 : i32 to index
        %get3A_235 = arith.constant 0 : index
        %get3A_236 = tpu.vector_load %arg8[%get3A_234, %get3A_235] {strides = array<i32>} : memref<128x64xf32, #tpu.memory_space<vmem>>, vector<1x16xf32>,
        %get3A_237 = vector.shape_cast %get3A_236 : vector<1x16xf32> to vector<16xf32>
        %mul3A_238 = arith.constant 8.000000e+00 : f32
        %mul3A_239 = vector.broadcast %mul3A_238 : f32 to vector<16xf32>
        %mul3A_240 = arith.mulf %get3A_237, %mul3A_239 : vector<16xf32>
        %add3A_241 = arith.constant 1 : i32
        %add3A_242 = arith.addi %mul3A_169, %add3A_241 : i32
        %swap3A_243 = arith.index_cast %add3A_242 : i32 to index
        %swap3A_244 = arith.constant 0 : index
        %swap3A_245 = tpu.vector_load %arg12[%swap3A_243, %swap3A_244] {strides = array<i32>} : memref<128x64xf32, #tpu.memory_space<vmem>>, vector<1x16xf32>,
        %swap3A_246 = vector.shape_cast %swap3A_245 : vector<1x16xf32> to vector<16xf32>
        %swap3A_247 = vector.shape_cast %mul3A_240 : vector<16xf32> to vector<1x16xf32>
        tpu.vector_store %arg12[%swap3A_243, %swap3A_244], %swap3A_247 {strides = array<i32>} : memref<128x64xf32, #tpu.memory_space<vmem>>, vector<1x16xf32>,
        %add3A_248 = arith.constant 1 : i32
        %add3A_249 = arith.addi %mul3A_169, %add3A_248 : i32
        %get3A_250 = arith.index_cast %add3A_249 : i32 to index
        %get3A_251 = arith.constant 16 : index
        %get3A_252 = tpu.vector_load %arg8[%get3A_250, %get3A_251] {strides = array<i32>} : memref<128x64xf32, #tpu.memory_space<vmem>>, vector<1x16xf32>,
        %get3A_253 = vector.shape_cast %get3A_252 : vector<1x16xf32> to vector<16xf32>
        %mul3A_254 = arith.constant 8.000000e+00 : f32
        %mul3A_255 = vector.broadcast %mul3A_254 : f32 to vector<16xf32>
        %mul3A_256 = arith.mulf %get3A_253, %mul3A_255 : vector<16xf32>
        %add3A_257 = arith.constant 1 : i32
        %add3A_258 = arith.addi %mul3A_169, %add3A_257 : i32
        %swap3A_259 = arith.index_cast %add3A_258 : i32 to index
        %swap3A_260 = arith.constant 16 : index
        %swap3A_261 = tpu.vector_load %arg12[%swap3A_259, %swap3A_260] {strides = array<i32>} : memref<128x64xf32, #tpu.memory_space<vmem>>, vector<1x16xf32>,
        %swap3A_262 = vector.shape_cast %swap3A_261 : vector<1x16xf32> to vector<16xf32>
        %swap3A_263 = vector.shape_cast %mul3A_256 : vector<16xf32> to vector<1x16xf32>
        tpu.vector_store %arg12[%swap3A_259, %swap3A_260], %swap3A_263 {strides = array<i32>} : memref<128x64xf32, #tpu.memory_space<vmem>>, vector<1x16xf32>,
        %add3A_264 = arith.constant 1 : i32
        %add3A_265 = arith.addi %mul3A_169, %add3A_264 : i32
        %get3A_266 = arith.index_cast %add3A_265 : i32 to index
        %get3A_267 = arith.constant 32 : index
        %get3A_268 = tpu.vector_load %arg8[%get3A_266, %get3A_267] {strides = array<i32>} : memref<128x64xf32, #tpu.memory_space<vmem>>, vector<1x16xf32>,
        %get3A_269 = vector.shape_cast %get3A_268 : vector<1x16xf32> to vector<16xf32>
        %mul3A_270 = arith.constant 8.000000e+00 : f32
        %mul3A_271 = vector.broadcast %mul3A_270 : f32 to vector<16xf32>
        %mul3A_272 = arith.mulf %get3A_269, %mul3A_271 : vector<16xf32>
        %add3A_273 = arith.constant 1 : i32
        %add3A_274 = arith.addi %mul3A_169, %add3A_273 : i32
        %swap3A_275 = arith.index_cast %add3A_274 : i32 to index
        %swap3A_276 = arith.constant 32 : index
        %swap3A_277 = tpu.vector_load %arg12[%swap3A_275, %swap3A_276] {strides = array<i32>} : memref<128x64xf32, #tpu.memory_space<vmem>>, vector<1x16xf32>,
        %swap3A_278 = vector.shape_cast %swap3A_277 : vector<1x16xf32> to vector<16xf32>
        %swap3A_279 = vector.shape_cast %mul3A_272 : vector<16xf32> to vector<1x16xf32>
        tpu.vector_store %arg12[%swap3A_275, %swap3A_276], %swap3A_279 {strides = array<i32>} : memref<128x64xf32, #tpu.memory_space<vmem>>, vector<1x16xf32>,
        %add3A_280 = arith.constant 1 : i32
        %add3A_281 = arith.addi %mul3A_169, %add3A_280 : i32
        %get3A_282 = arith.index_cast %add3A_281 : i32 to index
        %get3A_283 = arith.constant 48 : index
        %get3A_284 = tpu.vector_load %arg8[%get3A_282, %get3A_283] {strides = array<i32>} : memref<128x64xf32, #tpu.memory_space<vmem>>, vector<1x16xf32>,
        %get3A_285 = vector.shape_cast %get3A_284 : vector<1x16xf32> to vector<16xf32>
        %mul3A_286 = arith.constant 8.000000e+00 : f32
        %mul3A_287 = vector.broadcast %mul3A_286 : f32 to vector<16xf32>
        %mul3A_288 = arith.mulf %get3A_285, %mul3A_287 : vector<16xf32>
        %add3A_289 = arith.constant 1 : i32
        %add3A_290 = arith.addi %mul3A_169, %add3A_289 : i32
        %swap3A_291 = arith.index_cast %add3A_290 : i32 to index
        %swap3A_292 = arith.constant 48 : index
        %swap3A_293 = tpu.vector_load %arg12[%swap3A_291, %swap3A_292] {strides = array<i32>} : memref<128x64xf32, #tpu.memory_space<vmem>>, vector<1x16xf32>,
        %swap3A_294 = vector.shape_cast %swap3A_293 : vector<1x16xf32> to vector<16xf32>
        %swap3A_295 = vector.shape_cast %mul3A_288 : vector<16xf32> to vector<1x16xf32>
        tpu.vector_store %arg12[%swap3A_291, %swap3A_292], %swap3A_295 {strides = array<i32>} : memref<128x64xf32, #tpu.memory_space<vmem>>, vector<1x16xf32>,
        %add3A_296 = arith.constant 2 : i32
        %add3A_297 = arith.addi %mul3A_169, %add3A_296 : i32
        %get3A_298 = arith.index_cast %add3A_297 : i32 to index
        %get3A_299 = arith.constant 0 : index
        %get3A_300 = tpu.vector_load %arg8[%get3A_298, %get3A_299] {strides = array<i32>} : memref<128x64xf32, #tpu.memory_space<vmem>>, vector<1x16xf32>,
        %get3A_301 = vector.shape_cast %get3A_300 : vector<1x16xf32> to vector<16xf32>
        %mul3A_302 = arith.constant 8.000000e+00 : f32
        %mul3A_303 = vector.broadcast %mul3A_302 : f32 to vector<16xf32>
        %mul3A_304 = arith.mulf %get3A_301, %mul3A_303 : vector<16xf32>
        %add3A_305 = arith.constant 2 : i32
        %add3A_306 = arith.addi %mul3A_169, %add3A_305 : i32
        %swap3A_307 = arith.index_cast %add3A_306 : i32 to index
        %swap3A_308 = arith.constant 0 : index
        %swap3A_309 = tpu.vector_load %arg12[%swap3A_307, %swap3A_308] {strides = array<i32>} : memref<128x64xf32, #tpu.memory_space<vmem>>, vector<1x16xf32>,
        %swap3A_310 = vector.shape_cast %swap3A_309 : vector<1x16xf32> to vector<16xf32>
        %swap3A_311 = vector.shape_cast %mul3A_304 : vector<16xf32> to vector<1x16xf32>
        tpu.vector_store %arg12[%swap3A_307, %swap3A_308], %swap3A_311 {strides = array<i32>} : memref<128x64xf32, #tpu.memory_space<vmem>>, vector<1x16xf32>,
        %add3A_312 = arith.constant 2 : i32
        %add3A_313 = arith.addi %mul3A_169, %add3A_312 : i32
        %get3A_314 = arith.index_cast %add3A_313 : i32 to index
        %get3A_315 = arith.constant 16 : index
        %get3A_316 = tpu.vector_load %arg8[%get3A_314, %get3A_315] {strides = array<i32>} : memref<128x64xf32, #tpu.memory_space<vmem>>, vector<1x16xf32>,
        %get3A_317 = vector.shape_cast %get3A_316 : vector<1x16xf32> to vector<16xf32>
        %mul3A_318 = arith.constant 8.000000e+00 : f32
        %mul3A_319 = vector.broadcast %mul3A_318 : f32 to vector<16xf32>
        %mul3A_320 = arith.mulf %get3A_317, %mul3A_319 : vector<16xf32>
        %add3A_321 = arith.constant 2 : i32
        %add3A_322 = arith.addi %mul3A_169, %add3A_321 : i32
        %swap3A_323 = arith.index_cast %add3A_322 : i32 to index
        %swap3A_324 = arith.constant 16 : index
        %swap3A_325 = tpu.vector_load %arg12[%swap3A_323, %swap3A_324] {strides = array<i32>} : memref<128x64xf32, #tpu.memory_space<vmem>>, vector<1x16xf32>,
        %swap3A_326 = vector.shape_cast %swap3A_325 : vector<1x16xf32> to vector<16xf32>
        %swap3A_327 = vector.shape_cast %mul3A_320 : vector<16xf32> to vector<1x16xf32>
        tpu.vector_store %arg12[%swap3A_323, %swap3A_324], %swap3A_327 {strides = array<i32>} : memref<128x64xf32, #tpu.memory_space<vmem>>, vector<1x16xf32>,
        %add3A_328 = arith.constant 2 : i32
        %add3A_329 = arith.addi %mul3A_169, %add3A_328 : i32
        %get3A_330 = arith.index_cast %add3A_329 : i32 to index
        %get3A_331 = arith.constant 32 : index
        %get3A_332 = tpu.vector_load %arg8[%get3A_330, %get3A_331] {strides = array<i32>} : memref<128x64xf32, #tpu.memory_space<vmem>>, vector<1x16xf32>,
        %get3A_333 = vector.shape_cast %get3A_332 : vector<1x16xf32> to vector<16xf32>
        %mul3A_334 = arith.constant 8.000000e+00 : f32
        %mul3A_335 = vector.broadcast %mul3A_334 : f32 to vector<16xf32>
        %mul3A_336 = arith.mulf %get3A_333, %mul3A_335 : vector<16xf32>
        %add3A_337 = arith.constant 2 : i32
        %add3A_338 = arith.addi %mul3A_169, %add3A_337 : i32
        %swap3A_339 = arith.index_cast %add3A_338 : i32 to index
        %swap3A_340 = arith.constant 32 : index
        %swap3A_341 = tpu.vector_load %arg12[%swap3A_339, %swap3A_340] {strides = array<i32>} : memref<128x64xf32, #tpu.memory_space<vmem>>, vector<1x16xf32>,
        %swap3A_342 = vector.shape_cast %swap3A_341 : vector<1x16xf32> to vector<16xf32>
        %swap3A_343 = vector.shape_cast %mul3A_336 : vector<16xf32> to vector<1x16xf32>
        tpu.vector_store %arg12[%swap3A_339, %swap3A_340], %swap3A_343 {strides = array<i32>} : memref<128x64xf32, #tpu.memory_space<vmem>>, vector<1x16xf32>,
        %add3A_344 = arith.constant 2 : i32
        %add3A_345 = arith.addi %mul3A_169, %add3A_344 : i32
        %get3A_346 = arith.index_cast %add3A_345 : i32 to index
        %get3A_347 = arith.constant 48 : index
        %get3A_348 = tpu.vector_load %arg8[%get3A_346, %get3A_347] {strides = array<i32>} : memref<128x64xf32, #tpu.memory_space<vmem>>, vector<1x16xf32>,
        %get3A_349 = vector.shape_cast %get3A_348 : vector<1x16xf32> to vector<16xf32>
        %mul3A_350 = arith.constant 8.000000e+00 : f32
        %mul3A_351 = vector.broadcast %mul3A_350 : f32 to vector<16xf32>
        %mul3A_352 = arith.mulf %get3A_349, %mul3A_351 : vector<16xf32>
        %add3A_353 = arith.constant 2 : i32
        %add3A_354 = arith.addi %mul3A_169, %add3A_353 : i32
        %swap3A_355 = arith.index_cast %add3A_354 : i32 to index
        %swap3A_356 = arith.constant 48 : index
        %swap3A_357 = tpu.vector_load %arg12[%swap3A_355, %swap3A_356] {strides = array<i32>} : memref<128x64xf32, #tpu.memory_space<vmem>>, vector<1x16xf32>,
        %swap3A_358 = vector.shape_cast %swap3A_357 : vector<1x16xf32> to vector<16xf32>
        %swap3A_359 = vector.shape_cast %mul3A_352 : vector<16xf32> to vector<1x16xf32>
        tpu.vector_store %arg12[%swap3A_355, %swap3A_356], %swap3A_359 {strides = array<i32>} : memref<128x64xf32, #tpu.memory_space<vmem>>, vector<1x16xf32>,
        %add3A_360 = arith.constant 3 : i32
        %add3A_361 = arith.addi %mul3A_169, %add3A_360 : i32
        %get3A_362 = arith.index_cast %add3A_361 : i32 to index
        %get3A_363 = arith.constant 0 : index
        %get3A_364 = tpu.vector_load %arg8[%get3A_362, %get3A_363] {strides = array<i32>} : memref<128x64xf32, #tpu.memory_space<vmem>>, vector<1x16xf32>,
        %get3A_365 = vector.shape_cast %get3A_364 : vector<1x16xf32> to vector<16xf32>
        %mul3A_366 = arith.constant 8.000000e+00 : f32
        %mul3A_367 = vector.broadcast %mul3A_366 : f32 to vector<16xf32>
        %mul3A_368 = arith.mulf %get3A_365, %mul3A_367 : vector<16xf32>
        %add3A_369 = arith.constant 3 : i32
        %add3A_370 = arith.addi %mul3A_169, %add3A_369 : i32
        %swap3A_371 = arith.index_cast %add3A_370 : i32 to index
        %swap3A_372 = arith.constant 0 : index
        %swap3A_373 = tpu.vector_load %arg12[%swap3A_371, %swap3A_372] {strides = array<i32>} : memref<128x64xf32, #tpu.memory_space<vmem>>, vector<1x16xf32>,
        %swap3A_374 = vector.shape_cast %swap3A_373 : vector<1x16xf32> to vector<16xf32>
        %swap3A_375 = vector.shape_cast %mul3A_368 : vector<16xf32> to vector<1x16xf32>
        tpu.vector_store %arg12[%swap3A_371, %swap3A_372], %swap3A_375 {strides = array<i32>} : memref<128x64xf32, #tpu.memory_space<vmem>>, vector<1x16xf32>,
        %add3A_376 = arith.constant 3 : i32
        %add3A_377 = arith.addi %mul3A_169, %add3A_376 : i32
        %get3A_378 = arith.index_cast %add3A_377 : i32 to index
        %get3A_379 = arith.constant 16 : index
        %get3A_380 = tpu.vector_load %arg8[%get3A_378, %get3A_379] {strides = array<i32>} : memref<128x64xf32, #tpu.memory_space<vmem>>, vector<1x16xf32>,
        %get3A_381 = vector.shape_cast %get3A_380 : vector<1x16xf32> to vector<16xf32>
        %mul3A_382 = arith.constant 8.000000e+00 : f32
        %mul3A_383 = vector.broadcast %mul3A_382 : f32 to vector<16xf32>
        %mul3A_384 = arith.mulf %get3A_381, %mul3A_383 : vector<16xf32>
        %add3A_385 = arith.constant 3 : i32
        %add3A_386 = arith.addi %mul3A_169, %add3A_385 : i32
        %swap3A_387 = arith.index_cast %add3A_386 : i32 to index
        %swap3A_388 = arith.constant 16 : index
        %swap3A_389 = tpu.vector_load %arg12[%swap3A_387, %swap3A_388] {strides = array<i32>} : memref<128x64xf32, #tpu.memory_space<vmem>>, vector<1x16xf32>,
        %swap3A_390 = vector.shape_cast %swap3A_389 : vector<1x16xf32> to vector<16xf32>
        %swap3A_391 = vector.shape_cast %mul3A_384 : vector<16xf32> to vector<1x16xf32>
        tpu.vector_store %arg12[%swap3A_387, %swap3A_388], %swap3A_391 {strides = array<i32>} : memref<128x64xf32, #tpu.memory_space<vmem>>, vector<1x16xf32>,
        %add3A_392 = arith.constant 3 : i32
        %add3A_393 = arith.addi %mul3A_169, %add3A_392 : i32
        %get3A_394 = arith.index_cast %add3A_393 : i32 to index
        %get3A_395 = arith.constant 32 : index
        %get3A_396 = tpu.vector_load %arg8[%get3A_394, %get3A_395] {strides = array<i32>} : memref<128x64xf32, #tpu.memory_space<vmem>>, vector<1x16xf32>,
        %get3A_397 = vector.shape_cast %get3A_396 : vector<1x16xf32> to vector<16xf32>
        %mul3A_398 = arith.constant 8.000000e+00 : f32
        %mul3A_399 = vector.broadcast %mul3A_398 : f32 to vector<16xf32>
        %mul3A_400 = arith.mulf %get3A_397, %mul3A_399 : vector<16xf32>
        %add3A_401 = arith.constant 3 : i32
        %add3A_402 = arith.addi %mul3A_169, %add3A_401 : i32
        %swap3A_403 = arith.index_cast %add3A_402 : i32 to index
        %swap3A_404 = arith.constant 32 : index
        %swap3A_405 = tpu.vector_load %arg12[%swap3A_403, %swap3A_404] {strides = array<i32>} : memref<128x64xf32, #tpu.memory_space<vmem>>, vector<1x16xf32>,
        %swap3A_406 = vector.shape_cast %swap3A_405 : vector<1x16xf32> to vector<16xf32>
        %swap3A_407 = vector.shape_cast %mul3A_400 : vector<16xf32> to vector<1x16xf32>
        tpu.vector_store %arg12[%swap3A_403, %swap3A_404], %swap3A_407 {strides = array<i32>} : memref<128x64xf32, #tpu.memory_space<vmem>>, vector<1x16xf32>,
        %add3A_408 = arith.constant 3 : i32
        %add3A_409 = arith.addi %mul3A_169, %add3A_408 : i32
        %get3A_410 = arith.index_cast %add3A_409 : i32 to index
        %get3A_411 = arith.constant 48 : index
        %get3A_412 = tpu.vector_load %arg8[%get3A_410, %get3A_411] {strides = array<i32>} : memref<128x64xf32, #tpu.memory_space<vmem>>, vector<1x16xf32>,
        %get3A_413 = vector.shape_cast %get3A_412 : vector<1x16xf32> to vector<16xf32>
        %mul3A_414 = arith.constant 8.000000e+00 : f32
        %mul3A_415 = vector.broadcast %mul3A_414 : f32 to vector<16xf32>
        %mul3A_416 = arith.mulf %get3A_413, %mul3A_415 : vector<16xf32>
        %add3A_417 = arith.constant 3 : i32
        %add3A_418 = arith.addi %mul3A_169, %add3A_417 : i32
        %swap3A_419 = arith.index_cast %add3A_418 : i32 to index
        %swap3A_420 = arith.constant 48 : index
        %swap3A_421 = tpu.vector_load %arg12[%swap3A_419, %swap3A_420] {strides = array<i32>} : memref<128x64xf32, #tpu.memory_space<vmem>>, vector<1x16xf32>,
        %swap3A_422 = vector.shape_cast %swap3A_421 : vector<1x16xf32> to vector<16xf32>
        %swap3A_423 = vector.shape_cast %mul3A_416 : vector<16xf32> to vector<1x16xf32>
        tpu.vector_store %arg12[%swap3A_419, %swap3A_420], %swap3A_423 {strides = array<i32>} : memref<128x64xf32, #tpu.memory_space<vmem>>, vector<1x16xf32>,
        %add3A_424 = arith.constant 4 : i32
        %add3A_425 = arith.addi %mul3A_169, %add3A_424 : i32
        %get3A_426 = arith.index_cast %add3A_425 : i32 to index
        %get3A_427 = arith.constant 0 : index
        %get3A_428 = tpu.vector_load %arg8[%get3A_426, %get3A_427] {strides = array<i32>} : memref<128x64xf32, #tpu.memory_space<vmem>>, vector<1x16xf32>,
        %get3A_429 = vector.shape_cast %get3A_428 : vector<1x16xf32> to vector<16xf32>
        %mul3A_430 = arith.constant 8.000000e+00 : f32
        %mul3A_431 = vector.broadcast %mul3A_430 : f32 to vector<16xf32>
        %mul3A_432 = arith.mulf %get3A_429, %mul3A_431 : vector<16xf32>
        %add3A_433 = arith.constant 4 : i32
        %add3A_434 = arith.addi %mul3A_169, %add3A_433 : i32
        %swap3A_435 = arith.index_cast %add3A_434 : i32 to index
        %swap3A_436 = arith.constant 0 : index
        %swap3A_437 = tpu.vector_load %arg12[%swap3A_435, %swap3A_436] {strides = array<i32>} : memref<128x64xf32, #tpu.memory_space<vmem>>, vector<1x16xf32>,
        %swap3A_438 = vector.shape_cast %swap3A_437 : vector<1x16xf32> to vector<16xf32>
        %swap3A_439 = vector.shape_cast %mul3A_432 : vector<16xf32> to vector<1x16xf32>
        tpu.vector_store %arg12[%swap3A_435, %swap3A_436], %swap3A_439 {strides = array<i32>} : memref<128x64xf32, #tpu.memory_space<vmem>>, vector<1x16xf32>,
        %add3A_440 = arith.constant 4 : i32
        %add3A_441 = arith.addi %mul3A_169, %add3A_440 : i32
        %get3A_442 = arith.index_cast %add3A_441 : i32 to index
        %get3A_443 = arith.constant 16 : index
        %get3A_444 = tpu.vector_load %arg8[%get3A_442, %get3A_443] {strides = array<i32>} : memref<128x64xf32, #tpu.memory_space<vmem>>, vector<1x16xf32>,
        %get3A_445 = vector.shape_cast %get3A_444 : vector<1x16xf32> to vector<16xf32>
        %mul3A_446 = arith.constant 8.000000e+00 : f32
        %mul3A_447 = vector.broadcast %mul3A_446 : f32 to vector<16xf32>
        %mul3A_448 = arith.mulf %get3A_445, %mul3A_447 : vector<16xf32>
        %add3A_449 = arith.constant 4 : i32
        %add3A_450 = arith.addi %mul3A_169, %add3A_449 : i32
        %swap3A_451 = arith.index_cast %add3A_450 : i32 to index
        %swap3A_452 = arith.constant 16 : index
        %swap3A_453 = tpu.vector_load %arg12[%swap3A_451, %swap3A_452] {strides = array<i32>} : memref<128x64xf32, #tpu.memory_space<vmem>>, vector<1x16xf32>,
        %swap3A_454 = vector.shape_cast %swap3A_453 : vector<1x16xf32> to vector<16xf32>
        %swap3A_455 = vector.shape_cast %mul3A_448 : vector<16xf32> to vector<1x16xf32>
        tpu.vector_store %arg12[%swap3A_451, %swap3A_452], %swap3A_455 {strides = array<i32>} : memref<128x64xf32, #tpu.memory_space<vmem>>, vector<1x16xf32>,
        %add3A_456 = arith.constant 4 : i32
        %add3A_457 = arith.addi %mul3A_169, %add3A_456 : i32
        %get3A_458 = arith.index_cast %add3A_457 : i32 to index
        %get3A_459 = arith.constant 32 : index
        %get3A_460 = tpu.vector_load %arg8[%get3A_458, %get3A_459] {strides = array<i32>} : memref<128x64xf32, #tpu.memory_space<vmem>>, vector<1x16xf32>,
        %get3A_461 = vector.shape_cast %get3A_460 : vector<1x16xf32> to vector<16xf32>
        %mul3A_462 = arith.constant 8.000000e+00 : f32
        %mul3A_463 = vector.broadcast %mul3A_462 : f32 to vector<16xf32>
        %mul3A_464 = arith.mulf %get3A_461, %mul3A_463 : vector<16xf32>
        %add3A_465 = arith.constant 4 : i32
        %add3A_466 = arith.addi %mul3A_169, %add3A_465 : i32
        %swap3A_467 = arith.index_cast %add3A_466 : i32 to index
        %swap3A_468 = arith.constant 32 : index
        %swap3A_469 = tpu.vector_load %arg12[%swap3A_467, %swap3A_468] {strides = array<i32>} : memref<128x64xf32, #tpu.memory_space<vmem>>, vector<1x16xf32>,
        %swap3A_470 = vector.shape_cast %swap3A_469 : vector<1x16xf32> to vector<16xf32>
        %swap3A_471 = vector.shape_cast %mul3A_464 : vector<16xf32> to vector<1x16xf32>
        tpu.vector_store %arg12[%swap3A_467, %swap3A_468], %swap3A_471 {strides = array<i32>} : memref<128x64xf32, #tpu.memory_space<vmem>>, vector<1x16xf32>,
        %add3A_472 = arith.constant 4 : i32
        %add3A_473 = arith.addi %mul3A_169, %add3A_472 : i32
        %get3A_474 = arith.index_cast %add3A_473 : i32 to index
        %get3A_475 = arith.constant 48 : index
        %get3A_476 = tpu.vector_load %arg8[%get3A_474, %get3A_475] {strides = array<i32>} : memref<128x64xf32, #tpu.memory_space<vmem>>, vector<1x16xf32>,
        %get3A_477 = vector.shape_cast %get3A_476 : vector<1x16xf32> to vector<16xf32>
        %mul3A_478 = arith.constant 8.000000e+00 : f32
        %mul3A_479 = vector.broadcast %mul3A_478 : f32 to vector<16xf32>
        %mul3A_480 = arith.mulf %get3A_477, %mul3A_479 : vector<16xf32>
        %add3A_481 = arith.constant 4 : i32
        %add3A_482 = arith.addi %mul3A_169, %add3A_481 : i32
        %swap3A_483 = arith.index_cast %add3A_482 : i32 to index
        %swap3A_484 = arith.constant 48 : index
        %swap3A_485 = tpu.vector_load %arg12[%swap3A_483, %swap3A_484] {strides = array<i32>} : memref<128x64xf32, #tpu.memory_space<vmem>>, vector<1x16xf32>,
        %swap3A_486 = vector.shape_cast %swap3A_485 : vector<1x16xf32> to vector<16xf32>
        %swap3A_487 = vector.shape_cast %mul3A_480 : vector<16xf32> to vector<1x16xf32>
        tpu.vector_store %arg12[%swap3A_483, %swap3A_484], %swap3A_487 {strides = array<i32>} : memref<128x64xf32, #tpu.memory_space<vmem>>, vector<1x16xf32>,
        %add3A_488 = arith.constant 5 : i32
        %add3A_489 = arith.addi %mul3A_169, %add3A_488 : i32
        %get3A_490 = arith.index_cast %add3A_489 : i32 to index
        %get3A_491 = arith.constant 0 : index
        %get3A_492 = tpu.vector_load %arg8[%get3A_490, %get3A_491] {strides = array<i32>} : memref<128x64xf32, #tpu.memory_space<vmem>>, vector<1x16xf32>,
        %get3A_493 = vector.shape_cast %get3A_492 : vector<1x16xf32> to vector<16xf32>
        %mul3A_494 = arith.constant 8.000000e+00 : f32
        %mul3A_495 = vector.broadcast %mul3A_494 : f32 to vector<16xf32>
        %mul3A_496 = arith.mulf %get3A_493, %mul3A_495 : vector<16xf32>
        %add3A_497 = arith.constant 5 : i32
        %add3A_498 = arith.addi %mul3A_169, %add3A_497 : i32
        %swap3A_499 = arith.index_cast %add3A_498 : i32 to index
        %swap3A_500 = arith.constant 0 : index
        %swap3A_501 = tpu.vector_load %arg12[%swap3A_499, %swap3A_500] {strides = array<i32>} : memref<128x64xf32, #tpu.memory_space<vmem>>, vector<1x16xf32>,
        %swap3A_502 = vector.shape_cast %swap3A_501 : vector<1x16xf32> to vector<16xf32>
        %swap3A_503 = vector.shape_cast %mul3A_496 : vector<16xf32> to vector<1x16xf32>
        tpu.vector_store %arg12[%swap3A_499, %swap3A_500], %swap3A_503 {strides = array<i32>} : memref<128x64xf32, #tpu.memory_space<vmem>>, vector<1x16xf32>,
        %add3A_504 = arith.constant 5 : i32
        %add3A_505 = arith.addi %mul3A_169, %add3A_504 : i32
        %get3A_506 = arith.index_cast %add3A_505 : i32 to index
        %get3A_507 = arith.constant 16 : index
        %get3A_508 = tpu.vector_load %arg8[%get3A_506, %get3A_507] {strides = array<i32>} : memref<128x64xf32, #tpu.memory_space<vmem>>, vector<1x16xf32>,
        %get3A_509 = vector.shape_cast %get3A_508 : vector<1x16xf32> to vector<16xf32>
        %mul3A_510 = arith.constant 8.000000e+00 : f32
        %mul3A_511 = vector.broadcast %mul3A_510 : f32 to vector<16xf32>
        %mul3A_512 = arith.mulf %get3A_509, %mul3A_511 : vector<16xf32>
        %add3A_513 = arith.constant 5 : i32
        %add3A_514 = arith.addi %mul3A_169, %add3A_513 : i32
        %swap3A_515 = arith.index_cast %add3A_514 : i32 to index
        %swap3A_516 = arith.constant 16 : index
        %swap3A_517 = tpu.vector_load %arg12[%swap3A_515, %swap3A_516] {strides = array<i32>} : memref<128x64xf32, #tpu.memory_space<vmem>>, vector<1x16xf32>,
        %swap3A_518 = vector.shape_cast %swap3A_517 : vector<1x16xf32> to vector<16xf32>
        %swap3A_519 = vector.shape_cast %mul3A_512 : vector<16xf32> to vector<1x16xf32>
        tpu.vector_store %arg12[%swap3A_515, %swap3A_516], %swap3A_519 {strides = array<i32>} : memref<128x64xf32, #tpu.memory_space<vmem>>, vector<1x16xf32>,
        %add3A_520 = arith.constant 5 : i32
        %add3A_521 = arith.addi %mul3A_169, %add3A_520 : i32
        %get3A_522 = arith.index_cast %add3A_521 : i32 to index
        %get3A_523 = arith.constant 32 : index
        %get3A_524 = tpu.vector_load %arg8[%get3A_522, %get3A_523] {strides = array<i32>} : memref<128x64xf32, #tpu.memory_space<vmem>>, vector<1x16xf32>,
        %get3A_525 = vector.shape_cast %get3A_524 : vector<1x16xf32> to vector<16xf32>
        %mul3A_526 = arith.constant 8.000000e+00 : f32
        %mul3A_527 = vector.broadcast %mul3A_526 : f32 to vector<16xf32>
        %mul3A_528 = arith.mulf %get3A_525, %mul3A_527 : vector<16xf32>
        %add3A_529 = arith.constant 5 : i32
        %add3A_530 = arith.addi %mul3A_169, %add3A_529 : i32
        %swap3A_531 = arith.index_cast %add3A_530 : i32 to index
        %swap3A_532 = arith.constant 32 : index
        %swap3A_533 = tpu.vector_load %arg12[%swap3A_531, %swap3A_532] {strides = array<i32>} : memref<128x64xf32, #tpu.memory_space<vmem>>, vector<1x16xf32>,
        %swap3A_534 = vector.shape_cast %swap3A_533 : vector<1x16xf32> to vector<16xf32>
        %swap3A_535 = vector.shape_cast %mul3A_528 : vector<16xf32> to vector<1x16xf32>
        tpu.vector_store %arg12[%swap3A_531, %swap3A_532], %swap3A_535 {strides = array<i32>} : memref<128x64xf32, #tpu.memory_space<vmem>>, vector<1x16xf32>,
        %add3A_536 = arith.constant 5 : i32
        %add3A_537 = arith.addi %mul3A_169, %add3A_536 : i32
        %get3A_538 = arith.index_cast %add3A_537 : i32 to index
        %get3A_539 = arith.constant 48 : index
        %get3A_540 = tpu.vector_load %arg8[%get3A_538, %get3A_539] {strides = array<i32>} : memref<128x64xf32, #tpu.memory_space<vmem>>, vector<1x16xf32>,
        %get3A_541 = vector.shape_cast %get3A_540 : vector<1x16xf32> to vector<16xf32>
        %mul3A_542 = arith.constant 8.000000e+00 : f32
        %mul3A_543 = vector.broadcast %mul3A_542 : f32 to vector<16xf32>
        %mul3A_544 = arith.mulf %get3A_541, %mul3A_543 : vector<16xf32>
        %add3A_545 = arith.constant 5 : i32
        %add3A_546 = arith.addi %mul3A_169, %add3A_545 : i32
        %swap3A_547 = arith.index_cast %add3A_546 : i32 to index
        %swap3A_548 = arith.constant 48 : index
        %swap3A_549 = tpu.vector_load %arg12[%swap3A_547, %swap3A_548] {strides = array<i32>} : memref<128x64xf32, #tpu.memory_space<vmem>>, vector<1x16xf32>,
        %swap3A_550 = vector.shape_cast %swap3A_549 : vector<1x16xf32> to vector<16xf32>
        %swap3A_551 = vector.shape_cast %mul3A_544 : vector<16xf32> to vector<1x16xf32>
        tpu.vector_store %arg12[%swap3A_547, %swap3A_548], %swap3A_551 {strides = array<i32>} : memref<128x64xf32, #tpu.memory_space<vmem>>, vector<1x16xf32>,
        %add3A_552 = arith.constant 6 : i32
        %add3A_553 = arith.addi %mul3A_169, %add3A_552 : i32
        %get3A_554 = arith.index_cast %add3A_553 : i32 to index
        %get3A_555 = arith.constant 0 : index
        %get3A_556 = tpu.vector_load %arg8[%get3A_554, %get3A_555] {strides = array<i32>} : memref<128x64xf32, #tpu.memory_space<vmem>>, vector<1x16xf32>,
        %get3A_557 = vector.shape_cast %get3A_556 : vector<1x16xf32> to vector<16xf32>
        %mul3A_558 = arith.constant 8.000000e+00 : f32
        %mul3A_559 = vector.broadcast %mul3A_558 : f32 to vector<16xf32>
        %mul3A_560 = arith.mulf %get3A_557, %mul3A_559 : vector<16xf32>
        %add3A_561 = arith.constant 6 : i32
        %add3A_562 = arith.addi %mul3A_169, %add3A_561 : i32
        %swap3A_563 = arith.index_cast %add3A_562 : i32 to index
        %swap3A_564 = arith.constant 0 : index
        %swap3A_565 = tpu.vector_load %arg12[%swap3A_563, %swap3A_564] {strides = array<i32>} : memref<128x64xf32, #tpu.memory_space<vmem>>, vector<1x16xf32>,
        %swap3A_566 = vector.shape_cast %swap3A_565 : vector<1x16xf32> to vector<16xf32>
        %swap3A_567 = vector.shape_cast %mul3A_560 : vector<16xf32> to vector<1x16xf32>
        tpu.vector_store %arg12[%swap3A_563, %swap3A_564], %swap3A_567 {strides = array<i32>} : memref<128x64xf32, #tpu.memory_space<vmem>>, vector<1x16xf32>,
        %add3A_568 = arith.constant 6 : i32
        %add3A_569 = arith.addi %mul3A_169, %add3A_568 : i32
        %get3A_570 = arith.index_cast %add3A_569 : i32 to index
        %get3A_571 = arith.constant 16 : index
        %get3A_572 = tpu.vector_load %arg8[%get3A_570, %get3A_571] {strides = array<i32>} : memref<128x64xf32, #tpu.memory_space<vmem>>, vector<1x16xf32>,
        %get3A_573 = vector.shape_cast %get3A_572 : vector<1x16xf32> to vector<16xf32>
        %mul3A_574 = arith.constant 8.000000e+00 : f32
        %mul3A_575 = vector.broadcast %mul3A_574 : f32 to vector<16xf32>
        %mul3A_576 = arith.mulf %get3A_573, %mul3A_575 : vector<16xf32>
        %add3A_577 = arith.constant 6 : i32
        %add3A_578 = arith.addi %mul3A_169, %add3A_577 : i32
        %swap3A_579 = arith.index_cast %add3A_578 : i32 to index
        %swap3A_580 = arith.constant 16 : index
        %swap3A_581 = tpu.vector_load %arg12[%swap3A_579, %swap3A_580] {strides = array<i32>} : memref<128x64xf32, #tpu.memory_space<vmem>>, vector<1x16xf32>,
        %swap3A_582 = vector.shape_cast %swap3A_581 : vector<1x16xf32> to vector<16xf32>
        %swap3A_583 = vector.shape_cast %mul3A_576 : vector<16xf32> to vector<1x16xf32>
        tpu.vector_store %arg12[%swap3A_579, %swap3A_580], %swap3A_583 {strides = array<i32>} : memref<128x64xf32, #tpu.memory_space<vmem>>, vector<1x16xf32>,
        %add3A_584 = arith.constant 6 : i32
        %add3A_585 = arith.addi %mul3A_169, %add3A_584 : i32
        %get3A_586 = arith.index_cast %add3A_585 : i32 to index
        %get3A_587 = arith.constant 32 : index
        %get3A_588 = tpu.vector_load %arg8[%get3A_586, %get3A_587] {strides = array<i32>} : memref<128x64xf32, #tpu.memory_space<vmem>>, vector<1x16xf32>,
        %get3A_589 = vector.shape_cast %get3A_588 : vector<1x16xf32> to vector<16xf32>
        %mul3A_590 = arith.constant 8.000000e+00 : f32
        %mul3A_591 = vector.broadcast %mul3A_590 : f32 to vector<16xf32>
        %mul3A_592 = arith.mulf %get3A_589, %mul3A_591 : vector<16xf32>
        %add3A_593 = arith.constant 6 : i32
        %add3A_594 = arith.addi %mul3A_169, %add3A_593 : i32
        %swap3A_595 = arith.index_cast %add3A_594 : i32 to index
        %swap3A_596 = arith.constant 32 : index
        %swap3A_597 = tpu.vector_load %arg12[%swap3A_595, %swap3A_596] {strides = array<i32>} : memref<128x64xf32, #tpu.memory_space<vmem>>, vector<1x16xf32>,
        %swap3A_598 = vector.shape_cast %swap3A_597 : vector<1x16xf32> to vector<16xf32>
        %swap3A_599 = vector.shape_cast %mul3A_592 : vector<16xf32> to vector<1x16xf32>
        tpu.vector_store %arg12[%swap3A_595, %swap3A_596], %swap3A_599 {strides = array<i32>} : memref<128x64xf32, #tpu.memory_space<vmem>>, vector<1x16xf32>,
        %add3A_600 = arith.constant 6 : i32
        %add3A_601 = arith.addi %mul3A_169, %add3A_600 : i32
        %get3A_602 = arith.index_cast %add3A_601 : i32 to index
        %get3A_603 = arith.constant 48 : index
        %get3A_604 = tpu.vector_load %arg8[%get3A_602, %get3A_603] {strides = array<i32>} : memref<128x64xf32, #tpu.memory_space<vmem>>, vector<1x16xf32>,
        %get3A_605 = vector.shape_cast %get3A_604 : vector<1x16xf32> to vector<16xf32>
        %mul3A_606 = arith.constant 8.000000e+00 : f32
        %mul3A_607 = vector.broadcast %mul3A_606 : f32 to vector<16xf32>
        %mul3A_608 = arith.mulf %get3A_605, %mul3A_607 : vector<16xf32>
        %add3A_609 = arith.constant 6 : i32
        %add3A_610 = arith.addi %mul3A_169, %add3A_609 : i32
        %swap3A_611 = arith.index_cast %add3A_610 : i32 to index
        %swap3A_612 = arith.constant 48 : index
        %swap3A_613 = tpu.vector_load %arg12[%swap3A_611, %swap3A_612] {strides = array<i32>} : memref<128x64xf32, #tpu.memory_space<vmem>>, vector<1x16xf32>,
        %swap3A_614 = vector.shape_cast %swap3A_613 : vector<1x16xf32> to vector<16xf32>
        %swap3A_615 = vector.shape_cast %mul3A_608 : vector<16xf32> to vector<1x16xf32>
        tpu.vector_store %arg12[%swap3A_611, %swap3A_612], %swap3A_615 {strides = array<i32>} : memref<128x64xf32, #tpu.memory_space<vmem>>, vector<1x16xf32>,
        %add3A_616 = arith.constant 7 : i32
        %add3A_617 = arith.addi %mul3A_169, %add3A_616 : i32
        %get3A_618 = arith.index_cast %add3A_617 : i32 to index
        %get3A_619 = arith.constant 0 : index
        %get3A_620 = tpu.vector_load %arg8[%get3A_618, %get3A_619] {strides = array<i32>} : memref<128x64xf32, #tpu.memory_space<vmem>>, vector<1x16xf32>,
        %get3A_621 = vector.shape_cast %get3A_620 : vector<1x16xf32> to vector<16xf32>
        %mul3A_622 = arith.constant 8.000000e+00 : f32
        %mul3A_623 = vector.broadcast %mul3A_622 : f32 to vector<16xf32>
        %mul3A_624 = arith.mulf %get3A_621, %mul3A_623 : vector<16xf32>
        %add3A_625 = arith.constant 7 : i32
        %add3A_626 = arith.addi %mul3A_169, %add3A_625 : i32
        %swap3A_627 = arith.index_cast %add3A_626 : i32 to index
        %swap3A_628 = arith.constant 0 : index
        %swap3A_629 = tpu.vector_load %arg12[%swap3A_627, %swap3A_628] {strides = array<i32>} : memref<128x64xf32, #tpu.memory_space<vmem>>, vector<1x16xf32>,
        %swap3A_630 = vector.shape_cast %swap3A_629 : vector<1x16xf32> to vector<16xf32>
        %swap3A_631 = vector.shape_cast %mul3A_624 : vector<16xf32> to vector<1x16xf32>
        tpu.vector_store %arg12[%swap3A_627, %swap3A_628], %swap3A_631 {strides = array<i32>} : memref<128x64xf32, #tpu.memory_space<vmem>>, vector<1x16xf32>,
        %add3A_632 = arith.constant 7 : i32
        %add3A_633 = arith.addi %mul3A_169, %add3A_632 : i32
        %get3A_634 = arith.index_cast %add3A_633 : i32 to index
        %get3A_635 = arith.constant 16 : index
        %get3A_636 = tpu.vector_load %arg8[%get3A_634, %get3A_635] {strides = array<i32>} : memref<128x64xf32, #tpu.memory_space<vmem>>, vector<1x16xf32>,
        %get3A_637 = vector.shape_cast %get3A_636 : vector<1x16xf32> to vector<16xf32>
        %mul3A_638 = arith.constant 8.000000e+00 : f32
        %mul3A_639 = vector.broadcast %mul3A_638 : f32 to vector<16xf32>
        %mul3A_640 = arith.mulf %get3A_637, %mul3A_639 : vector<16xf32>
        %add3A_641 = arith.constant 7 : i32
        %add3A_642 = arith.addi %mul3A_169, %add3A_641 : i32
        %swap3A_643 = arith.index_cast %add3A_642 : i32 to index
        %swap3A_644 = arith.constant 16 : index
        %swap3A_645 = tpu.vector_load %arg12[%swap3A_643, %swap3A_644] {strides = array<i32>} : memref<128x64xf32, #tpu.memory_space<vmem>>, vector<1x16xf32>,
        %swap3A_646 = vector.shape_cast %swap3A_645 : vector<1x16xf32> to vector<16xf32>
        %swap3A_647 = vector.shape_cast %mul3A_640 : vector<16xf32> to vector<1x16xf32>
        tpu.vector_store %arg12[%swap3A_643, %swap3A_644], %swap3A_647 {strides = array<i32>} : memref<128x64xf32, #tpu.memory_space<vmem>>, vector<1x16xf32>,
        %add3A_648 = arith.constant 7 : i32
        %add3A_649 = arith.addi %mul3A_169, %add3A_648 : i32
        %get3A_650 = arith.index_cast %add3A_649 : i32 to index
        %get3A_651 = arith.constant 32 : index
        %get3A_652 = tpu.vector_load %arg8[%get3A_650, %get3A_651] {strides = array<i32>} : memref<128x64xf32, #tpu.memory_space<vmem>>, vector<1x16xf32>,
        %get3A_653 = vector.shape_cast %get3A_652 : vector<1x16xf32> to vector<16xf32>
        %mul3A_654 = arith.constant 8.000000e+00 : f32
        %mul3A_655 = vector.broadcast %mul3A_654 : f32 to vector<16xf32>
        %mul3A_656 = arith.mulf %get3A_653, %mul3A_655 : vector<16xf32>
        %add3A_657 = arith.constant 7 : i32
        %add3A_658 = arith.addi %mul3A_169, %add3A_657 : i32
        %swap3A_659 = arith.index_cast %add3A_658 : i32 to index
        %swap3A_660 = arith.constant 32 : index
        %swap3A_661 = tpu.vector_load %arg12[%swap3A_659, %swap3A_660] {strides = array<i32>} : memref<128x64xf32, #tpu.memory_space<vmem>>, vector<1x16xf32>,
        %swap3A_662 = vector.shape_cast %swap3A_661 : vector<1x16xf32> to vector<16xf32>
        %swap3A_663 = vector.shape_cast %mul3A_656 : vector<16xf32> to vector<1x16xf32>
        tpu.vector_store %arg12[%swap3A_659, %swap3A_660], %swap3A_663 {strides = array<i32>} : memref<128x64xf32, #tpu.memory_space<vmem>>, vector<1x16xf32>,
        %add3A_664 = arith.constant 7 : i32
        %add3A_665 = arith.addi %mul3A_169, %add3A_664 : i32
        %get3A_666 = arith.index_cast %add3A_665 : i32 to index
        %get3A_667 = arith.constant 48 : index
        %get3A_668 = tpu.vector_load %arg8[%get3A_666, %get3A_667] {strides = array<i32>} : memref<128x64xf32, #tpu.memory_space<vmem>>, vector<1x16xf32>,
        %get3A_669 = vector.shape_cast %get3A_668 : vector<1x16xf32> to vector<16xf32>
        %mul3A_670 = arith.constant 8.000000e+00 : f32
        %mul3A_671 = vector.broadcast %mul3A_670 : f32 to vector<16xf32>
        %mul3A_672 = arith.mulf %get3A_669, %mul3A_671 : vector<16xf32>
        %add3A_673 = arith.constant 7 : i32
        %add3A_674 = arith.addi %mul3A_169, %add3A_673 : i32
        %swap3A_675 = arith.index_cast %add3A_674 : i32 to index
        %swap3A_676 = arith.constant 48 : index
        %swap3A_677 = tpu.vector_load %arg12[%swap3A_675, %swap3A_676] {strides = array<i32>} : memref<128x64xf32, #tpu.memory_space<vmem>>, vector<1x16xf32>,
        %swap3A_678 = vector.shape_cast %swap3A_677 : vector<1x16xf32> to vector<16xf32>
        %swap3A_679 = vector.shape_cast %mul3A_672 : vector<16xf32> to vector<1x16xf32>
        tpu.vector_store %arg12[%swap3A_675, %swap3A_676], %swap3A_679 {strides = array<i32>} : memref<128x64xf32, #tpu.memory_space<vmem>>, vector<1x16xf32>,
      }
      %scan3A_122 = arith.constant 16 : i32
      %mul3A_123 = arith.constant 128 : i32
      %mul3A_124 = arith.muli %add3A_106, %mul3A_123 : i32
      %add3A_125 = arith.addi %mul3A_2, %mul3A_124 : i32
      %dma_start3A_126 = arith.constant 0 : i32
      %dma_start3A_127 = tpu.memref_slice %arg4[%add3A_125, %dma_start3A_126] : memref<819200x64xf32, #tpu.memory_space<hbm>> -> memref<128x64xf32, #tpu.memory_space<hbm>>
      %dma_start3A_128 = arith.constant 0 : i32
      %dma_start3A_129 = tpu.memref_slice %arg4[%add3A_125, %dma_start3A_128] : memref<819200x64xf32, #tpu.memory_space<hbm>> -> memref<128x64xf32, #tpu.memory_space<hbm>>
      tpu.enqueue_dma source(%arg12 : memref<128x64xf32, #tpu.memory_space<vmem>>) target(%dma_start3A_129 : memref<128x64xf32, #tpu.memory_space<hbm>>) target_semaphore(%arg20 : memref<!tpu.dma_semaphore, #tpu.memory_space<semaphore_mem>>)
      %lt3A_130 = arith.constant 49 : i32
      %lt3A_131 = arith.cmpi slt, %scan3A_42, %lt3A_130 : i32
      %convert_element_type3A_132 = arith.extui %lt3A_131 : i1 to i32
      %cond3A_133 = arith.constant 0 : i32
      %cond3A_134 = arith.cmpi ne, %convert_element_type3A_132, %cond3A_133 : i32
      scf.if %cond3A_134 {
        %add3A_167 = arith.constant 4 : i32
        %add3A_168 = arith.addi %add3A_106, %add3A_167 : i32
        %mul3A_169 = arith.constant 128 : i32
        %mul3A_170 = arith.muli %add3A_168, %mul3A_169 : i32
        %dma_start3A_171 = tpu.memref_slice %arg5[%mul3A_170] : memref<25600xi32, #tpu.memory_space<vmem>> -> memref<128xi32, #tpu.memory_space<vmem>>
        %dma_start3A_172 = arith.constant 0 : i32
        %dma_start3A_173 = arith.constant 0 : i32
        %dma_start3A_174 = tpu.memref_slice %arg3[%dma_start3A_172, %dma_start3A_173] : memref<1000000x64xf32, #tpu.memory_space<hbm>> -> memref<1000000x64xf32, #tpu.memory_space<hbm>>
        tpu.enqueue_indirect_dma source(%dma_start3A_174 : memref<1000000x64xf32, #tpu.memory_space<hbm>>) target(%arg8 : memref<128x64xf32, #tpu.memory_space<vmem>>) offsets(%dma_start3A_171 : memref<128xi32, #tpu.memory_space<vmem>>) semaphore(%arg16 : memref<!tpu.dma_semaphore, #tpu.memory_space<semaphore_mem>>)
      } else {
      }
      %mul3A_135 = arith.constant 4 : i32
      %mul3A_136 = arith.muli %scan3A_42, %mul3A_135 : i32
      %add3A_137 = arith.constant 3 : i32
      %add3A_138 = arith.addi %mul3A_136, %add3A_137 : i32
      %dma_wait3A_139 = arith.constant 0 : i32
      %dma_wait3A_140 = tpu.memref_slice %arg5[%dma_wait3A_139] : memref<25600xi32, #tpu.memory_space<vmem>> -> memref<128xi32, #tpu.memory_space<vmem>>
      %dma_wait3A_141 = arith.constant 0 : i32
      %dma_wait3A_142 = arith.constant 0 : i32
      %dma_wait3A_143 = tpu.memref_slice %arg3[%dma_wait3A_141, %dma_wait3A_142] : memref<1000000x64xf32, #tpu.memory_space<hbm>> -> memref<1000000x64xf32, #tpu.memory_space<hbm>>
      tpu.wait_indirect_dma semaphore(%arg17 : memref<!tpu.dma_semaphore, #tpu.memory_space<semaphore_mem>>) src(%dma_wait3A_143 : memref<1000000x64xf32, #tpu.memory_space<hbm>>) dst(%arg9 : memref<128x64xf32, #tpu.memory_space<vmem>>)
      %ge3A_144 = arith.constant 1 : i32
      %ge3A_145 = arith.cmpi sge, %scan3A_42, %ge3A_144 : i32
      %convert_element_type3A_146 = arith.extui %ge3A_145 : i1 to i32
      %cond3A_147 = arith.constant 0 : i32
      %cond3A_148 = arith.cmpi ne, %convert_element_type3A_146, %cond3A_147 : i32
      scf.if %cond3A_148 {
        %dma_wait3A_167 = arith.constant 0 : i32
        %dma_wait3A_168 = tpu.memref_slice %arg4[%mul3A_2, %dma_wait3A_167] : memref<819200x64xf32, #tpu.memory_space<hbm>> -> memref<128x64xf32, #tpu.memory_space<hbm>>
        %dma_wait3A_169 = arith.constant 0 : i32
        %dma_wait3A_170 = tpu.memref_slice %arg4[%mul3A_2, %dma_wait3A_169] : memref<819200x64xf32, #tpu.memory_space<hbm>> -> memref<128x64xf32, #tpu.memory_space<hbm>>
        tpu.wait_dma2 semaphore(%arg21 : memref<!tpu.dma_semaphore, #tpu.memory_space<semaphore_mem>>) src(%arg13 : memref<128x64xf32, #tpu.memory_space<vmem>>) dst(%dma_wait3A_170 : memref<128x64xf32, #tpu.memory_space<hbm>>)
      } else {
      }
      %scan3A_149 = arith.constant 0 : i32
      %scan3A_150 = arith.constant 0 : i32
      %scan3A_151 = arith.constant 16 : i32
      %scan3A_152 = arith.addi %scan3A_150, %scan3A_151 : i32
      %scan3A_153 = arith.constant 1 : i32
      scf.for %scan3A_167 = %scan3A_150 to %scan3A_152 step %scan3A_153  : i32 {
        %mul3A_168 = arith.constant 8 : i32
        %mul3A_169 = arith.muli %scan3A_167, %mul3A_168 : i32
        %add3A_170 = arith.constant 0 : i32
        %add3A_171 = arith.addi %mul3A_169, %add3A_170 : i32
        %get3A = arith.index_cast %add3A_171 : i32 to index
        %get3A_172 = arith.constant 0 : index
        %get3A_173 = tpu.vector_load %arg9[%get3A, %get3A_172] {strides = array<i32>} : memref<128x64xf32, #tpu.memory_space<vmem>>, vector<1x16xf32>,
        %get3A_174 = vector.shape_cast %get3A_173 : vector<1x16xf32> to vector<16xf32>
        %mul3A_175 = arith.constant 8.000000e+00 : f32
        %mul3A_176 = vector.broadcast %mul3A_175 : f32 to vector<16xf32>
        %mul3A_177 = arith.mulf %get3A_174, %mul3A_176 : vector<16xf32>
        %add3A_178 = arith.constant 0 : i32
        %add3A_179 = arith.addi %mul3A_169, %add3A_178 : i32
        %swap3A = arith.index_cast %add3A_179 : i32 to index
        %swap3A_180 = arith.constant 0 : index
        %swap3A_181 = tpu.vector_load %arg13[%swap3A, %swap3A_180] {strides = array<i32>} : memref<128x64xf32, #tpu.memory_space<vmem>>, vector<1x16xf32>,
        %swap3A_182 = vector.shape_cast %swap3A_181 : vector<1x16xf32> to vector<16xf32>
        %swap3A_183 = vector.shape_cast %mul3A_177 : vector<16xf32> to vector<1x16xf32>
        tpu.vector_store %arg13[%swap3A, %swap3A_180], %swap3A_183 {strides = array<i32>} : memref<128x64xf32, #tpu.memory_space<vmem>>, vector<1x16xf32>,
        %add3A_184 = arith.constant 0 : i32
        %add3A_185 = arith.addi %mul3A_169, %add3A_184 : i32
        %get3A_186 = arith.index_cast %add3A_185 : i32 to index
        %get3A_187 = arith.constant 16 : index
        %get3A_188 = tpu.vector_load %arg9[%get3A_186, %get3A_187] {strides = array<i32>} : memref<128x64xf32, #tpu.memory_space<vmem>>, vector<1x16xf32>,
        %get3A_189 = vector.shape_cast %get3A_188 : vector<1x16xf32> to vector<16xf32>
        %mul3A_190 = arith.constant 8.000000e+00 : f32
        %mul3A_191 = vector.broadcast %mul3A_190 : f32 to vector<16xf32>
        %mul3A_192 = arith.mulf %get3A_189, %mul3A_191 : vector<16xf32>
        %add3A_193 = arith.constant 0 : i32
        %add3A_194 = arith.addi %mul3A_169, %add3A_193 : i32
        %swap3A_195 = arith.index_cast %add3A_194 : i32 to index
        %swap3A_196 = arith.constant 16 : index
        %swap3A_197 = tpu.vector_load %arg13[%swap3A_195, %swap3A_196] {strides = array<i32>} : memref<128x64xf32, #tpu.memory_space<vmem>>, vector<1x16xf32>,
        %swap3A_198 = vector.shape_cast %swap3A_197 : vector<1x16xf32> to vector<16xf32>
        %swap3A_199 = vector.shape_cast %mul3A_192 : vector<16xf32> to vector<1x16xf32>
        tpu.vector_store %arg13[%swap3A_195, %swap3A_196], %swap3A_199 {strides = array<i32>} : memref<128x64xf32, #tpu.memory_space<vmem>>, vector<1x16xf32>,
        %add3A_200 = arith.constant 0 : i32
        %add3A_201 = arith.addi %mul3A_169, %add3A_200 : i32
        %get3A_202 = arith.index_cast %add3A_201 : i32 to index
        %get3A_203 = arith.constant 32 : index
        %get3A_204 = tpu.vector_load %arg9[%get3A_202, %get3A_203] {strides = array<i32>} : memref<128x64xf32, #tpu.memory_space<vmem>>, vector<1x16xf32>,
        %get3A_205 = vector.shape_cast %get3A_204 : vector<1x16xf32> to vector<16xf32>
        %mul3A_206 = arith.constant 8.000000e+00 : f32
        %mul3A_207 = vector.broadcast %mul3A_206 : f32 to vector<16xf32>
        %mul3A_208 = arith.mulf %get3A_205, %mul3A_207 : vector<16xf32>
        %add3A_209 = arith.constant 0 : i32
        %add3A_210 = arith.addi %mul3A_169, %add3A_209 : i32
        %swap3A_211 = arith.index_cast %add3A_210 : i32 to index
        %swap3A_212 = arith.constant 32 : index
        %swap3A_213 = tpu.vector_load %arg13[%swap3A_211, %swap3A_212] {strides = array<i32>} : memref<128x64xf32, #tpu.memory_space<vmem>>, vector<1x16xf32>,
        %swap3A_214 = vector.shape_cast %swap3A_213 : vector<1x16xf32> to vector<16xf32>
        %swap3A_215 = vector.shape_cast %mul3A_208 : vector<16xf32> to vector<1x16xf32>
        tpu.vector_store %arg13[%swap3A_211, %swap3A_212], %swap3A_215 {strides = array<i32>} : memref<128x64xf32, #tpu.memory_space<vmem>>, vector<1x16xf32>,
        %add3A_216 = arith.constant 0 : i32
        %add3A_217 = arith.addi %mul3A_169, %add3A_216 : i32
        %get3A_218 = arith.index_cast %add3A_217 : i32 to index
        %get3A_219 = arith.constant 48 : index
        %get3A_220 = tpu.vector_load %arg9[%get3A_218, %get3A_219] {strides = array<i32>} : memref<128x64xf32, #tpu.memory_space<vmem>>, vector<1x16xf32>,
        %get3A_221 = vector.shape_cast %get3A_220 : vector<1x16xf32> to vector<16xf32>
        %mul3A_222 = arith.constant 8.000000e+00 : f32
        %mul3A_223 = vector.broadcast %mul3A_222 : f32 to vector<16xf32>
        %mul3A_224 = arith.mulf %get3A_221, %mul3A_223 : vector<16xf32>
        %add3A_225 = arith.constant 0 : i32
        %add3A_226 = arith.addi %mul3A_169, %add3A_225 : i32
        %swap3A_227 = arith.index_cast %add3A_226 : i32 to index
        %swap3A_228 = arith.constant 48 : index
        %swap3A_229 = tpu.vector_load %arg13[%swap3A_227, %swap3A_228] {strides = array<i32>} : memref<128x64xf32, #tpu.memory_space<vmem>>, vector<1x16xf32>,
        %swap3A_230 = vector.shape_cast %swap3A_229 : vector<1x16xf32> to vector<16xf32>
        %swap3A_231 = vector.shape_cast %mul3A_224 : vector<16xf32> to vector<1x16xf32>
        tpu.vector_store %arg13[%swap3A_227, %swap3A_228], %swap3A_231 {strides = array<i32>} : memref<128x64xf32, #tpu.memory_space<vmem>>, vector<1x16xf32>,
        %add3A_232 = arith.constant 1 : i32
        %add3A_233 = arith.addi %mul3A_169, %add3A_232 : i32
        %get3A_234 = arith.index_cast %add3A_233 : i32 to index
        %get3A_235 = arith.constant 0 : index
        %get3A_236 = tpu.vector_load %arg9[%get3A_234, %get3A_235] {strides = array<i32>} : memref<128x64xf32, #tpu.memory_space<vmem>>, vector<1x16xf32>,
        %get3A_237 = vector.shape_cast %get3A_236 : vector<1x16xf32> to vector<16xf32>
        %mul3A_238 = arith.constant 8.000000e+00 : f32
        %mul3A_239 = vector.broadcast %mul3A_238 : f32 to vector<16xf32>
        %mul3A_240 = arith.mulf %get3A_237, %mul3A_239 : vector<16xf32>
        %add3A_241 = arith.constant 1 : i32
        %add3A_242 = arith.addi %mul3A_169, %add3A_241 : i32
        %swap3A_243 = arith.index_cast %add3A_242 : i32 to index
        %swap3A_244 = arith.constant 0 : index
        %swap3A_245 = tpu.vector_load %arg13[%swap3A_243, %swap3A_244] {strides = array<i32>} : memref<128x64xf32, #tpu.memory_space<vmem>>, vector<1x16xf32>,
        %swap3A_246 = vector.shape_cast %swap3A_245 : vector<1x16xf32> to vector<16xf32>
        %swap3A_247 = vector.shape_cast %mul3A_240 : vector<16xf32> to vector<1x16xf32>
        tpu.vector_store %arg13[%swap3A_243, %swap3A_244], %swap3A_247 {strides = array<i32>} : memref<128x64xf32, #tpu.memory_space<vmem>>, vector<1x16xf32>,
        %add3A_248 = arith.constant 1 : i32
        %add3A_249 = arith.addi %mul3A_169, %add3A_248 : i32
        %get3A_250 = arith.index_cast %add3A_249 : i32 to index
        %get3A_251 = arith.constant 16 : index
        %get3A_252 = tpu.vector_load %arg9[%get3A_250, %get3A_251] {strides = array<i32>} : memref<128x64xf32, #tpu.memory_space<vmem>>, vector<1x16xf32>,
        %get3A_253 = vector.shape_cast %get3A_252 : vector<1x16xf32> to vector<16xf32>
        %mul3A_254 = arith.constant 8.000000e+00 : f32
        %mul3A_255 = vector.broadcast %mul3A_254 : f32 to vector<16xf32>
        %mul3A_256 = arith.mulf %get3A_253, %mul3A_255 : vector<16xf32>
        %add3A_257 = arith.constant 1 : i32
        %add3A_258 = arith.addi %mul3A_169, %add3A_257 : i32
        %swap3A_259 = arith.index_cast %add3A_258 : i32 to index
        %swap3A_260 = arith.constant 16 : index
        %swap3A_261 = tpu.vector_load %arg13[%swap3A_259, %swap3A_260] {strides = array<i32>} : memref<128x64xf32, #tpu.memory_space<vmem>>, vector<1x16xf32>,
        %swap3A_262 = vector.shape_cast %swap3A_261 : vector<1x16xf32> to vector<16xf32>
        %swap3A_263 = vector.shape_cast %mul3A_256 : vector<16xf32> to vector<1x16xf32>
        tpu.vector_store %arg13[%swap3A_259, %swap3A_260], %swap3A_263 {strides = array<i32>} : memref<128x64xf32, #tpu.memory_space<vmem>>, vector<1x16xf32>,
        %add3A_264 = arith.constant 1 : i32
        %add3A_265 = arith.addi %mul3A_169, %add3A_264 : i32
        %get3A_266 = arith.index_cast %add3A_265 : i32 to index
        %get3A_267 = arith.constant 32 : index
        %get3A_268 = tpu.vector_load %arg9[%get3A_266, %get3A_267] {strides = array<i32>} : memref<128x64xf32, #tpu.memory_space<vmem>>, vector<1x16xf32>,
        %get3A_269 = vector.shape_cast %get3A_268 : vector<1x16xf32> to vector<16xf32>
        %mul3A_270 = arith.constant 8.000000e+00 : f32
        %mul3A_271 = vector.broadcast %mul3A_270 : f32 to vector<16xf32>
        %mul3A_272 = arith.mulf %get3A_269, %mul3A_271 : vector<16xf32>
        %add3A_273 = arith.constant 1 : i32
        %add3A_274 = arith.addi %mul3A_169, %add3A_273 : i32
        %swap3A_275 = arith.index_cast %add3A_274 : i32 to index
        %swap3A_276 = arith.constant 32 : index
        %swap3A_277 = tpu.vector_load %arg13[%swap3A_275, %swap3A_276] {strides = array<i32>} : memref<128x64xf32, #tpu.memory_space<vmem>>, vector<1x16xf32>,
        %swap3A_278 = vector.shape_cast %swap3A_277 : vector<1x16xf32> to vector<16xf32>
        %swap3A_279 = vector.shape_cast %mul3A_272 : vector<16xf32> to vector<1x16xf32>
        tpu.vector_store %arg13[%swap3A_275, %swap3A_276], %swap3A_279 {strides = array<i32>} : memref<128x64xf32, #tpu.memory_space<vmem>>, vector<1x16xf32>,
        %add3A_280 = arith.constant 1 : i32
        %add3A_281 = arith.addi %mul3A_169, %add3A_280 : i32
        %get3A_282 = arith.index_cast %add3A_281 : i32 to index
        %get3A_283 = arith.constant 48 : index
        %get3A_284 = tpu.vector_load %arg9[%get3A_282, %get3A_283] {strides = array<i32>} : memref<128x64xf32, #tpu.memory_space<vmem>>, vector<1x16xf32>,
        %get3A_285 = vector.shape_cast %get3A_284 : vector<1x16xf32> to vector<16xf32>
        %mul3A_286 = arith.constant 8.000000e+00 : f32
        %mul3A_287 = vector.broadcast %mul3A_286 : f32 to vector<16xf32>
        %mul3A_288 = arith.mulf %get3A_285, %mul3A_287 : vector<16xf32>
        %add3A_289 = arith.constant 1 : i32
        %add3A_290 = arith.addi %mul3A_169, %add3A_289 : i32
        %swap3A_291 = arith.index_cast %add3A_290 : i32 to index
        %swap3A_292 = arith.constant 48 : index
        %swap3A_293 = tpu.vector_load %arg13[%swap3A_291, %swap3A_292] {strides = array<i32>} : memref<128x64xf32, #tpu.memory_space<vmem>>, vector<1x16xf32>,
        %swap3A_294 = vector.shape_cast %swap3A_293 : vector<1x16xf32> to vector<16xf32>
        %swap3A_295 = vector.shape_cast %mul3A_288 : vector<16xf32> to vector<1x16xf32>
        tpu.vector_store %arg13[%swap3A_291, %swap3A_292], %swap3A_295 {strides = array<i32>} : memref<128x64xf32, #tpu.memory_space<vmem>>, vector<1x16xf32>,
        %add3A_296 = arith.constant 2 : i32
        %add3A_297 = arith.addi %mul3A_169, %add3A_296 : i32
        %get3A_298 = arith.index_cast %add3A_297 : i32 to index
        %get3A_299 = arith.constant 0 : index
        %get3A_300 = tpu.vector_load %arg9[%get3A_298, %get3A_299] {strides = array<i32>} : memref<128x64xf32, #tpu.memory_space<vmem>>, vector<1x16xf32>,
        %get3A_301 = vector.shape_cast %get3A_300 : vector<1x16xf32> to vector<16xf32>
        %mul3A_302 = arith.constant 8.000000e+00 : f32
        %mul3A_303 = vector.broadcast %mul3A_302 : f32 to vector<16xf32>
        %mul3A_304 = arith.mulf %get3A_301, %mul3A_303 : vector<16xf32>
        %add3A_305 = arith.constant 2 : i32
        %add3A_306 = arith.addi %mul3A_169, %add3A_305 : i32
        %swap3A_307 = arith.index_cast %add3A_306 : i32 to index
        %swap3A_308 = arith.constant 0 : index
        %swap3A_309 = tpu.vector_load %arg13[%swap3A_307, %swap3A_308] {strides = array<i32>} : memref<128x64xf32, #tpu.memory_space<vmem>>, vector<1x16xf32>,
        %swap3A_310 = vector.shape_cast %swap3A_309 : vector<1x16xf32> to vector<16xf32>
        %swap3A_311 = vector.shape_cast %mul3A_304 : vector<16xf32> to vector<1x16xf32>
        tpu.vector_store %arg13[%swap3A_307, %swap3A_308], %swap3A_311 {strides = array<i32>} : memref<128x64xf32, #tpu.memory_space<vmem>>, vector<1x16xf32>,
        %add3A_312 = arith.constant 2 : i32
        %add3A_313 = arith.addi %mul3A_169, %add3A_312 : i32
        %get3A_314 = arith.index_cast %add3A_313 : i32 to index
        %get3A_315 = arith.constant 16 : index
        %get3A_316 = tpu.vector_load %arg9[%get3A_314, %get3A_315] {strides = array<i32>} : memref<128x64xf32, #tpu.memory_space<vmem>>, vector<1x16xf32>,
        %get3A_317 = vector.shape_cast %get3A_316 : vector<1x16xf32> to vector<16xf32>
        %mul3A_318 = arith.constant 8.000000e+00 : f32
        %mul3A_319 = vector.broadcast %mul3A_318 : f32 to vector<16xf32>
        %mul3A_320 = arith.mulf %get3A_317, %mul3A_319 : vector<16xf32>
        %add3A_321 = arith.constant 2 : i32
        %add3A_322 = arith.addi %mul3A_169, %add3A_321 : i32
        %swap3A_323 = arith.index_cast %add3A_322 : i32 to index
        %swap3A_324 = arith.constant 16 : index
        %swap3A_325 = tpu.vector_load %arg13[%swap3A_323, %swap3A_324] {strides = array<i32>} : memref<128x64xf32, #tpu.memory_space<vmem>>, vector<1x16xf32>,
        %swap3A_326 = vector.shape_cast %swap3A_325 : vector<1x16xf32> to vector<16xf32>
        %swap3A_327 = vector.shape_cast %mul3A_320 : vector<16xf32> to vector<1x16xf32>
        tpu.vector_store %arg13[%swap3A_323, %swap3A_324], %swap3A_327 {strides = array<i32>} : memref<128x64xf32, #tpu.memory_space<vmem>>, vector<1x16xf32>,
        %add3A_328 = arith.constant 2 : i32
        %add3A_329 = arith.addi %mul3A_169, %add3A_328 : i32
        %get3A_330 = arith.index_cast %add3A_329 : i32 to index
        %get3A_331 = arith.constant 32 : index
        %get3A_332 = tpu.vector_load %arg9[%get3A_330, %get3A_331] {strides = array<i32>} : memref<128x64xf32, #tpu.memory_space<vmem>>, vector<1x16xf32>,
        %get3A_333 = vector.shape_cast %get3A_332 : vector<1x16xf32> to vector<16xf32>
        %mul3A_334 = arith.constant 8.000000e+00 : f32
        %mul3A_335 = vector.broadcast %mul3A_334 : f32 to vector<16xf32>
        %mul3A_336 = arith.mulf %get3A_333, %mul3A_335 : vector<16xf32>
        %add3A_337 = arith.constant 2 : i32
        %add3A_338 = arith.addi %mul3A_169, %add3A_337 : i32
        %swap3A_339 = arith.index_cast %add3A_338 : i32 to index
        %swap3A_340 = arith.constant 32 : index
        %swap3A_341 = tpu.vector_load %arg13[%swap3A_339, %swap3A_340] {strides = array<i32>} : memref<128x64xf32, #tpu.memory_space<vmem>>, vector<1x16xf32>,
        %swap3A_342 = vector.shape_cast %swap3A_341 : vector<1x16xf32> to vector<16xf32>
        %swap3A_343 = vector.shape_cast %mul3A_336 : vector<16xf32> to vector<1x16xf32>
        tpu.vector_store %arg13[%swap3A_339, %swap3A_340], %swap3A_343 {strides = array<i32>} : memref<128x64xf32, #tpu.memory_space<vmem>>, vector<1x16xf32>,
        %add3A_344 = arith.constant 2 : i32
        %add3A_345 = arith.addi %mul3A_169, %add3A_344 : i32
        %get3A_346 = arith.index_cast %add3A_345 : i32 to index
        %get3A_347 = arith.constant 48 : index
        %get3A_348 = tpu.vector_load %arg9[%get3A_346, %get3A_347] {strides = array<i32>} : memref<128x64xf32, #tpu.memory_space<vmem>>, vector<1x16xf32>,
        %get3A_349 = vector.shape_cast %get3A_348 : vector<1x16xf32> to vector<16xf32>
        %mul3A_350 = arith.constant 8.000000e+00 : f32
        %mul3A_351 = vector.broadcast %mul3A_350 : f32 to vector<16xf32>
        %mul3A_352 = arith.mulf %get3A_349, %mul3A_351 : vector<16xf32>
        %add3A_353 = arith.constant 2 : i32
        %add3A_354 = arith.addi %mul3A_169, %add3A_353 : i32
        %swap3A_355 = arith.index_cast %add3A_354 : i32 to index
        %swap3A_356 = arith.constant 48 : index
        %swap3A_357 = tpu.vector_load %arg13[%swap3A_355, %swap3A_356] {strides = array<i32>} : memref<128x64xf32, #tpu.memory_space<vmem>>, vector<1x16xf32>,
        %swap3A_358 = vector.shape_cast %swap3A_357 : vector<1x16xf32> to vector<16xf32>
        %swap3A_359 = vector.shape_cast %mul3A_352 : vector<16xf32> to vector<1x16xf32>
        tpu.vector_store %arg13[%swap3A_355, %swap3A_356], %swap3A_359 {strides = array<i32>} : memref<128x64xf32, #tpu.memory_space<vmem>>, vector<1x16xf32>,
        %add3A_360 = arith.constant 3 : i32
        %add3A_361 = arith.addi %mul3A_169, %add3A_360 : i32
        %get3A_362 = arith.index_cast %add3A_361 : i32 to index
        %get3A_363 = arith.constant 0 : index
        %get3A_364 = tpu.vector_load %arg9[%get3A_362, %get3A_363] {strides = array<i32>} : memref<128x64xf32, #tpu.memory_space<vmem>>, vector<1x16xf32>,
        %get3A_365 = vector.shape_cast %get3A_364 : vector<1x16xf32> to vector<16xf32>
        %mul3A_366 = arith.constant 8.000000e+00 : f32
        %mul3A_367 = vector.broadcast %mul3A_366 : f32 to vector<16xf32>
        %mul3A_368 = arith.mulf %get3A_365, %mul3A_367 : vector<16xf32>
        %add3A_369 = arith.constant 3 : i32
        %add3A_370 = arith.addi %mul3A_169, %add3A_369 : i32
        %swap3A_371 = arith.index_cast %add3A_370 : i32 to index
        %swap3A_372 = arith.constant 0 : index
        %swap3A_373 = tpu.vector_load %arg13[%swap3A_371, %swap3A_372] {strides = array<i32>} : memref<128x64xf32, #tpu.memory_space<vmem>>, vector<1x16xf32>,
        %swap3A_374 = vector.shape_cast %swap3A_373 : vector<1x16xf32> to vector<16xf32>
        %swap3A_375 = vector.shape_cast %mul3A_368 : vector<16xf32> to vector<1x16xf32>
        tpu.vector_store %arg13[%swap3A_371, %swap3A_372], %swap3A_375 {strides = array<i32>} : memref<128x64xf32, #tpu.memory_space<vmem>>, vector<1x16xf32>,
        %add3A_376 = arith.constant 3 : i32
        %add3A_377 = arith.addi %mul3A_169, %add3A_376 : i32
        %get3A_378 = arith.index_cast %add3A_377 : i32 to index
        %get3A_379 = arith.constant 16 : index
        %get3A_380 = tpu.vector_load %arg9[%get3A_378, %get3A_379] {strides = array<i32>} : memref<128x64xf32, #tpu.memory_space<vmem>>, vector<1x16xf32>,
        %get3A_381 = vector.shape_cast %get3A_380 : vector<1x16xf32> to vector<16xf32>
        %mul3A_382 = arith.constant 8.000000e+00 : f32
        %mul3A_383 = vector.broadcast %mul3A_382 : f32 to vector<16xf32>
        %mul3A_384 = arith.mulf %get3A_381, %mul3A_383 : vector<16xf32>
        %add3A_385 = arith.constant 3 : i32
        %add3A_386 = arith.addi %mul3A_169, %add3A_385 : i32
        %swap3A_387 = arith.index_cast %add3A_386 : i32 to index
        %swap3A_388 = arith.constant 16 : index
        %swap3A_389 = tpu.vector_load %arg13[%swap3A_387, %swap3A_388] {strides = array<i32>} : memref<128x64xf32, #tpu.memory_space<vmem>>, vector<1x16xf32>,
        %swap3A_390 = vector.shape_cast %swap3A_389 : vector<1x16xf32> to vector<16xf32>
        %swap3A_391 = vector.shape_cast %mul3A_384 : vector<16xf32> to vector<1x16xf32>
        tpu.vector_store %arg13[%swap3A_387, %swap3A_388], %swap3A_391 {strides = array<i32>} : memref<128x64xf32, #tpu.memory_space<vmem>>, vector<1x16xf32>,
        %add3A_392 = arith.constant 3 : i32
        %add3A_393 = arith.addi %mul3A_169, %add3A_392 : i32
        %get3A_394 = arith.index_cast %add3A_393 : i32 to index
        %get3A_395 = arith.constant 32 : index
        %get3A_396 = tpu.vector_load %arg9[%get3A_394, %get3A_395] {strides = array<i32>} : memref<128x64xf32, #tpu.memory_space<vmem>>, vector<1x16xf32>,
        %get3A_397 = vector.shape_cast %get3A_396 : vector<1x16xf32> to vector<16xf32>
        %mul3A_398 = arith.constant 8.000000e+00 : f32
        %mul3A_399 = vector.broadcast %mul3A_398 : f32 to vector<16xf32>
        %mul3A_400 = arith.mulf %get3A_397, %mul3A_399 : vector<16xf32>
        %add3A_401 = arith.constant 3 : i32
        %add3A_402 = arith.addi %mul3A_169, %add3A_401 : i32
        %swap3A_403 = arith.index_cast %add3A_402 : i32 to index
        %swap3A_404 = arith.constant 32 : index
        %swap3A_405 = tpu.vector_load %arg13[%swap3A_403, %swap3A_404] {strides = array<i32>} : memref<128x64xf32, #tpu.memory_space<vmem>>, vector<1x16xf32>,
        %swap3A_406 = vector.shape_cast %swap3A_405 : vector<1x16xf32> to vector<16xf32>
        %swap3A_407 = vector.shape_cast %mul3A_400 : vector<16xf32> to vector<1x16xf32>
        tpu.vector_store %arg13[%swap3A_403, %swap3A_404], %swap3A_407 {strides = array<i32>} : memref<128x64xf32, #tpu.memory_space<vmem>>, vector<1x16xf32>,
        %add3A_408 = arith.constant 3 : i32
        %add3A_409 = arith.addi %mul3A_169, %add3A_408 : i32
        %get3A_410 = arith.index_cast %add3A_409 : i32 to index
        %get3A_411 = arith.constant 48 : index
        %get3A_412 = tpu.vector_load %arg9[%get3A_410, %get3A_411] {strides = array<i32>} : memref<128x64xf32, #tpu.memory_space<vmem>>, vector<1x16xf32>,
        %get3A_413 = vector.shape_cast %get3A_412 : vector<1x16xf32> to vector<16xf32>
        %mul3A_414 = arith.constant 8.000000e+00 : f32
        %mul3A_415 = vector.broadcast %mul3A_414 : f32 to vector<16xf32>
        %mul3A_416 = arith.mulf %get3A_413, %mul3A_415 : vector<16xf32>
        %add3A_417 = arith.constant 3 : i32
        %add3A_418 = arith.addi %mul3A_169, %add3A_417 : i32
        %swap3A_419 = arith.index_cast %add3A_418 : i32 to index
        %swap3A_420 = arith.constant 48 : index
        %swap3A_421 = tpu.vector_load %arg13[%swap3A_419, %swap3A_420] {strides = array<i32>} : memref<128x64xf32, #tpu.memory_space<vmem>>, vector<1x16xf32>,
        %swap3A_422 = vector.shape_cast %swap3A_421 : vector<1x16xf32> to vector<16xf32>
        %swap3A_423 = vector.shape_cast %mul3A_416 : vector<16xf32> to vector<1x16xf32>
        tpu.vector_store %arg13[%swap3A_419, %swap3A_420], %swap3A_423 {strides = array<i32>} : memref<128x64xf32, #tpu.memory_space<vmem>>, vector<1x16xf32>,
        %add3A_424 = arith.constant 4 : i32
        %add3A_425 = arith.addi %mul3A_169, %add3A_424 : i32
        %get3A_426 = arith.index_cast %add3A_425 : i32 to index
        %get3A_427 = arith.constant 0 : index
        %get3A_428 = tpu.vector_load %arg9[%get3A_426, %get3A_427] {strides = array<i32>} : memref<128x64xf32, #tpu.memory_space<vmem>>, vector<1x16xf32>,
        %get3A_429 = vector.shape_cast %get3A_428 : vector<1x16xf32> to vector<16xf32>
        %mul3A_430 = arith.constant 8.000000e+00 : f32
        %mul3A_431 = vector.broadcast %mul3A_430 : f32 to vector<16xf32>
        %mul3A_432 = arith.mulf %get3A_429, %mul3A_431 : vector<16xf32>
        %add3A_433 = arith.constant 4 : i32
        %add3A_434 = arith.addi %mul3A_169, %add3A_433 : i32
        %swap3A_435 = arith.index_cast %add3A_434 : i32 to index
        %swap3A_436 = arith.constant 0 : index
        %swap3A_437 = tpu.vector_load %arg13[%swap3A_435, %swap3A_436] {strides = array<i32>} : memref<128x64xf32, #tpu.memory_space<vmem>>, vector<1x16xf32>,
        %swap3A_438 = vector.shape_cast %swap3A_437 : vector<1x16xf32> to vector<16xf32>
        %swap3A_439 = vector.shape_cast %mul3A_432 : vector<16xf32> to vector<1x16xf32>
        tpu.vector_store %arg13[%swap3A_435, %swap3A_436], %swap3A_439 {strides = array<i32>} : memref<128x64xf32, #tpu.memory_space<vmem>>, vector<1x16xf32>,
        %add3A_440 = arith.constant 4 : i32
        %add3A_441 = arith.addi %mul3A_169, %add3A_440 : i32
        %get3A_442 = arith.index_cast %add3A_441 : i32 to index
        %get3A_443 = arith.constant 16 : index
        %get3A_444 = tpu.vector_load %arg9[%get3A_442, %get3A_443] {strides = array<i32>} : memref<128x64xf32, #tpu.memory_space<vmem>>, vector<1x16xf32>,
        %get3A_445 = vector.shape_cast %get3A_444 : vector<1x16xf32> to vector<16xf32>
        %mul3A_446 = arith.constant 8.000000e+00 : f32
        %mul3A_447 = vector.broadcast %mul3A_446 : f32 to vector<16xf32>
        %mul3A_448 = arith.mulf %get3A_445, %mul3A_447 : vector<16xf32>
        %add3A_449 = arith.constant 4 : i32
        %add3A_450 = arith.addi %mul3A_169, %add3A_449 : i32
        %swap3A_451 = arith.index_cast %add3A_450 : i32 to index
        %swap3A_452 = arith.constant 16 : index
        %swap3A_453 = tpu.vector_load %arg13[%swap3A_451, %swap3A_452] {strides = array<i32>} : memref<128x64xf32, #tpu.memory_space<vmem>>, vector<1x16xf32>,
        %swap3A_454 = vector.shape_cast %swap3A_453 : vector<1x16xf32> to vector<16xf32>
        %swap3A_455 = vector.shape_cast %mul3A_448 : vector<16xf32> to vector<1x16xf32>
        tpu.vector_store %arg13[%swap3A_451, %swap3A_452], %swap3A_455 {strides = array<i32>} : memref<128x64xf32, #tpu.memory_space<vmem>>, vector<1x16xf32>,
        %add3A_456 = arith.constant 4 : i32
        %add3A_457 = arith.addi %mul3A_169, %add3A_456 : i32
        %get3A_458 = arith.index_cast %add3A_457 : i32 to index
        %get3A_459 = arith.constant 32 : index
        %get3A_460 = tpu.vector_load %arg9[%get3A_458, %get3A_459] {strides = array<i32>} : memref<128x64xf32, #tpu.memory_space<vmem>>, vector<1x16xf32>,
        %get3A_461 = vector.shape_cast %get3A_460 : vector<1x16xf32> to vector<16xf32>
        %mul3A_462 = arith.constant 8.000000e+00 : f32
        %mul3A_463 = vector.broadcast %mul3A_462 : f32 to vector<16xf32>
        %mul3A_464 = arith.mulf %get3A_461, %mul3A_463 : vector<16xf32>
        %add3A_465 = arith.constant 4 : i32
        %add3A_466 = arith.addi %mul3A_169, %add3A_465 : i32
        %swap3A_467 = arith.index_cast %add3A_466 : i32 to index
        %swap3A_468 = arith.constant 32 : index
        %swap3A_469 = tpu.vector_load %arg13[%swap3A_467, %swap3A_468] {strides = array<i32>} : memref<128x64xf32, #tpu.memory_space<vmem>>, vector<1x16xf32>,
        %swap3A_470 = vector.shape_cast %swap3A_469 : vector<1x16xf32> to vector<16xf32>
        %swap3A_471 = vector.shape_cast %mul3A_464 : vector<16xf32> to vector<1x16xf32>
        tpu.vector_store %arg13[%swap3A_467, %swap3A_468], %swap3A_471 {strides = array<i32>} : memref<128x64xf32, #tpu.memory_space<vmem>>, vector<1x16xf32>,
        %add3A_472 = arith.constant 4 : i32
        %add3A_473 = arith.addi %mul3A_169, %add3A_472 : i32
        %get3A_474 = arith.index_cast %add3A_473 : i32 to index
        %get3A_475 = arith.constant 48 : index
        %get3A_476 = tpu.vector_load %arg9[%get3A_474, %get3A_475] {strides = array<i32>} : memref<128x64xf32, #tpu.memory_space<vmem>>, vector<1x16xf32>,
        %get3A_477 = vector.shape_cast %get3A_476 : vector<1x16xf32> to vector<16xf32>
        %mul3A_478 = arith.constant 8.000000e+00 : f32
        %mul3A_479 = vector.broadcast %mul3A_478 : f32 to vector<16xf32>
        %mul3A_480 = arith.mulf %get3A_477, %mul3A_479 : vector<16xf32>
        %add3A_481 = arith.constant 4 : i32
        %add3A_482 = arith.addi %mul3A_169, %add3A_481 : i32
        %swap3A_483 = arith.index_cast %add3A_482 : i32 to index
        %swap3A_484 = arith.constant 48 : index
        %swap3A_485 = tpu.vector_load %arg13[%swap3A_483, %swap3A_484] {strides = array<i32>} : memref<128x64xf32, #tpu.memory_space<vmem>>, vector<1x16xf32>,
        %swap3A_486 = vector.shape_cast %swap3A_485 : vector<1x16xf32> to vector<16xf32>
        %swap3A_487 = vector.shape_cast %mul3A_480 : vector<16xf32> to vector<1x16xf32>
        tpu.vector_store %arg13[%swap3A_483, %swap3A_484], %swap3A_487 {strides = array<i32>} : memref<128x64xf32, #tpu.memory_space<vmem>>, vector<1x16xf32>,
        %add3A_488 = arith.constant 5 : i32
        %add3A_489 = arith.addi %mul3A_169, %add3A_488 : i32
        %get3A_490 = arith.index_cast %add3A_489 : i32 to index
        %get3A_491 = arith.constant 0 : index
        %get3A_492 = tpu.vector_load %arg9[%get3A_490, %get3A_491] {strides = array<i32>} : memref<128x64xf32, #tpu.memory_space<vmem>>, vector<1x16xf32>,
        %get3A_493 = vector.shape_cast %get3A_492 : vector<1x16xf32> to vector<16xf32>
        %mul3A_494 = arith.constant 8.000000e+00 : f32
        %mul3A_495 = vector.broadcast %mul3A_494 : f32 to vector<16xf32>
        %mul3A_496 = arith.mulf %get3A_493, %mul3A_495 : vector<16xf32>
        %add3A_497 = arith.constant 5 : i32
        %add3A_498 = arith.addi %mul3A_169, %add3A_497 : i32
        %swap3A_499 = arith.index_cast %add3A_498 : i32 to index
        %swap3A_500 = arith.constant 0 : index
        %swap3A_501 = tpu.vector_load %arg13[%swap3A_499, %swap3A_500] {strides = array<i32>} : memref<128x64xf32, #tpu.memory_space<vmem>>, vector<1x16xf32>,
        %swap3A_502 = vector.shape_cast %swap3A_501 : vector<1x16xf32> to vector<16xf32>
        %swap3A_503 = vector.shape_cast %mul3A_496 : vector<16xf32> to vector<1x16xf32>
        tpu.vector_store %arg13[%swap3A_499, %swap3A_500], %swap3A_503 {strides = array<i32>} : memref<128x64xf32, #tpu.memory_space<vmem>>, vector<1x16xf32>,
        %add3A_504 = arith.constant 5 : i32
        %add3A_505 = arith.addi %mul3A_169, %add3A_504 : i32
        %get3A_506 = arith.index_cast %add3A_505 : i32 to index
        %get3A_507 = arith.constant 16 : index
        %get3A_508 = tpu.vector_load %arg9[%get3A_506, %get3A_507] {strides = array<i32>} : memref<128x64xf32, #tpu.memory_space<vmem>>, vector<1x16xf32>,
        %get3A_509 = vector.shape_cast %get3A_508 : vector<1x16xf32> to vector<16xf32>
        %mul3A_510 = arith.constant 8.000000e+00 : f32
        %mul3A_511 = vector.broadcast %mul3A_510 : f32 to vector<16xf32>
        %mul3A_512 = arith.mulf %get3A_509, %mul3A_511 : vector<16xf32>
        %add3A_513 = arith.constant 5 : i32
        %add3A_514 = arith.addi %mul3A_169, %add3A_513 : i32
        %swap3A_515 = arith.index_cast %add3A_514 : i32 to index
        %swap3A_516 = arith.constant 16 : index
        %swap3A_517 = tpu.vector_load %arg13[%swap3A_515, %swap3A_516] {strides = array<i32>} : memref<128x64xf32, #tpu.memory_space<vmem>>, vector<1x16xf32>,
        %swap3A_518 = vector.shape_cast %swap3A_517 : vector<1x16xf32> to vector<16xf32>
        %swap3A_519 = vector.shape_cast %mul3A_512 : vector<16xf32> to vector<1x16xf32>
        tpu.vector_store %arg13[%swap3A_515, %swap3A_516], %swap3A_519 {strides = array<i32>} : memref<128x64xf32, #tpu.memory_space<vmem>>, vector<1x16xf32>,
        %add3A_520 = arith.constant 5 : i32
        %add3A_521 = arith.addi %mul3A_169, %add3A_520 : i32
        %get3A_522 = arith.index_cast %add3A_521 : i32 to index
        %get3A_523 = arith.constant 32 : index
        %get3A_524 = tpu.vector_load %arg9[%get3A_522, %get3A_523] {strides = array<i32>} : memref<128x64xf32, #tpu.memory_space<vmem>>, vector<1x16xf32>,
        %get3A_525 = vector.shape_cast %get3A_524 : vector<1x16xf32> to vector<16xf32>
        %mul3A_526 = arith.constant 8.000000e+00 : f32
        %mul3A_527 = vector.broadcast %mul3A_526 : f32 to vector<16xf32>
        %mul3A_528 = arith.mulf %get3A_525, %mul3A_527 : vector<16xf32>
        %add3A_529 = arith.constant 5 : i32
        %add3A_530 = arith.addi %mul3A_169, %add3A_529 : i32
        %swap3A_531 = arith.index_cast %add3A_530 : i32 to index
        %swap3A_532 = arith.constant 32 : index
        %swap3A_533 = tpu.vector_load %arg13[%swap3A_531, %swap3A_532] {strides = array<i32>} : memref<128x64xf32, #tpu.memory_space<vmem>>, vector<1x16xf32>,
        %swap3A_534 = vector.shape_cast %swap3A_533 : vector<1x16xf32> to vector<16xf32>
        %swap3A_535 = vector.shape_cast %mul3A_528 : vector<16xf32> to vector<1x16xf32>
        tpu.vector_store %arg13[%swap3A_531, %swap3A_532], %swap3A_535 {strides = array<i32>} : memref<128x64xf32, #tpu.memory_space<vmem>>, vector<1x16xf32>,
        %add3A_536 = arith.constant 5 : i32
        %add3A_537 = arith.addi %mul3A_169, %add3A_536 : i32
        %get3A_538 = arith.index_cast %add3A_537 : i32 to index
        %get3A_539 = arith.constant 48 : index
        %get3A_540 = tpu.vector_load %arg9[%get3A_538, %get3A_539] {strides = array<i32>} : memref<128x64xf32, #tpu.memory_space<vmem>>, vector<1x16xf32>,
        %get3A_541 = vector.shape_cast %get3A_540 : vector<1x16xf32> to vector<16xf32>
        %mul3A_542 = arith.constant 8.000000e+00 : f32
        %mul3A_543 = vector.broadcast %mul3A_542 : f32 to vector<16xf32>
        %mul3A_544 = arith.mulf %get3A_541, %mul3A_543 : vector<16xf32>
        %add3A_545 = arith.constant 5 : i32
        %add3A_546 = arith.addi %mul3A_169, %add3A_545 : i32
        %swap3A_547 = arith.index_cast %add3A_546 : i32 to index
        %swap3A_548 = arith.constant 48 : index
        %swap3A_549 = tpu.vector_load %arg13[%swap3A_547, %swap3A_548] {strides = array<i32>} : memref<128x64xf32, #tpu.memory_space<vmem>>, vector<1x16xf32>,
        %swap3A_550 = vector.shape_cast %swap3A_549 : vector<1x16xf32> to vector<16xf32>
        %swap3A_551 = vector.shape_cast %mul3A_544 : vector<16xf32> to vector<1x16xf32>
        tpu.vector_store %arg13[%swap3A_547, %swap3A_548], %swap3A_551 {strides = array<i32>} : memref<128x64xf32, #tpu.memory_space<vmem>>, vector<1x16xf32>,
        %add3A_552 = arith.constant 6 : i32
        %add3A_553 = arith.addi %mul3A_169, %add3A_552 : i32
        %get3A_554 = arith.index_cast %add3A_553 : i32 to index
        %get3A_555 = arith.constant 0 : index
        %get3A_556 = tpu.vector_load %arg9[%get3A_554, %get3A_555] {strides = array<i32>} : memref<128x64xf32, #tpu.memory_space<vmem>>, vector<1x16xf32>,
        %get3A_557 = vector.shape_cast %get3A_556 : vector<1x16xf32> to vector<16xf32>
        %mul3A_558 = arith.constant 8.000000e+00 : f32
        %mul3A_559 = vector.broadcast %mul3A_558 : f32 to vector<16xf32>
        %mul3A_560 = arith.mulf %get3A_557, %mul3A_559 : vector<16xf32>
        %add3A_561 = arith.constant 6 : i32
        %add3A_562 = arith.addi %mul3A_169, %add3A_561 : i32
        %swap3A_563 = arith.index_cast %add3A_562 : i32 to index
        %swap3A_564 = arith.constant 0 : index
        %swap3A_565 = tpu.vector_load %arg13[%swap3A_563, %swap3A_564] {strides = array<i32>} : memref<128x64xf32, #tpu.memory_space<vmem>>, vector<1x16xf32>,
        %swap3A_566 = vector.shape_cast %swap3A_565 : vector<1x16xf32> to vector<16xf32>
        %swap3A_567 = vector.shape_cast %mul3A_560 : vector<16xf32> to vector<1x16xf32>
        tpu.vector_store %arg13[%swap3A_563, %swap3A_564], %swap3A_567 {strides = array<i32>} : memref<128x64xf32, #tpu.memory_space<vmem>>, vector<1x16xf32>,
        %add3A_568 = arith.constant 6 : i32
        %add3A_569 = arith.addi %mul3A_169, %add3A_568 : i32
        %get3A_570 = arith.index_cast %add3A_569 : i32 to index
        %get3A_571 = arith.constant 16 : index
        %get3A_572 = tpu.vector_load %arg9[%get3A_570, %get3A_571] {strides = array<i32>} : memref<128x64xf32, #tpu.memory_space<vmem>>, vector<1x16xf32>,
        %get3A_573 = vector.shape_cast %get3A_572 : vector<1x16xf32> to vector<16xf32>
        %mul3A_574 = arith.constant 8.000000e+00 : f32
        %mul3A_575 = vector.broadcast %mul3A_574 : f32 to vector<16xf32>
        %mul3A_576 = arith.mulf %get3A_573, %mul3A_575 : vector<16xf32>
        %add3A_577 = arith.constant 6 : i32
        %add3A_578 = arith.addi %mul3A_169, %add3A_577 : i32
        %swap3A_579 = arith.index_cast %add3A_578 : i32 to index
        %swap3A_580 = arith.constant 16 : index
        %swap3A_581 = tpu.vector_load %arg13[%swap3A_579, %swap3A_580] {strides = array<i32>} : memref<128x64xf32, #tpu.memory_space<vmem>>, vector<1x16xf32>,
        %swap3A_582 = vector.shape_cast %swap3A_581 : vector<1x16xf32> to vector<16xf32>
        %swap3A_583 = vector.shape_cast %mul3A_576 : vector<16xf32> to vector<1x16xf32>
        tpu.vector_store %arg13[%swap3A_579, %swap3A_580], %swap3A_583 {strides = array<i32>} : memref<128x64xf32, #tpu.memory_space<vmem>>, vector<1x16xf32>,
        %add3A_584 = arith.constant 6 : i32
        %add3A_585 = arith.addi %mul3A_169, %add3A_584 : i32
        %get3A_586 = arith.index_cast %add3A_585 : i32 to index
        %get3A_587 = arith.constant 32 : index
        %get3A_588 = tpu.vector_load %arg9[%get3A_586, %get3A_587] {strides = array<i32>} : memref<128x64xf32, #tpu.memory_space<vmem>>, vector<1x16xf32>,
        %get3A_589 = vector.shape_cast %get3A_588 : vector<1x16xf32> to vector<16xf32>
        %mul3A_590 = arith.constant 8.000000e+00 : f32
        %mul3A_591 = vector.broadcast %mul3A_590 : f32 to vector<16xf32>
        %mul3A_592 = arith.mulf %get3A_589, %mul3A_591 : vector<16xf32>
        %add3A_593 = arith.constant 6 : i32
        %add3A_594 = arith.addi %mul3A_169, %add3A_593 : i32
        %swap3A_595 = arith.index_cast %add3A_594 : i32 to index
        %swap3A_596 = arith.constant 32 : index
        %swap3A_597 = tpu.vector_load %arg13[%swap3A_595, %swap3A_596] {strides = array<i32>} : memref<128x64xf32, #tpu.memory_space<vmem>>, vector<1x16xf32>,
        %swap3A_598 = vector.shape_cast %swap3A_597 : vector<1x16xf32> to vector<16xf32>
        %swap3A_599 = vector.shape_cast %mul3A_592 : vector<16xf32> to vector<1x16xf32>
        tpu.vector_store %arg13[%swap3A_595, %swap3A_596], %swap3A_599 {strides = array<i32>} : memref<128x64xf32, #tpu.memory_space<vmem>>, vector<1x16xf32>,
        %add3A_600 = arith.constant 6 : i32
        %add3A_601 = arith.addi %mul3A_169, %add3A_600 : i32
        %get3A_602 = arith.index_cast %add3A_601 : i32 to index
        %get3A_603 = arith.constant 48 : index
        %get3A_604 = tpu.vector_load %arg9[%get3A_602, %get3A_603] {strides = array<i32>} : memref<128x64xf32, #tpu.memory_space<vmem>>, vector<1x16xf32>,
        %get3A_605 = vector.shape_cast %get3A_604 : vector<1x16xf32> to vector<16xf32>
        %mul3A_606 = arith.constant 8.000000e+00 : f32
        %mul3A_607 = vector.broadcast %mul3A_606 : f32 to vector<16xf32>
        %mul3A_608 = arith.mulf %get3A_605, %mul3A_607 : vector<16xf32>
        %add3A_609 = arith.constant 6 : i32
        %add3A_610 = arith.addi %mul3A_169, %add3A_609 : i32
        %swap3A_611 = arith.index_cast %add3A_610 : i32 to index
        %swap3A_612 = arith.constant 48 : index
        %swap3A_613 = tpu.vector_load %arg13[%swap3A_611, %swap3A_612] {strides = array<i32>} : memref<128x64xf32, #tpu.memory_space<vmem>>, vector<1x16xf32>,
        %swap3A_614 = vector.shape_cast %swap3A_613 : vector<1x16xf32> to vector<16xf32>
        %swap3A_615 = vector.shape_cast %mul3A_608 : vector<16xf32> to vector<1x16xf32>
        tpu.vector_store %arg13[%swap3A_611, %swap3A_612], %swap3A_615 {strides = array<i32>} : memref<128x64xf32, #tpu.memory_space<vmem>>, vector<1x16xf32>,
        %add3A_616 = arith.constant 7 : i32
        %add3A_617 = arith.addi %mul3A_169, %add3A_616 : i32
        %get3A_618 = arith.index_cast %add3A_617 : i32 to index
        %get3A_619 = arith.constant 0 : index
        %get3A_620 = tpu.vector_load %arg9[%get3A_618, %get3A_619] {strides = array<i32>} : memref<128x64xf32, #tpu.memory_space<vmem>>, vector<1x16xf32>,
        %get3A_621 = vector.shape_cast %get3A_620 : vector<1x16xf32> to vector<16xf32>
        %mul3A_622 = arith.constant 8.000000e+00 : f32
        %mul3A_623 = vector.broadcast %mul3A_622 : f32 to vector<16xf32>
        %mul3A_624 = arith.mulf %get3A_621, %mul3A_623 : vector<16xf32>
        %add3A_625 = arith.constant 7 : i32
        %add3A_626 = arith.addi %mul3A_169, %add3A_625 : i32
        %swap3A_627 = arith.index_cast %add3A_626 : i32 to index
        %swap3A_628 = arith.constant 0 : index
        %swap3A_629 = tpu.vector_load %arg13[%swap3A_627, %swap3A_628] {strides = array<i32>} : memref<128x64xf32, #tpu.memory_space<vmem>>, vector<1x16xf32>,
        %swap3A_630 = vector.shape_cast %swap3A_629 : vector<1x16xf32> to vector<16xf32>
        %swap3A_631 = vector.shape_cast %mul3A_624 : vector<16xf32> to vector<1x16xf32>
        tpu.vector_store %arg13[%swap3A_627, %swap3A_628], %swap3A_631 {strides = array<i32>} : memref<128x64xf32, #tpu.memory_space<vmem>>, vector<1x16xf32>,
        %add3A_632 = arith.constant 7 : i32
        %add3A_633 = arith.addi %mul3A_169, %add3A_632 : i32
        %get3A_634 = arith.index_cast %add3A_633 : i32 to index
        %get3A_635 = arith.constant 16 : index
        %get3A_636 = tpu.vector_load %arg9[%get3A_634, %get3A_635] {strides = array<i32>} : memref<128x64xf32, #tpu.memory_space<vmem>>, vector<1x16xf32>,
        %get3A_637 = vector.shape_cast %get3A_636 : vector<1x16xf32> to vector<16xf32>
        %mul3A_638 = arith.constant 8.000000e+00 : f32
        %mul3A_639 = vector.broadcast %mul3A_638 : f32 to vector<16xf32>
        %mul3A_640 = arith.mulf %get3A_637, %mul3A_639 : vector<16xf32>
        %add3A_641 = arith.constant 7 : i32
        %add3A_642 = arith.addi %mul3A_169, %add3A_641 : i32
        %swap3A_643 = arith.index_cast %add3A_642 : i32 to index
        %swap3A_644 = arith.constant 16 : index
        %swap3A_645 = tpu.vector_load %arg13[%swap3A_643, %swap3A_644] {strides = array<i32>} : memref<128x64xf32, #tpu.memory_space<vmem>>, vector<1x16xf32>,
        %swap3A_646 = vector.shape_cast %swap3A_645 : vector<1x16xf32> to vector<16xf32>
        %swap3A_647 = vector.shape_cast %mul3A_640 : vector<16xf32> to vector<1x16xf32>
        tpu.vector_store %arg13[%swap3A_643, %swap3A_644], %swap3A_647 {strides = array<i32>} : memref<128x64xf32, #tpu.memory_space<vmem>>, vector<1x16xf32>,
        %add3A_648 = arith.constant 7 : i32
        %add3A_649 = arith.addi %mul3A_169, %add3A_648 : i32
        %get3A_650 = arith.index_cast %add3A_649 : i32 to index
        %get3A_651 = arith.constant 32 : index
        %get3A_652 = tpu.vector_load %arg9[%get3A_650, %get3A_651] {strides = array<i32>} : memref<128x64xf32, #tpu.memory_space<vmem>>, vector<1x16xf32>,
        %get3A_653 = vector.shape_cast %get3A_652 : vector<1x16xf32> to vector<16xf32>
        %mul3A_654 = arith.constant 8.000000e+00 : f32
        %mul3A_655 = vector.broadcast %mul3A_654 : f32 to vector<16xf32>
        %mul3A_656 = arith.mulf %get3A_653, %mul3A_655 : vector<16xf32>
        %add3A_657 = arith.constant 7 : i32
        %add3A_658 = arith.addi %mul3A_169, %add3A_657 : i32
        %swap3A_659 = arith.index_cast %add3A_658 : i32 to index
        %swap3A_660 = arith.constant 32 : index
        %swap3A_661 = tpu.vector_load %arg13[%swap3A_659, %swap3A_660] {strides = array<i32>} : memref<128x64xf32, #tpu.memory_space<vmem>>, vector<1x16xf32>,
        %swap3A_662 = vector.shape_cast %swap3A_661 : vector<1x16xf32> to vector<16xf32>
        %swap3A_663 = vector.shape_cast %mul3A_656 : vector<16xf32> to vector<1x16xf32>
        tpu.vector_store %arg13[%swap3A_659, %swap3A_660], %swap3A_663 {strides = array<i32>} : memref<128x64xf32, #tpu.memory_space<vmem>>, vector<1x16xf32>,
        %add3A_664 = arith.constant 7 : i32
        %add3A_665 = arith.addi %mul3A_169, %add3A_664 : i32
        %get3A_666 = arith.index_cast %add3A_665 : i32 to index
        %get3A_667 = arith.constant 48 : index
        %get3A_668 = tpu.vector_load %arg9[%get3A_666, %get3A_667] {strides = array<i32>} : memref<128x64xf32, #tpu.memory_space<vmem>>, vector<1x16xf32>,
        %get3A_669 = vector.shape_cast %get3A_668 : vector<1x16xf32> to vector<16xf32>
        %mul3A_670 = arith.constant 8.000000e+00 : f32
        %mul3A_671 = vector.broadcast %mul3A_670 : f32 to vector<16xf32>
        %mul3A_672 = arith.mulf %get3A_669, %mul3A_671 : vector<16xf32>
        %add3A_673 = arith.constant 7 : i32
        %add3A_674 = arith.addi %mul3A_169, %add3A_673 : i32
        %swap3A_675 = arith.index_cast %add3A_674 : i32 to index
        %swap3A_676 = arith.constant 48 : index
        %swap3A_677 = tpu.vector_load %arg13[%swap3A_675, %swap3A_676] {strides = array<i32>} : memref<128x64xf32, #tpu.memory_space<vmem>>, vector<1x16xf32>,
        %swap3A_678 = vector.shape_cast %swap3A_677 : vector<1x16xf32> to vector<16xf32>
        %swap3A_679 = vector.shape_cast %mul3A_672 : vector<16xf32> to vector<1x16xf32>
        tpu.vector_store %arg13[%swap3A_675, %swap3A_676], %swap3A_679 {strides = array<i32>} : memref<128x64xf32, #tpu.memory_space<vmem>>, vector<1x16xf32>,
      }
      %scan3A_154 = arith.constant 16 : i32
      %mul3A_155 = arith.constant 128 : i32
      %mul3A_156 = arith.muli %add3A_138, %mul3A_155 : i32
      %add3A_157 = arith.addi %mul3A_2, %mul3A_156 : i32
      %dma_start3A_158 = arith.constant 0 : i32
      %dma_start3A_159 = tpu.memref_slice %arg4[%add3A_157, %dma_start3A_158] : memref<819200x64xf32, #tpu.memory_space<hbm>> -> memref<128x64xf32, #tpu.memory_space<hbm>>
      %dma_start3A_160 = arith.constant 0 : i32
      %dma_start3A_161 = tpu.memref_slice %arg4[%add3A_157, %dma_start3A_160] : memref<819200x64xf32, #tpu.memory_space<hbm>> -> memref<128x64xf32, #tpu.memory_space<hbm>>
      tpu.enqueue_dma source(%arg13 : memref<128x64xf32, #tpu.memory_space<vmem>>) target(%dma_start3A_161 : memref<128x64xf32, #tpu.memory_space<hbm>>) target_semaphore(%arg21 : memref<!tpu.dma_semaphore, #tpu.memory_space<semaphore_mem>>)
      %lt3A_162 = arith.constant 49 : i32
      %lt3A_163 = arith.cmpi slt, %scan3A_42, %lt3A_162 : i32
      %convert_element_type3A_164 = arith.extui %lt3A_163 : i1 to i32
      %cond3A_165 = arith.constant 0 : i32
      %cond3A_166 = arith.cmpi ne, %convert_element_type3A_164, %cond3A_165 : i32
      scf.if %cond3A_166 {
        %add3A_167 = arith.constant 4 : i32
        %add3A_168 = arith.addi %add3A_138, %add3A_167 : i32
        %mul3A_169 = arith.constant 128 : i32
        %mul3A_170 = arith.muli %add3A_168, %mul3A_169 : i32
        %dma_start3A_171 = tpu.memref_slice %arg5[%mul3A_170] : memref<25600xi32, #tpu.memory_space<vmem>> -> memref<128xi32, #tpu.memory_space<vmem>>
        %dma_start3A_172 = arith.constant 0 : i32
        %dma_start3A_173 = arith.constant 0 : i32
        %dma_start3A_174 = tpu.memref_slice %arg3[%dma_start3A_172, %dma_start3A_173] : memref<1000000x64xf32, #tpu.memory_space<hbm>> -> memref<1000000x64xf32, #tpu.memory_space<hbm>>
        tpu.enqueue_indirect_dma source(%dma_start3A_174 : memref<1000000x64xf32, #tpu.memory_space<hbm>>) target(%arg9 : memref<128x64xf32, #tpu.memory_space<vmem>>) offsets(%dma_start3A_171 : memref<128xi32, #tpu.memory_space<vmem>>) semaphore(%arg17 : memref<!tpu.dma_semaphore, #tpu.memory_space<semaphore_mem>>)
      } else {
      }
    }
    %scan3A_26 = arith.constant 50 : i32
    %dma_wait3A = arith.constant 0 : i32
    %dma_wait3A_27 = tpu.memref_slice %arg4[%mul3A_2, %dma_wait3A] : memref<819200x64xf32, #tpu.memory_space<hbm>> -> memref<128x64xf32, #tpu.memory_space<hbm>>
    %dma_wait3A_28 = arith.constant 0 : i32
    %dma_wait3A_29 = tpu.memref_slice %arg4[%mul3A_2, %dma_wait3A_28] : memref<819200x64xf32, #tpu.memory_space<hbm>> -> memref<128x64xf32, #tpu.memory_space<hbm>>
    tpu.wait_dma2 semaphore(%arg18 : memref<!tpu.dma_semaphore, #tpu.memory_space<semaphore_mem>>) src(%arg10 : memref<128x64xf32, #tpu.memory_space<vmem>>) dst(%dma_wait3A_29 : memref<128x64xf32, #tpu.memory_space<hbm>>)
    %dma_wait3A_30 = arith.constant 0 : i32
    %dma_wait3A_31 = tpu.memref_slice %arg4[%mul3A_2, %dma_wait3A_30] : memref<819200x64xf32, #tpu.memory_space<hbm>> -> memref<128x64xf32, #tpu.memory_space<hbm>>
    %dma_wait3A_32 = arith.constant 0 : i32
    %dma_wait3A_33 = tpu.memref_slice %arg4[%mul3A_2, %dma_wait3A_32] : memref<819200x64xf32, #tpu.memory_space<hbm>> -> memref<128x64xf32, #tpu.memory_space<hbm>>
    tpu.wait_dma2 semaphore(%arg19 : memref<!tpu.dma_semaphore, #tpu.memory_space<semaphore_mem>>) src(%arg11 : memref<128x64xf32, #tpu.memory_space<vmem>>) dst(%dma_wait3A_33 : memref<128x64xf32, #tpu.memory_space<hbm>>)
    %dma_wait3A_34 = arith.constant 0 : i32
    %dma_wait3A_35 = tpu.memref_slice %arg4[%mul3A_2, %dma_wait3A_34] : memref<819200x64xf32, #tpu.memory_space<hbm>> -> memref<128x64xf32, #tpu.memory_space<hbm>>
    %dma_wait3A_36 = arith.constant 0 : i32
    %dma_wait3A_37 = tpu.memref_slice %arg4[%mul3A_2, %dma_wait3A_36] : memref<819200x64xf32, #tpu.memory_space<hbm>> -> memref<128x64xf32, #tpu.memory_space<hbm>>
    tpu.wait_dma2 semaphore(%arg20 : memref<!tpu.dma_semaphore, #tpu.memory_space<semaphore_mem>>) src(%arg12 : memref<128x64xf32, #tpu.memory_space<vmem>>) dst(%dma_wait3A_37 : memref<128x64xf32, #tpu.memory_space<hbm>>)
    %dma_wait3A_38 = arith.constant 0 : i32
    %dma_wait3A_39 = tpu.memref_slice %arg4[%mul3A_2, %dma_wait3A_38] : memref<819200x64xf32, #tpu.memory_space<hbm>> -> memref<128x64xf32, #tpu.memory_space<hbm>>
    %dma_wait3A_40 = arith.constant 0 : i32
    %dma_wait3A_41 = tpu.memref_slice %arg4[%mul3A_2, %dma_wait3A_40] : memref<819200x64xf32, #tpu.memory_space<hbm>> -> memref<128x64xf32, #tpu.memory_space<hbm>>
    tpu.wait_dma2 semaphore(%arg21 : memref<!tpu.dma_semaphore, #tpu.memory_space<semaphore_mem>>) src(%arg13 : memref<128x64xf32, #tpu.memory_space<vmem>>) dst(%dma_wait3A_41 : memref<128x64xf32, #tpu.memory_space<hbm>>)
    return
  }
}

</mosaic_0001>

<sc_bundles>
// kernel: kernel.3.cloned.1.call-start
scs
__scs_entry_jumppad:
0x0: {  	(pc) =	sbr.rel $0x88, $3  }
0x1: {  	(tag) =	ssettag $0x0;
	lr =	simm.s32 $0x1  }
0x2: {  	[smem:$0x3F9F] =	sst lr;
	_ =	strace $0xD0000000  }
0x3: {  	_ = 	snop  }
0x4: {  	_ = 	snop  }
0x5: {  	_ = 	snop  }
0x6: {  	_ = 	snop  }
0x7: {  	_ = 	snop  }
__scs_overlays_trampoline_lowered:
0x8: {  	[smem:$0x3FAE] =	sst s0  }
0x9: {  	[smem:$0x3FAF] =	sst s1  }
0xa: {  	[smem:$0x3FB0] =	sst s2  }
0xb: {  	[smem:$0x3FB1] =	sst s3  }
0xc: {  	[smem:$0x3FB2] =	sst s4  }
0xd: {  	[smem:$0x3FB3] =	sst s5  }
0xe: {  	[smem:$0x3FB4] =	sst s6  }
0xf: {  	[smem:$0x3FB5] =	sst s7  }
0x10: {  	[smem:$0x3FB6] =	sst s8  }
0x11: {  	[smem:$0x3FB7] =	sst s9;
	s0 =	simm.s32 @!p0 $0x0  }
0x12: {  	s1 =	sld [smem:$0x3F9D];
	s0 =	simm.s32 @p0 $0x1  }
0x13: {  	[smem:$0x3FB8] =	sst s0;
	s0 =	simm.s32 @!p1 $0x0  }
0x14: {  	s2 =	sld [smem:$0x3F9C];
	s0 =	simm.s32 @p1 $0x1  }
0x15: {  	[smem:$0x3FB9] =	sst s0;
	s0 =	simm.s32 @!p2 $0x0  }
0x16: {  	s3 =	sld [smem:$0x3FDB];
	s0 =	simm.s32 @p2 $0x1  }
0x17: {  	s4 =	simm.s32 $0x1BF5;
	[smem:$0x3FBB] =	sst s0  }
0x18: {  	s0 =	sld [smem:$0x3F9E];
	_ =	swait.ge [sflag:s4], $0x0  }
0x19: {  	s7 =	sld [smem:$0x3F9F]  }
0x1a: {  	s8 =	sadd.s32 $0xFFFFE003, lr  }
0x1b: {  	s9 =	sadd.s32 $0xFFFFFEF7, lr;
	s5 =	simm.s32 $0xFFFFFFFF;
	p2 =	slt.u32 s8, $0xFFFFF086  }
0x1c: {  	p1 =	slt.u32 s9, $0xF7A;
	s5 =	simm.s32 @!p2 $0x0  }
0x1d: {  	s5 =	simm.s32 @p1 $0x1;
	p0 =	seq.s32 s7, s2  }
0x1e: {  	s7 =	smul.u32 @!p0 $0xF7A, s2;
	p2 =	seq.s32 @!p0 s5, $0x0  }
0x1f: {  	s9 =	smul.u32 $0xF7A, s1;
	s8 =	simm.s32 @!p0 $0x1BF5;
	p2 =	por !p2, p0  }
0x20: {  	[sflag:s8] =	ssyncset.s32 @!p0 $0xFFFFF086;
	s6 =	sadd.s32 @!p0 s3, s7;
	s7 =	simm.s32 @!p0 $0x108  }
0x21: {  	s3 =	sadd.s32 s3, s9;
	s6 =	sadd.s32 @!p0 $0x88, s6;
	s7 =	simm.s32 @p2 $0x1082  }
0x22: {  	[simem:s7], [sflag:s8] =	dma.local @!p0 [hbm:s6], $0xF7A  }
0x23: {  	s9 =	sor.u32 $0xD0000000, s2;
	s6 =	simm.s32 $0x108;
	_ =	swait.ge @!p0 [sflag:s8], $0x0  }
0x24: {  	s3 =	sadd.s32 $0x88, s3;
	s6 =	simm.s32 @!p1 $0x1082;
	[sflag:s4] =	ssyncset.s32 $0xFFFFF086  }
0x25: {  	[simem:s6], [sflag:s4] =	dma.local [hbm:s3], $0xF7A  }
0x26: {  	[smem:$0x3F9F] =	sst s1;
	(tag) =	ssettag s2;
	_ =	strace s9  }
0x27: {  	s1 =	sld [smem:$0x3FAF]  }
0x28: {  	s2 =	sld [smem:$0x3FB0]  }
0x29: {  	s4 =	sld [smem:$0x3FB2]  }
0x2a: {  	p0 =	seq.s32 s5, $0x0;
	s5 =	sld [smem:$0x3FB3]  }
0x2b: {  	s6 =	sld [smem:$0x3FB4]  }
0x2c: {  	s7 =	sld [smem:$0x3FB5]  }
0x2d: {  	s3 =	simm.s32 $0x108;
	s8 =	sld [smem:$0x3FB6]  }
0x2e: {  	s3 =	simm.s32 @!p0 $0x1082;
	s9 =	sld [smem:$0x3FB7]  }
0x2f: {  	lr =	sadd.s32 s0, s3;
	s0 =	sld [smem:$0x3FAE]  }
0x30: {  	s3 =	sld [smem:$0x3FB1]  }
0x31: {  	[smem:$0x3FBA] =	sst s10  }
0x32: {  	s10 =	sld [smem:$0x3FB8];
	_ =	sdelay $0x3  }
0x33: {  	p0 =	seq.s32 s10, $0x1;
	s10 =	sld [smem:$0x3FBA];
	_ =	sdelay $0x3  }
0x34: {  	[smem:$0x3FBA] =	sst s10  }
0x35: {  	s10 =	sld [smem:$0x3FB9];
	_ =	sdelay $0x3  }
0x36: {  	p1 =	seq.s32 s10, $0x1;
	s10 =	sld [smem:$0x3FBA];
	_ =	sdelay $0x3  }
0x37: {  	[smem:$0x3FBA] =	sst s10  }
0x38: {  	s10 =	sld [smem:$0x3FBB]  }
0x39: {  	_ = 	snop;
	(pc) =	sbr.ind lr, $3  }
0x3a: {  	_ = 	snop  }
0x3b: {  	_ = 	snop  }
0x3c: {  	p2 =	seq.s32 s10, $0x1;
	s10 =	sld [smem:$0x3FBA]  }
0x3d: {  	_ =	shalt  }
0x3e: {  	_ =	shalt  }
0x3f: {  	_ =	shalt  }
0x40: {  	_ =	shalt  }
0x41: {  	_ =	shalt  }
0x42: {  	_ =	shalt  }
0x43: {  	_ =	shalt  }
0x44: {  	_ =	shalt  }
0x45: {  	_ =	shalt  }
0x46: {  	_ =	shalt  }
0x47: {  	_ =	shalt  }
0x48: {  	_ =	shalt  }
0x49: {  	_ =	shalt  }
0x4a: {  	_ =	shalt  }
0x4b: {  	_ =	shalt  }
0x4c: {  	_ =	shalt  }
0x4d: {  	_ =	shalt  }
0x4e: {  	_ =	shalt  }
0x4f: {  	_ =	shalt  }
0x50: {  	_ =	shalt  }
0x51: {  	_ =	shalt  }
0x52: {  	_ =	shalt  }
0x53: {  	_ =	shalt  }
0x54: {  	_ =	shalt  }
0x55: {  	_ =	shalt  }
0x56: {  	_ =	shalt  }
0x57: {  	_ =	shalt  }
0x58: {  	_ =	shalt  }
0x59: {  	_ =	shalt  }
0x5a: {  	_ =	shalt  }
0x5b: {  	_ =	shalt  }
0x5c: {  	_ =	shalt  }
0x5d: {  	_ =	shalt  }
0x5e: {  	_ =	shalt  }
0x5f: {  	_ =	shalt  }
0x60: {  	_ =	shalt  }
0x61: {  	_ =	shalt  }
0x62: {  	_ =	shalt  }
0x63: {  	_ =	shalt  }
0x64: {  	_ =	shalt  }
0x65: {  	_ =	shalt  }
0x66: {  	_ =	shalt  }
0x67: {  	_ =	shalt  }
0x68: {  	_ =	shalt  }
0x69: {  	_ =	shalt  }
0x6a: {  	_ =	shalt  }
0x6b: {  	_ =	shalt  }
0x6c: {  	_ =	shalt  }
0x6d: {  	_ =	shalt  }
0x6e: {  	_ =	shalt  }
0x6f: {  	_ =	shalt  }
0x70: {  	_ =	shalt  }
0x71: {  	_ =	shalt  }
0x72: {  	_ =	shalt  }
0x73: {  	_ =	shalt  }
0x74: {  	_ =	shalt  }
0x75: {  	_ =	shalt  }
0x76: {  	_ =	shalt  }
0x77: {  	_ =	shalt  }
0x78: {  	_ =	shalt  }
0x79: {  	_ =	shalt  }
0x7a: {  	_ =	shalt  }
0x7b: {  	_ =	shalt  }
0x7c: {  	_ =	shalt  }
0x7d: {  	_ =	shalt  }
0x7e: {  	_ =	shalt  }
0x7f: {  	_ =	shalt  }
0x80: {  	_ =	shalt  }
0x81: {  	_ =	shalt  }
0x82: {  	_ =	shalt  }
0x83: {  	_ =	shalt  }
0x84: {  	_ =	shalt  }
0x85: {  	_ =	shalt  }
0x86: {  	_ =	shalt  }
0x87: {  	_ =	shalt  }
.Lfunc_end0:
.L_simem_size_0:
called_computation.1_lowered:
.L_overlay_start_0:
0x88: {  	s2 =	sld [smem:$0x3FD9]  }
0x89: {  	s3 =	sld [smem:$0x3FFE];
	_ =	sdelay $0x1  }
0x8a: {  	s1 =	srdreg.scid  }
0x8b: {  	s0 =	sand.u32 $0x1, s1  }
0x8c: {  	s17 =	sshll.u32 s0, $0xA;
	s2 =	sadd.s32 s3, s2  }
0x8d: {  	s2 =	sadd.s32 s2, s17  }
0x8e: {  	[smem:$0x3FC6] =	sst s2  }
0x8f: {  	_ = 	snop  }
0x90: {  	s2 =	sld [smem:$0x3FD0];
	(tm) =	ssettm $0x1  }
0x91: {  	s18 =	sld [smem:$0x3FFB];
	_ =	sdelay $0x3  }
0x92: {  	_ =	strace s18  }
0x93: {  	s3 =	sld [smem:$0x3FFC];
	_ =	sdelay $0x3  }
0x94: {  	_ =	strace s3  }
0x95: {  	s3 =	sld [smem:$0x3FFD];
	_ =	sdelay $0x3  }
0x96: {  	_ =	strace s3  }
0x97: {  	_ =	strace $0x8FFFFFFF  }
0x98: {  	s19 =	sld [smem:$0x3FDB];
	_ =	sdelay $0x1  }
0x99: {  	s4 =	simm.s32 $_scs_section_size  }
0x9a: {  	s5 =	simm.s32 $_size__tile_overlayer_lowered;
	s6 =	simm.s32 $_tile_overlayer_lowered  }
0x9b: {  	s22 =	simm.s32 $0x1BFF;
	s21 =	sshll.u32 s6, $0x1;
	s3 =	sadd.s32 s4, s19  }
0x9c: {  	s7 =	simm.s32 $0x0;
	s20 =	sshll.u32 s5, $0x1;
	s5 =	sadd.s32 s21, s3  }
0x9d: {  	[timem:s7], [sflag:s22] =	dma.local [hbm:s5], s20  }
0x9e: {  	_ =	swait.ge [sflag:s22], s20  }
0x9f: {  	s4 =	ssub.s32 $0x0, s20;
	[sflag:s22] =	ssyncset.done $0x0  }
0xa0: {  	[sflag:s22] =	ssyncadd.s32 s4;
	_ =	sdelay $0x1  }
0xa1: {  	s23 =	simm.s32 $0x1B8B  }
0xa2: {  	_ =	swait.ge [sflag:s23], $0x1  }
0xa3: {  	[sflag:s23] =	ssyncset.done $0x0  }
0xa4: {  	s25 =	simm.s32 $0x1B8E;
	s24 =	sld [smem:$0x3FFE];
	[sflag:s23] =	ssyncadd.s32 $0xFFFFFFFF  }
0xa5: {  	s26 =	simm.s32 $execute0_lowered;
	[smem:$0x3FD2] =	sst s25  }
0xa6: {  	s5 =	sshll.u32 s26, $0x1;
	_ =	strace $0x80000046;
	[dreg:$0x1] =	wrdreg $0xFFFFFFFF  }
0xa7: {  	s28 =	simm.s32 $_size_execute0_lowered;
	s3 =	sadd.s32 s3, s5;
	[dreg:$0x0] =	wrdreg $0x0  }
0xa8: {  	s5 =	sshll.u32 s28, $0x1;
	[dreg:$0x2] =	wrdreg s3  }
0xa9: {  	[dreg:$0x3] =	wrdreg s5  }
0xaa: {  	[dreg:$0x4] =	wrdreg $0xC0  }
0xab: {  	_ =	task [dreg:s7], $0x5FFFF  }
0xac: {  	[dreg:$0x1] =	wrdreg $0xFFFFFFFF  }
0xad: {  	[dreg:$0x0] =	wrdreg $0x60  }
0xae: {  	[dreg:$0x2] =	wrdreg s24  }
0xaf: {  	[dreg:$0x3] =	wrdreg s2  }
0xb0: {  	[dreg:$0x4] =	wrdreg $0x9  }
0xb1: {  	_ =	task.clear_ibuf [dreg:s7], $0x5FFFF;
	_ =	strace $0x90000046  }
0xb2: {  	s29 =	simm.s32 $0x9;
	_ =	strace $0x80000048  }
0xb3: {  	_ =	swait.ge [sflag:s29], $0x1  }
0xb4: {  	[sflag:s29] =	ssyncadd.s32 $0xFFFFFFFF  }
0xb5: {  	_ =	strace $0x90000048  }
0xb6: {  	_ =	sfence  }
0xb7: {  	s30 =	sld [smem:$0x0];
	_ =	sdelay $0x2  }
0xb8: {  	s31 =	sshll.u32 s1, $0xD;
	s1 =	sshrl.u32 s1, $0x2  }
0xb9: {  	s3 =	sand.u32 $0x4000, s31;
	s1 =	sadd.s32 s1, s30  }
0xba: {  	s0 =	sor.u32 s3, s0;
	s1 =	sshll.u32 s1, $0x11  }
0xbb: {  	s0 =	sor.u32 s1, s0  }
0xbc: {  	s0 =	sadd.s32 $0x8F2B, s0  }
0xbd: {  	[sflag:s0] =	ssyncadd.remote.s32 $0x1  }
0xbe: {  	_ =	sfence.sel $0xFFFF  }
0xbf: {  	[dreg:$0x0] =	wrdreg $0xFFFFFFFF;
	(pc) =	sbr.abs _section_cstart, $3  }
0xc0: {  	[dreg:$0x1] =	wrdreg $0xFFFFFFFF  }
0xc1: {  	_ =	task.clear_ibuf [dreg:s7], $0x2FFFF;
	_ =	strace $0x9FFFFFFF  }
0xc2: {  	(tm) =	ssettm $0x7FFFFFFF  }
0xc3: {  	_ =	shalt  }
tec
execute0_lowered:
.L_overlay_start_1:
0x0: {  	(tag) =	ssettag $0x1  }
0x1: {  	s0 =	srdreg.scid  }
0x2: {  	s2 =	stileid.u32;
	s1 =	rddreg [dreg:$0x0]  }
0x3: {  	s11 =	simm.s32 $0x9;
	s12 =	simm.s32 $0x80;
	s13 =	simm.s32 $0x6400  }
0x4: {  	s14 =	simm.s32 $0x8400;
	s16 =	simm.s32 $0xA400;
	s18 =	simm.s32 $0xC400  }
0x5: {  	s19 =	simm.s32 $0x1;
	s20 =	simm.s32 $0xE400;
	s21 =	simm.s32 $0x2  }
0x6: {  	s22 =	simm.s32 $0x6;
	s23 =	simm.s32 $0x10400;
	s24 =	simm.s32 $0x3  }
0x7: {  	s25 =	simm.s32 $0x7;
	s28 =	simm.s32 $0x4;
	s29 =	simm.s32 $0x8  }
0x8: {  	s30 =	simm.s32 $0x14400;
	s0 =	sand.u32 $0x1, s0;
	s3 =	sshll.u32 s2, $0x1  }
0x9: {  	s31 =	simm.s32 $0x5;
	s5 =	sor.u32 s0, s3;
	s0 =	ssub.s32 $0x2, s0  }
0xa: {  	s3 =	simm.s32 $0x0;
	s9 =	smul.u32 $0x6400, s5;
	s6 =	sshrl.u32 s0, $0x1  }
0xb: {  	[smem:$0x7FF] =	sst s3;
	s0 =	ssub.s32 s0, s6;
	s6 =	smul.u32 $0x190000, s5  }
.Ltmp0:
0xc: {  	s2 =	rddreg [dreg:$0x1];
	_ =	strace $0x80000047;
	(pc) =	sbr.rel .LBB2_1-.Ltmp0, $4  }
0xd: {  	s4 =	sshrl.u32 s9, $0x3;
	s8 =	sor.u32 $0x100, s9;
	s0 =	smax.u32 s0, $0x1  }
0xe: {  	s7 =	sadd.s32 s4, s1;
	s4 =	sadd.s32 $0xF42E00, s1;
	[dreg:$0x4] =	wrdreg s0  }
0xf: {  	s1 =	simm.s32 $0x0;
	s26 =	sadd.s32 $0xA00, s7;
	s7 =	sor.u32 $0x80, s9  }
0x10: {  	s9 =	sor.u32 $0x180, s9;
	[dreg:$0x3] =	wrdreg s26;
	s26 =	simm.s32 $0x12400  }
.LBB2_24:
0x11: {  	_ =	swait.ge [sflag:s31], $0x2000  }
0x12: {  	[sflag:s31] =	ssyncset.done $0x0  }
0x13: {  	[sflag:s31] =	ssyncadd.s32 $0xFFFFE000  }
0x14: {  	_ =	swait.ge [sflag:s22], $0x2000  }
0x15: {  	[sflag:s22] =	ssyncset.done $0x0  }
0x16: {  	[sflag:s22] =	ssyncadd.s32 $0xFFFFE000  }
0x17: {  	_ =	swait.ge [sflag:s25], $0x2000  }
0x18: {  	[sflag:s25] =	ssyncset.done $0x0  }
0x19: {  	[sflag:s25] =	ssyncadd.s32 $0xFFFFE000  }
0x1a: {  	_ =	swait.ge [sflag:s29], $0x2000  }
0x1b: {  	s1 =	sadd.s32 $0x1, s1;
	s0 =	rddreg [dreg:$0x4]  }
0x1c: {  	p0 =	sne.s32 s1, s0  }
.Ltmp1:
0x1d: {  	_ = 	snop;
	(pc) =	sbr.rel @!p0 .LBB2_25-.Ltmp1, $3  }
0x1e: {  	_ =	sdelay $0x1  }
0x1f: {  	[sflag:s29] =	ssyncset.done $0x0  }
0x20: {  	[sflag:s29] =	ssyncadd.s32 $0xFFFFE000  }
.LBB2_1:
0x21: {  	s0 =	rddreg [dreg:$0x3]  }
0x22: {  	[tilespmem:s3], [sflag:$0x9] =	stream.linear.gather [hbm4b:s0+s3], $0x6400, $0x38;
	[tilespmem:$0x16400] =	vst v63  }
0x23: {  	_ =	swait.ge [sflag:s11], $0x6400  }
0x24: {  	[sflag:s11] =	ssyncset.done $0x0  }
0x25: {  	[sflag:s11] =	ssyncadd.s32 $0xFFFF9C00  }
0x26: {  	[tilespmem:s13], [sflag:$0x1] =	stream.indirect.gather [hbm4b:s4+s12], $0x40, s3, s12, $0xb8;
	[tilespmem:$0x16400] =	vst v63  }
0x27: {  	_ = 	snop  }
0x28: {  	[tilespmem:s14], [sflag:$0x2] =	stream.indirect.gather [hbm4b:s4+s12], $0x40, s12, s12, $0xb8;
	[tilespmem:$0x16400] =	vst v63  }
0x29: {  	s15 =	simm.s32 $0x100  }
0x2a: {  	[tilespmem:s16], [sflag:$0x3] =	stream.indirect.gather [hbm4b:s4+s12], $0x40, s15, s12, $0xb8;
	[tilespmem:$0x16400] =	vst v63  }
0x2b: {  	s17 =	simm.s32 $0x180;
	s0 =	simm.s32 $0x0  }
0x2c: {  	[tilespmem:s18], [sflag:$0x4] =	stream.indirect.gather [hbm4b:s4+s12], $0x40, s17, s12, $0xb8;
	[tilespmem:$0x16400] =	vst v63  }
.LBB2_2:
0x2d: {  	_ =	swait.ge [sflag:s19], $0x2000  }
0x2e: {  	p0 =	seq.s32 s0, $0x0;
	[sflag:s19] =	ssyncset.done $0x0  }
0x2f: {  	s5 =	simm.s32 @!p0 $0x5;
	[sflag:s19] =	ssyncadd.s32 $0xFFFFE000  }
0x30: {  	_ =	swait.ge @!p0 [sflag:s5], $0x2000  }
0x31: {  	[sflag:s5] =	ssyncset.done @!p0 $0x0  }
0x32: {  	s15 =	simm.s32 $0x0;
	[sflag:s5] =	ssyncadd.s32 @!p0 $0xFFFFE000  }
0x33: {  	v0 =	vld [tilespmem:s15+$0x65F0]  }
0x34: {  	v1 =	vld [tilespmem:s15+$0x6400];
	_ =	sdelay $0x1  }
0x35: {  	v2 =	vld [tilespmem:s15+$0x6410]  }
0x36: {  	v3 =	vld [tilespmem:s15+$0x6420]  }
0x37: {  	v4 =	vld [tilespmem:s15+$0x6430];
	v0 =	vmul.f32 $8.000000000e+00, v0  }
0x38: {  	v5 =	vld [tilespmem:s15+$0x6440];
	v1 =	vmul.f32 $8.000000000e+00, v1  }
0x39: {  	v6 =	vld [tilespmem:s15+$0x6450];
	[tilespmem:s15+$0xE5F0] =	vst v0  }
0x3a: {  	v0 =	vmul.f32 $8.000000000e+00, v2;
	[tilespmem:s15+$0xE400] =	vst v1;
	v1 =	vld [tilespmem:s15+$0x6470]  }
0x3b: {  	v7 =	vld [tilespmem:s15+$0x6460];
	v2 =	vmul.f32 $8.000000000e+00, v3  }
0x3c: {  	v3 =	vmul.f32 $8.000000000e+00, v4;
	[tilespmem:s15+$0xE410] =	vst v0;
	v0 =	vld [tilespmem:s15+$0x6480]  }
0x3d: {  	v4 =	vmul.f32 $8.000000000e+00, v5;
	[tilespmem:s15+$0xE420] =	vst v2;
	v2 =	vld [tilespmem:s15+$0x6490]  }
0x3e: {  	v5 =	vmul.f32 $8.000000000e+00, v6;
	[tilespmem:s15+$0xE430] =	vst v3;
	v3 =	vld [tilespmem:s15+$0x64A0]  }
0x3f: {  	[tilespmem:s15+$0xE440] =	vst v4;
	v4 =	vld [tilespmem:s15+$0x64B0];
	v1 =	vmul.f32 $8.000000000e+00, v1  }
0x40: {  	v6 =	vmul.f32 $8.000000000e+00, v7;
	[tilespmem:s15+$0xE450] =	vst v5;
	v5 =	vld [tilespmem:s15+$0x64C0]  }
0x41: {  	v0 =	vmul.f32 $8.000000000e+00, v0;
	[tilespmem:s15+$0xE470] =	vst v1;
	v1 =	vld [tilespmem:s15+$0x64E0]  }
0x42: {  	[tilespmem:s15+$0xE460] =	vst v6;
	v6 =	vld [tilespmem:s15+$0x64D0];
	v2 =	vmul.f32 $8.000000000e+00, v2  }
0x43: {  	v3 =	vmul.f32 $8.000000000e+00, v3;
	[tilespmem:s15+$0xE480] =	vst v0;
	v0 =	vld [tilespmem:s15+$0x64F0]  }
0x44: {  	v4 =	vmul.f32 $8.000000000e+00, v4;
	[tilespmem:s15+$0xE490] =	vst v2;
	v2 =	vld [tilespmem:s15+$0x6500]  }
0x45: {  	v5 =	vmul.f32 $8.000000000e+00, v5;
	[tilespmem:s15+$0xE4A0] =	vst v3;
	v3 =	vld [tilespmem:s15+$0x6510]  }
0x46: {  	[tilespmem:s15+$0xE4B0] =	vst v4;
	v4 =	vld [tilespmem:s15+$0x6520];
	v1 =	vmul.f32 $8.000000000e+00, v1  }
0x47: {  	v6 =	vmul.f32 $8.000000000e+00, v6;
	[tilespmem:s15+$0xE4C0] =	vst v5;
	v5 =	vld [tilespmem:s15+$0x6530]  }
0x48: {  	v0 =	vmul.f32 $8.000000000e+00, v0;
	[tilespmem:s15+$0xE4E0] =	vst v1;
	v1 =	vld [tilespmem:s15+$0x6550]  }
0x49: {  	[tilespmem:s15+$0xE4D0] =	vst v6;
	v6 =	vld [tilespmem:s15+$0x6540];
	v2 =	vmul.f32 $8.000000000e+00, v2  }
0x4a: {  	[tilespmem:s15+$0xE4F0] =	vst v0;
	v0 =	vmul.f32 $8.000000000e+00, v3;
	v3 =	vld [tilespmem:s15+$0x6570]  }
0x4b: {  	v7 =	vld [tilespmem:s15+$0x6560];
	[tilespmem:s15+$0xE500] =	vst v2;
	v2 =	vmul.f32 $8.000000000e+00, v4  }
0x4c: {  	v4 =	vld [tilespmem:s15+$0x6580];
	[tilespmem:s15+$0xE510] =	vst v0;
	v0 =	vmul.f32 $8.000000000e+00, v5  }
0x4d: {  	v8 =	vld [tilespmem:s15+$0x6590];
	[tilespmem:s15+$0xE520] =	vst v2;
	v5 =	vmul.f32 $8.000000000e+00, v1  }
0x4e: {  	v2 =	vmul.f32 $8.000000000e+00, v6;
	[tilespmem:s15+$0xE530] =	vst v0;
	v0 =	vld [tilespmem:s15+$0x65A0]  }
0x4f: {  	v1 =	vld [tilespmem:s15+$0x65B0];
	[tilespmem:s15+$0xE550] =	vst v5;
	v5 =	vmul.f32 $8.000000000e+00, v3  }
0x50: {  	v6 =	vmul.f32 $8.000000000e+00, v7;
	[tilespmem:s15+$0xE540] =	vst v2;
	v2 =	vld [tilespmem:s15+$0x65C0]  }
0x51: {  	v3 =	vld [tilespmem:s15+$0x65D0];
	[tilespmem:s15+$0xE570] =	vst v5;
	v5 =	vmul.f32 $8.000000000e+00, v4  }
0x52: {  	s17 =	simm.s32 $0x200;
	s5 =	simm.s32 $0x1000;
	[tilespmem:s15+$0xE560] =	vst v6;
	v6 =	vmul.f32 $8.000000000e+00, v8;
	v4 =	vld [tilespmem:s15+$0x65E0]  }
.LBB2_3:
0x53: {  	p1 =	sne.s32 s5, $0x7800;
	v7 =	vld [tilespmem:s17+$0x65F0];
	[tilespmem:s15+$0xE580] =	vst v5;
	v0 =	vmul.f32 $8.000000000e+00, v0  }
0x54: {  	v5 =	vld [tilespmem:s17+$0x6400];
	[tilespmem:s15+$0xE590] =	vst v6;
	v1 =	vmul.f32 $8.000000000e+00, v1  }
0x55: {  	v6 =	vld [tilespmem:s17+$0x6410];
	[tilespmem:s15+$0xE5A0] =	vst v0;
	v0 =	vmul.f32 $8.000000000e+00, v2  }
0x56: {  	v2 =	vld [tilespmem:s17+$0x6420];
	[tilespmem:s15+$0xE5B0] =	vst v1;
	v1 =	vmul.f32 $8.000000000e+00, v3  }
0x57: {  	v3 =	vld [tilespmem:s17+$0x6430];
	[tilespmem:s15+$0xE5C0] =	vst v0;
	v0 =	vmul.f32 $8.000000000e+00, v4  }
0x58: {  	v4 =	vld [tilespmem:s17+$0x6440];
	v7 =	vmul.f32 $8.000000000e+00, v7;
	[tilespmem:s15+$0xE5D0] =	vst v1  }
0x59: {  	v1 =	vmul.f32 $8.000000000e+00, v5;
	v5 =	vld [tilespmem:s17+$0x6450];
	[tilespmem:s15+$0xE5E0] =	vst v0;
	s15 =	smov.u32 s17  }
0x5a: {  	v0 =	vmul.f32 $8.000000000e+00, v6;
	v6 =	vld [tilespmem:s15+$0x6460];
	[tilespmem:s15+$0xE5F0] =	vst v7  }
0x5b: {  	[tilespmem:s15+$0xE400] =	vst v1;
	v1 =	vmul.f32 $8.000000000e+00, v2;
	v2 =	vld [tilespmem:s15+$0x6470]  }
0x5c: {  	[tilespmem:s15+$0xE410] =	vst v0;
	v0 =	vmul.f32 $8.000000000e+00, v3;
	v3 =	vld [tilespmem:s15+$0x6480]  }
0x5d: {  	[tilespmem:s15+$0xE420] =	vst v1;
	v1 =	vmul.f32 $8.000000000e+00, v4;
	v4 =	vld [tilespmem:s15+$0x6490]  }
0x5e: {  	[tilespmem:s15+$0xE430] =	vst v0;
	v0 =	vmul.f32 $8.000000000e+00, v5;
	v5 =	vld [tilespmem:s15+$0x64A0]  }
0x5f: {  	[tilespmem:s15+$0xE440] =	vst v1;
	v1 =	vmul.f32 $8.000000000e+00, v6;
	v6 =	vld [tilespmem:s15+$0x64B0]  }
0x60: {  	[tilespmem:s15+$0xE450] =	vst v0;
	v0 =	vmul.f32 $8.000000000e+00, v2;
	v2 =	vld [tilespmem:s15+$0x64C0]  }
0x61: {  	[tilespmem:s15+$0xE460] =	vst v1;
	v1 =	vmul.f32 $8.000000000e+00, v3;
	v3 =	vld [tilespmem:s15+$0x64D0]  }
0x62: {  	[tilespmem:s15+$0xE470] =	vst v0;
	v0 =	vmul.f32 $8.000000000e+00, v4;
	v4 =	vld [tilespmem:s15+$0x64E0]  }
0x63: {  	[tilespmem:s15+$0xE480] =	vst v1;
	v1 =	vmul.f32 $8.000000000e+00, v5;
	v5 =	vld [tilespmem:s15+$0x64F0]  }
0x64: {  	[tilespmem:s15+$0xE490] =	vst v0;
	v0 =	vmul.f32 $8.000000000e+00, v6;
	v6 =	vld [tilespmem:s15+$0x6500]  }
0x65: {  	[tilespmem:s15+$0xE4A0] =	vst v1;
	v1 =	vmul.f32 $8.000000000e+00, v2;
	v2 =	vld [tilespmem:s15+$0x6510]  }
0x66: {  	[tilespmem:s15+$0xE4B0] =	vst v0;
	v0 =	vmul.f32 $8.000000000e+00, v3;
	v3 =	vld [tilespmem:s15+$0x6520]  }
0x67: {  	[tilespmem:s15+$0xE4C0] =	vst v1;
	v1 =	vmul.f32 $8.000000000e+00, v4;
	v4 =	vld [tilespmem:s15+$0x6530]  }
0x68: {  	[tilespmem:s15+$0xE4D0] =	vst v0;
	v0 =	vmul.f32 $8.000000000e+00, v5;
	v5 =	vld [tilespmem:s15+$0x6540]  }
0x69: {  	[tilespmem:s15+$0xE4E0] =	vst v1;
	v1 =	vmul.f32 $8.000000000e+00, v6;
	v6 =	vld [tilespmem:s15+$0x6550]  }
0x6a: {  	[tilespmem:s15+$0xE4F0] =	vst v0;
	v0 =	vmul.f32 $8.000000000e+00, v2;
	v2 =	vld [tilespmem:s15+$0x6560]  }
0x6b: {  	[tilespmem:s15+$0xE500] =	vst v1;
	v1 =	vmul.f32 $8.000000000e+00, v3;
	v3 =	vld [tilespmem:s15+$0x6570]  }
0x6c: {  	[tilespmem:s15+$0xE510] =	vst v0;
	v0 =	vmul.f32 $8.000000000e+00, v4;
	v4 =	vld [tilespmem:s15+$0x6580]  }
0x6d: {  	[tilespmem:s15+$0xE520] =	vst v1;
	v1 =	vmul.f32 $8.000000000e+00, v5;
	v7 =	vld [tilespmem:s15+$0x6590]  }
.Ltmp2:
0x6e: {  	[tilespmem:s15+$0xE530] =	vst v0;
	v5 =	vmul.f32 $8.000000000e+00, v6;
	v0 =	vld [tilespmem:s15+$0x65A0];
	(pc) =	sbr.rel @p1 .LBB2_3-.Ltmp2, $4  }
0x6f: {  	[tilespmem:s15+$0xE540] =	vst v1;
	v6 =	vmul.f32 $8.000000000e+00, v2;
	v1 =	vld [tilespmem:s15+$0x65B0]  }
0x70: {  	[tilespmem:s15+$0xE550] =	vst v5;
	v8 =	vmul.f32 $8.000000000e+00, v3;
	v2 =	vld [tilespmem:s15+$0x65C0]  }
0x71: {  	[tilespmem:s15+$0xE560] =	vst v6;
	v5 =	vmul.f32 $8.000000000e+00, v4;
	v3 =	vld [tilespmem:s15+$0x65D0]  }
0x72: {  	s17 =	sshra.s32 s5, $0x2;
	s5 =	sadd.s32 $0x800, s5;
	[tilespmem:s15+$0xE570] =	vst v8;
	v6 =	vmul.f32 $8.000000000e+00, v7;
	v4 =	vld [tilespmem:s15+$0x65E0]  }
0x73: {  	v7 =	vld [tilespmem:s17+$0x65F0];
	[tilespmem:s15+$0xE580] =	vst v5;
	v0 =	vmul.f32 $8.000000000e+00, v0  }
0x74: {  	v5 =	vld [tilespmem:s17+$0x6400];
	[tilespmem:s15+$0xE590] =	vst v6;
	v1 =	vmul.f32 $8.000000000e+00, v1  }
0x75: {  	v6 =	vld [tilespmem:s17+$0x6410];
	[tilespmem:s15+$0xE5A0] =	vst v0;
	v2 =	vmul.f32 $8.000000000e+00, v2  }
0x76: {  	v0 =	vld [tilespmem:s17+$0x6420];
	[tilespmem:s15+$0xE5B0] =	vst v1;
	v3 =	vmul.f32 $8.000000000e+00, v3  }
0x77: {  	v1 =	vld [tilespmem:s17+$0x6430];
	[tilespmem:s15+$0xE5C0] =	vst v2;
	v4 =	vmul.f32 $8.000000000e+00, v4  }
0x78: {  	v2 =	vld [tilespmem:s17+$0x6440];
	[tilespmem:s15+$0xE5D0] =	vst v3;
	v7 =	vmul.f32 $8.000000000e+00, v7  }
0x79: {  	v3 =	vld [tilespmem:s17+$0x6450];
	[tilespmem:s15+$0xE5E0] =	vst v4;
	v32 =	vmul.f32 $8.000000000e+00, v5  }
0x7a: {  	v33 =	vld [tilespmem:s17+$0x6460];
	[tilespmem:s17+$0xE5F0] =	vst v7;
	v6 =	vmul.f32 $8.000000000e+00, v6  }
0x7b: {  	v34 =	vld [tilespmem:s17+$0x6470];
	[tilespmem:s17+$0xE400] =	vst v32;
	v0 =	vmul.f32 $8.000000000e+00, v0  }
0x7c: {  	v35 =	vld [tilespmem:s17+$0x6480];
	[tilespmem:s17+$0xE410] =	vst v6;
	v1 =	vmul.f32 $8.000000000e+00, v1  }
0x7d: {  	v36 =	vld [tilespmem:s17+$0x6490];
	[tilespmem:s17+$0xE420] =	vst v0;
	v2 =	vmul.f32 $8.000000000e+00, v2  }
0x7e: {  	v37 =	vld [tilespmem:s17+$0x64A0];
	[tilespmem:s17+$0xE430] =	vst v1;
	v3 =	vmul.f32 $8.000000000e+00, v3  }
0x7f: {  	v38 =	vld [tilespmem:s17+$0x64B0];
	[tilespmem:s17+$0xE440] =	vst v2;
	v5 =	vmul.f32 $8.000000000e+00, v33  }
0x80: {  	v52 =	vld [tilespmem:s17+$0x6590];
	v4 =	vmul.f32 $8.000000000e+00, v34;
	[tilespmem:s17+$0xE450] =	vst v3  }
0x81: {  	v53 =	vld [tilespmem:s17+$0x65A0];
	v6 =	vmul.f32 $8.000000000e+00, v35;
	[tilespmem:s17+$0xE460] =	vst v5  }
0x82: {  	v54 =	vld [tilespmem:s17+$0x65B0];
	v0 =	vmul.f32 $8.000000000e+00, v36;
	[tilespmem:s17+$0xE470] =	vst v4  }
0x83: {  	v55 =	vld [tilespmem:s17+$0x65C0];
	v1 =	vmul.f32 $8.000000000e+00, v37;
	[tilespmem:s17+$0xE480] =	vst v6  }
0x84: {  	v56 =	vld [tilespmem:s17+$0x65D0];
	v2 =	vmul.f32 $8.000000000e+00, v38;
	[tilespmem:s17+$0xE490] =	vst v0  }
0x85: {  	v58 =	vld [tilespmem:s17+$0x65E0];
	v57 =	vmul.f32 $8.000000000e+00, v52;
	[tilespmem:s17+$0xE4A0] =	vst v1  }
0x86: {  	v39 =	vld [tilespmem:s17+$0x64C0];
	v59 =	vmul.f32 $8.000000000e+00, v53;
	[tilespmem:s17+$0xE4B0] =	vst v2  }
0x87: {  	v40 =	vld [tilespmem:s17+$0x64D0];
	v60 =	vmul.f32 $8.000000000e+00, v54;
	[tilespmem:s17+$0xE590] =	vst v57  }
0x88: {  	v41 =	vld [tilespmem:s17+$0x64E0];
	v61 =	vmul.f32 $8.000000000e+00, v55;
	[tilespmem:s17+$0xE5A0] =	vst v59  }
0x89: {  	v42 =	vld [tilespmem:s17+$0x64F0];
	v62 =	vmul.f32 $8.000000000e+00, v56;
	[tilespmem:s17+$0xE5B0] =	vst v60  }
0x8a: {  	v43 =	vld [tilespmem:s17+$0x6500];
	v63 =	vmul.f32 $8.000000000e+00, v58;
	[tilespmem:s17+$0xE5C0] =	vst v61  }
0x8b: {  	v44 =	vld [tilespmem:s17+$0x6510];
	v3 =	vmul.f32 $8.000000000e+00, v39;
	[tilespmem:s17+$0xE5D0] =	vst v62  }
0x8c: {  	v45 =	vld [tilespmem:s17+$0x6520];
	v5 =	vmul.f32 $8.000000000e+00, v40;
	[tilespmem:s17+$0xE5E0] =	vst v63  }
0x8d: {  	v46 =	vld [tilespmem:s17+$0x6530];
	v4 =	vmul.f32 $8.000000000e+00, v41;
	[tilespmem:s17+$0xE4C0] =	vst v3  }
0x8e: {  	v47 =	vld [tilespmem:s17+$0x6540];
	v6 =	vmul.f32 $8.000000000e+00, v42;
	[tilespmem:s17+$0xE4D0] =	vst v5  }
0x8f: {  	v48 =	vld [tilespmem:s17+$0x6550];
	v0 =	vmul.f32 $8.000000000e+00, v43;
	[tilespmem:s17+$0xE4E0] =	vst v4  }
0x90: {  	v49 =	vld [tilespmem:s17+$0x6560];
	v1 =	vmul.f32 $8.000000000e+00, v44;
	[tilespmem:s17+$0xE4F0] =	vst v6  }
0x91: {  	v50 =	vld [tilespmem:s17+$0x6570];
	v2 =	vmul.f32 $8.000000000e+00, v45;
	[tilespmem:s17+$0xE500] =	vst v0  }
0x92: {  	v51 =	vld [tilespmem:s17+$0x6580];
	v3 =	vmul.f32 $8.000000000e+00, v46;
	[tilespmem:s17+$0xE510] =	vst v1  }
0x93: {  	[tilespmem:s17+$0xE520] =	vst v2;
	v5 =	vmul.f32 $8.000000000e+00, v47  }
0x94: {  	v4 =	vmul.f32 $8.000000000e+00, v48;
	[tilespmem:s17+$0xE530] =	vst v3  }
0x95: {  	p1 =	sne.s32 s0, $0x31;
	v6 =	vmul.f32 $8.000000000e+00, v49;
	[tilespmem:s17+$0xE540] =	vst v5  }
.Ltmp3:
0x96: {  	s5 =	sshll.u32 s0, $0xF;
	v0 =	vmul.f32 $8.000000000e+00, v50;
	[tilespmem:s17+$0xE550] =	vst v4;
	(pc) =	sbr.rel @p1 .LBB2_6-.Ltmp3, $4  }
0x97: {  	s5 =	sadd.s32 s6, s5;
	v1 =	vmul.f32 $8.000000000e+00, v51;
	[tilespmem:s17+$0xE560] =	vst v6  }
0x98: {  	s5 =	sshrl.u32 s5, $0x3;
	[tilespmem:s17+$0xE570] =	vst v0  }
0x99: {  	s5 =	sadd.s32 s2, s5;
	[tilespmem:s17+$0xE580] =	vst v1  }
0x9a: {  	[hbm4b:s5+s3] =	stream.linear.scatter [tilespmem:s20], [sflag:$0x5], $0x2000, $0x38;
	[tilespmem:$0x16400] =	vst v63  }
.Ltmp4:
0x9b: {  	(pc) =	sbr.rel .LBB2_7-.Ltmp4, $4  }
0x9c: {  	_ = 	snop  }
0x9d: {  	_ =	swait.ge [sflag:s21], $0x2000  }
0x9e: {  	[sflag:s21] =	ssyncset.done $0x0  }
0x9f: {  	[sflag:s21] =	ssyncadd.s32 $0xFFFFE000  }
.LBB2_6:
0xa0: {  	s5 =	sshll.u32 s0, $0x9  }
0xa1: {  	s5 =	sand.u32 $0x3FFFFE00, s5  }
.Ltmp5:
0xa2: {  	s5 =	sadd.s32 $0x200, s5;
	(pc) =	sbr.rel @p0 .LBB2_8-.Ltmp5, $4  }
0xa3: {  	[tilespmem:s13], [sflag:$0x1] =	stream.indirect.gather [hbm4b:s4+s12], $0x40, s5, s12, $0xb8;
	[tilespmem:$0x16400] =	vst v63  }
0xa4: {  	_ =	swait.ge [sflag:s21], $0x2000  }
0xa5: {  	[sflag:s21] =	ssyncset.done $0x0  }
0xa6: {  	[sflag:s21] =	ssyncadd.s32 $0xFFFFE000  }
.LBB2_7:
0xa7: {  	_ =	swait.ge [sflag:s22], $0x2000  }
0xa8: {  	[sflag:s22] =	ssyncset.done $0x0  }
0xa9: {  	[sflag:s22] =	ssyncadd.s32 $0xFFFFE000  }
.LBB2_8:
0xaa: {  	s15 =	simm.s32 $0x0  }
0xab: {  	v0 =	vld [tilespmem:s15+$0x85F0]  }
0xac: {  	v1 =	vld [tilespmem:s15+$0x8400];
	_ =	sdelay $0x1  }
0xad: {  	v2 =	vld [tilespmem:s15+$0x8410]  }
0xae: {  	v3 =	vld [tilespmem:s15+$0x8420]  }
0xaf: {  	v4 =	vld [tilespmem:s15+$0x8430];
	v0 =	vmul.f32 $8.000000000e+00, v0  }
0xb0: {  	v5 =	vld [tilespmem:s15+$0x8440];
	v1 =	vmul.f32 $8.000000000e+00, v1  }
0xb1: {  	v6 =	vld [tilespmem:s15+$0x8450];
	[tilespmem:s15+$0x105F0] =	vst v0  }
0xb2: {  	v0 =	vmul.f32 $8.000000000e+00, v2;
	[tilespmem:s15+$0x10400] =	vst v1;
	v1 =	vld [tilespmem:s15+$0x8470]  }
0xb3: {  	v7 =	vld [tilespmem:s15+$0x8460];
	v2 =	vmul.f32 $8.000000000e+00, v3  }
0xb4: {  	v3 =	vmul.f32 $8.000000000e+00, v4;
	[tilespmem:s15+$0x10410] =	vst v0;
	v0 =	vld [tilespmem:s15+$0x8480]  }
0xb5: {  	v4 =	vmul.f32 $8.000000000e+00, v5;
	[tilespmem:s15+$0x10420] =	vst v2;
	v2 =	vld [tilespmem:s15+$0x8490]  }
0xb6: {  	v5 =	vmul.f32 $8.000000000e+00, v6;
	[tilespmem:s15+$0x10430] =	vst v3;
	v3 =	vld [tilespmem:s15+$0x84A0]  }
0xb7: {  	[tilespmem:s15+$0x10440] =	vst v4;
	v4 =	vld [tilespmem:s15+$0x84B0];
	v1 =	vmul.f32 $8.000000000e+00, v1  }
0xb8: {  	v6 =	vmul.f32 $8.000000000e+00, v7;
	[tilespmem:s15+$0x10450] =	vst v5;
	v5 =	vld [tilespmem:s15+$0x84C0]  }
0xb9: {  	v0 =	vmul.f32 $8.000000000e+00, v0;
	[tilespmem:s15+$0x10470] =	vst v1;
	v1 =	vld [tilespmem:s15+$0x84E0]  }
0xba: {  	[tilespmem:s15+$0x10460] =	vst v6;
	v6 =	vld [tilespmem:s15+$0x84D0];
	v2 =	vmul.f32 $8.000000000e+00, v2  }
0xbb: {  	v3 =	vmul.f32 $8.000000000e+00, v3;
	[tilespmem:s15+$0x10480] =	vst v0;
	v0 =	vld [tilespmem:s15+$0x84F0]  }
0xbc: {  	v4 =	vmul.f32 $8.000000000e+00, v4;
	[tilespmem:s15+$0x10490] =	vst v2;
	v2 =	vld [tilespmem:s15+$0x8500]  }
0xbd: {  	v5 =	vmul.f32 $8.000000000e+00, v5;
	[tilespmem:s15+$0x104A0] =	vst v3;
	v3 =	vld [tilespmem:s15+$0x8510]  }
0xbe: {  	[tilespmem:s15+$0x104B0] =	vst v4;
	v4 =	vld [tilespmem:s15+$0x8520];
	v1 =	vmul.f32 $8.000000000e+00, v1  }
0xbf: {  	v6 =	vmul.f32 $8.000000000e+00, v6;
	[tilespmem:s15+$0x104C0] =	vst v5;
	v5 =	vld [tilespmem:s15+$0x8530]  }
0xc0: {  	v0 =	vmul.f32 $8.000000000e+00, v0;
	[tilespmem:s15+$0x104E0] =	vst v1;
	v1 =	vld [tilespmem:s15+$0x8550]  }
0xc1: {  	[tilespmem:s15+$0x104D0] =	vst v6;
	v6 =	vld [tilespmem:s15+$0x8540];
	v2 =	vmul.f32 $8.000000000e+00, v2  }
0xc2: {  	[tilespmem:s15+$0x104F0] =	vst v0;
	v0 =	vmul.f32 $8.000000000e+00, v3;
	v3 =	vld [tilespmem:s15+$0x8570]  }
0xc3: {  	v7 =	vld [tilespmem:s15+$0x8560];
	[tilespmem:s15+$0x10500] =	vst v2;
	v2 =	vmul.f32 $8.000000000e+00, v4  }
0xc4: {  	v4 =	vld [tilespmem:s15+$0x8580];
	[tilespmem:s15+$0x10510] =	vst v0;
	v0 =	vmul.f32 $8.000000000e+00, v5  }
0xc5: {  	v8 =	vld [tilespmem:s15+$0x8590];
	[tilespmem:s15+$0x10520] =	vst v2;
	v5 =	vmul.f32 $8.000000000e+00, v1  }
0xc6: {  	v2 =	vmul.f32 $8.000000000e+00, v6;
	[tilespmem:s15+$0x10530] =	vst v0;
	v0 =	vld [tilespmem:s15+$0x85A0]  }
0xc7: {  	v1 =	vld [tilespmem:s15+$0x85B0];
	[tilespmem:s15+$0x10550] =	vst v5;
	v5 =	vmul.f32 $8.000000000e+00, v3  }
0xc8: {  	v6 =	vmul.f32 $8.000000000e+00, v7;
	[tilespmem:s15+$0x10540] =	vst v2;
	v2 =	vld [tilespmem:s15+$0x85C0]  }
0xc9: {  	v3 =	vld [tilespmem:s15+$0x85D0];
	[tilespmem:s15+$0x10570] =	vst v5;
	v5 =	vmul.f32 $8.000000000e+00, v4  }
0xca: {  	s17 =	simm.s32 $0x200;
	s5 =	simm.s32 $0x1000;
	[tilespmem:s15+$0x10560] =	vst v6;
	v6 =	vmul.f32 $8.000000000e+00, v8;
	v4 =	vld [tilespmem:s15+$0x85E0]  }
.LBB2_9:
0xcb: {  	p2 =	sne.s32 s5, $0x7800;
	v7 =	vld [tilespmem:s17+$0x85F0];
	[tilespmem:s15+$0x10580] =	vst v5;
	v0 =	vmul.f32 $8.000000000e+00, v0  }
0xcc: {  	v5 =	vld [tilespmem:s17+$0x8400];
	[tilespmem:s15+$0x10590] =	vst v6;
	v1 =	vmul.f32 $8.000000000e+00, v1  }
0xcd: {  	v6 =	vld [tilespmem:s17+$0x8410];
	[tilespmem:s15+$0x105A0] =	vst v0;
	v0 =	vmul.f32 $8.000000000e+00, v2  }
0xce: {  	v2 =	vld [tilespmem:s17+$0x8420];
	[tilespmem:s15+$0x105B0] =	vst v1;
	v1 =	vmul.f32 $8.000000000e+00, v3  }
0xcf: {  	v3 =	vld [tilespmem:s17+$0x8430];
	[tilespmem:s15+$0x105C0] =	vst v0;
	v0 =	vmul.f32 $8.000000000e+00, v4  }
0xd0: {  	v4 =	vld [tilespmem:s17+$0x8440];
	v7 =	vmul.f32 $8.000000000e+00, v7;
	[tilespmem:s15+$0x105D0] =	vst v1  }
0xd1: {  	v1 =	vmul.f32 $8.000000000e+00, v5;
	v5 =	vld [tilespmem:s17+$0x8450];
	[tilespmem:s15+$0x105E0] =	vst v0;
	s15 =	smov.u32 s17  }
0xd2: {  	v0 =	vmul.f32 $8.000000000e+00, v6;
	v6 =	vld [tilespmem:s15+$0x8460];
	[tilespmem:s15+$0x105F0] =	vst v7  }
0xd3: {  	[tilespmem:s15+$0x10400] =	vst v1;
	v1 =	vmul.f32 $8.000000000e+00, v2;
	v2 =	vld [tilespmem:s15+$0x8470]  }
0xd4: {  	[tilespmem:s15+$0x10410] =	vst v0;
	v0 =	vmul.f32 $8.000000000e+00, v3;
	v3 =	vld [tilespmem:s15+$0x8480]  }
0xd5: {  	[tilespmem:s15+$0x10420] =	vst v1;
	v1 =	vmul.f32 $8.000000000e+00, v4;
	v4 =	vld [tilespmem:s15+$0x8490]  }
0xd6: {  	[tilespmem:s15+$0x10430] =	vst v0;
	v0 =	vmul.f32 $8.000000000e+00, v5;
	v5 =	vld [tilespmem:s15+$0x84A0]  }
0xd7: {  	[tilespmem:s15+$0x10440] =	vst v1;
	v1 =	vmul.f32 $8.000000000e+00, v6;
	v6 =	vld [tilespmem:s15+$0x84B0]  }
0xd8: {  	[tilespmem:s15+$0x10450] =	vst v0;
	v0 =	vmul.f32 $8.000000000e+00, v2;
	v2 =	vld [tilespmem:s15+$0x84C0]  }
0xd9: {  	[tilespmem:s15+$0x10460] =	vst v1;
	v1 =	vmul.f32 $8.000000000e+00, v3;
	v3 =	vld [tilespmem:s15+$0x84D0]  }
0xda: {  	[tilespmem:s15+$0x10470] =	vst v0;
	v0 =	vmul.f32 $8.000000000e+00, v4;
	v4 =	vld [tilespmem:s15+$0x84E0]  }
0xdb: {  	[tilespmem:s15+$0x10480] =	vst v1;
	v1 =	vmul.f32 $8.000000000e+00, v5;
	v5 =	vld [tilespmem:s15+$0x84F0]  }
0xdc: {  	[tilespmem:s15+$0x10490] =	vst v0;
	v0 =	vmul.f32 $8.000000000e+00, v6;
	v6 =	vld [tilespmem:s15+$0x8500]  }
0xdd: {  	[tilespmem:s15+$0x104A0] =	vst v1;
	v1 =	vmul.f32 $8.000000000e+00, v2;
	v2 =	vld [tilespmem:s15+$0x8510]  }
0xde: {  	[tilespmem:s15+$0x104B0] =	vst v0;
	v0 =	vmul.f32 $8.000000000e+00, v3;
	v3 =	vld [tilespmem:s15+$0x8520]  }
0xdf: {  	[tilespmem:s15+$0x104C0] =	vst v1;
	v1 =	vmul.f32 $8.000000000e+00, v4;
	v4 =	vld [tilespmem:s15+$0x8530]  }
0xe0: {  	[tilespmem:s15+$0x104D0] =	vst v0;
	v0 =	vmul.f32 $8.000000000e+00, v5;
	v5 =	vld [tilespmem:s15+$0x8540]  }
0xe1: {  	[tilespmem:s15+$0x104E0] =	vst v1;
	v1 =	vmul.f32 $8.000000000e+00, v6;
	v6 =	vld [tilespmem:s15+$0x8550]  }
0xe2: {  	[tilespmem:s15+$0x104F0] =	vst v0;
	v0 =	vmul.f32 $8.000000000e+00, v2;
	v2 =	vld [tilespmem:s15+$0x8560]  }
0xe3: {  	[tilespmem:s15+$0x10500] =	vst v1;
	v1 =	vmul.f32 $8.000000000e+00, v3;
	v3 =	vld [tilespmem:s15+$0x8570]  }
0xe4: {  	[tilespmem:s15+$0x10510] =	vst v0;
	v0 =	vmul.f32 $8.000000000e+00, v4;
	v4 =	vld [tilespmem:s15+$0x8580]  }
0xe5: {  	[tilespmem:s15+$0x10520] =	vst v1;
	v1 =	vmul.f32 $8.000000000e+00, v5;
	v7 =	vld [tilespmem:s15+$0x8590]  }
.Ltmp6:
0xe6: {  	[tilespmem:s15+$0x10530] =	vst v0;
	v5 =	vmul.f32 $8.000000000e+00, v6;
	v0 =	vld [tilespmem:s15+$0x85A0];
	(pc) =	sbr.rel @p2 .LBB2_9-.Ltmp6, $4  }
0xe7: {  	[tilespmem:s15+$0x10540] =	vst v1;
	v6 =	vmul.f32 $8.000000000e+00, v2;
	v1 =	vld [tilespmem:s15+$0x85B0]  }
0xe8: {  	[tilespmem:s15+$0x10550] =	vst v5;
	v8 =	vmul.f32 $8.000000000e+00, v3;
	v2 =	vld [tilespmem:s15+$0x85C0]  }
0xe9: {  	[tilespmem:s15+$0x10560] =	vst v6;
	v5 =	vmul.f32 $8.000000000e+00, v4;
	v3 =	vld [tilespmem:s15+$0x85D0]  }
0xea: {  	s17 =	sshra.s32 s5, $0x2;
	s5 =	sadd.s32 $0x800, s5;
	[tilespmem:s15+$0x10570] =	vst v8;
	v6 =	vmul.f32 $8.000000000e+00, v7;
	v4 =	vld [tilespmem:s15+$0x85E0]  }
0xeb: {  	v7 =	vld [tilespmem:s17+$0x85F0];
	[tilespmem:s15+$0x10580] =	vst v5;
	v0 =	vmul.f32 $8.000000000e+00, v0  }
0xec: {  	v5 =	vld [tilespmem:s17+$0x8400];
	[tilespmem:s15+$0x10590] =	vst v6;
	v1 =	vmul.f32 $8.000000000e+00, v1  }
0xed: {  	v6 =	vld [tilespmem:s17+$0x8410];
	[tilespmem:s15+$0x105A0] =	vst v0;
	v2 =	vmul.f32 $8.000000000e+00, v2  }
0xee: {  	v0 =	vld [tilespmem:s17+$0x8420];
	[tilespmem:s15+$0x105B0] =	vst v1;
	v3 =	vmul.f32 $8.000000000e+00, v3  }
0xef: {  	v1 =	vld [tilespmem:s17+$0x8430];
	[tilespmem:s15+$0x105C0] =	vst v2;
	v4 =	vmul.f32 $8.000000000e+00, v4  }
0xf0: {  	v2 =	vld [tilespmem:s17+$0x8440];
	[tilespmem:s15+$0x105D0] =	vst v3;
	v7 =	vmul.f32 $8.000000000e+00, v7  }
0xf1: {  	v3 =	vld [tilespmem:s17+$0x8450];
	[tilespmem:s15+$0x105E0] =	vst v4;
	v32 =	vmul.f32 $8.000000000e+00, v5  }
0xf2: {  	v33 =	vld [tilespmem:s17+$0x8460];
	[tilespmem:s17+$0x105F0] =	vst v7;
	v6 =	vmul.f32 $8.000000000e+00, v6  }
0xf3: {  	v34 =	vld [tilespmem:s17+$0x8470];
	[tilespmem:s17+$0x10400] =	vst v32;
	v0 =	vmul.f32 $8.000000000e+00, v0  }
0xf4: {  	v35 =	vld [tilespmem:s17+$0x8480];
	[tilespmem:s17+$0x10410] =	vst v6;
	v1 =	vmul.f32 $8.000000000e+00, v1  }
0xf5: {  	v36 =	vld [tilespmem:s17+$0x8490];
	[tilespmem:s17+$0x10420] =	vst v0;
	v2 =	vmul.f32 $8.000000000e+00, v2  }
0xf6: {  	v37 =	vld [tilespmem:s17+$0x84A0];
	[tilespmem:s17+$0x10430] =	vst v1;
	v3 =	vmul.f32 $8.000000000e+00, v3  }
0xf7: {  	v38 =	vld [tilespmem:s17+$0x84B0];
	[tilespmem:s17+$0x10440] =	vst v2;
	v5 =	vmul.f32 $8.000000000e+00, v33  }
0xf8: {  	v52 =	vld [tilespmem:s17+$0x8590];
	v4 =	vmul.f32 $8.000000000e+00, v34;
	[tilespmem:s17+$0x10450] =	vst v3  }
0xf9: {  	v53 =	vld [tilespmem:s17+$0x85A0];
	v6 =	vmul.f32 $8.000000000e+00, v35;
	[tilespmem:s17+$0x10460] =	vst v5  }
0xfa: {  	v54 =	vld [tilespmem:s17+$0x85B0];
	v0 =	vmul.f32 $8.000000000e+00, v36;
	[tilespmem:s17+$0x10470] =	vst v4  }
0xfb: {  	v55 =	vld [tilespmem:s17+$0x85C0];
	v1 =	vmul.f32 $8.000000000e+00, v37;
	[tilespmem:s17+$0x10480] =	vst v6  }
0xfc: {  	v56 =	vld [tilespmem:s17+$0x85D0];
	v2 =	vmul.f32 $8.000000000e+00, v38;
	[tilespmem:s17+$0x10490] =	vst v0  }
0xfd: {  	v58 =	vld [tilespmem:s17+$0x85E0];
	v57 =	vmul.f32 $8.000000000e+00, v52;
	[tilespmem:s17+$0x104A0] =	vst v1  }
0xfe: {  	v39 =	vld [tilespmem:s17+$0x84C0];
	v59 =	vmul.f32 $8.000000000e+00, v53;
	[tilespmem:s17+$0x104B0] =	vst v2  }
0xff: {  	v40 =	vld [tilespmem:s17+$0x84D0];
	v60 =	vmul.f32 $8.000000000e+00, v54;
	[tilespmem:s17+$0x10590] =	vst v57  }
0x100: {  	v41 =	vld [tilespmem:s17+$0x84E0];
	v61 =	vmul.f32 $8.000000000e+00, v55;
	[tilespmem:s17+$0x105A0] =	vst v59  }
0x101: {  	v42 =	vld [tilespmem:s17+$0x84F0];
	v62 =	vmul.f32 $8.000000000e+00, v56;
	[tilespmem:s17+$0x105B0] =	vst v60  }
0x102: {  	v43 =	vld [tilespmem:s17+$0x8500];
	v63 =	vmul.f32 $8.000000000e+00, v58;
	[tilespmem:s17+$0x105C0] =	vst v61  }
0x103: {  	v44 =	vld [tilespmem:s17+$0x8510];
	v3 =	vmul.f32 $8.000000000e+00, v39;
	[tilespmem:s17+$0x105D0] =	vst v62  }
0x104: {  	v45 =	vld [tilespmem:s17+$0x8520];
	v5 =	vmul.f32 $8.000000000e+00, v40;
	[tilespmem:s17+$0x105E0] =	vst v63  }
0x105: {  	v46 =	vld [tilespmem:s17+$0x8530];
	v4 =	vmul.f32 $8.000000000e+00, v41;
	[tilespmem:s17+$0x104C0] =	vst v3  }
0x106: {  	v47 =	vld [tilespmem:s17+$0x8540];
	v6 =	vmul.f32 $8.000000000e+00, v42;
	[tilespmem:s17+$0x104D0] =	vst v5  }
0x107: {  	v48 =	vld [tilespmem:s17+$0x8550];
	v0 =	vmul.f32 $8.000000000e+00, v43;
	[tilespmem:s17+$0x104E0] =	vst v4  }
0x108: {  	v49 =	vld [tilespmem:s17+$0x8560];
	v1 =	vmul.f32 $8.000000000e+00, v44;
	[tilespmem:s17+$0x104F0] =	vst v6  }
0x109: {  	v50 =	vld [tilespmem:s17+$0x8570];
	v2 =	vmul.f32 $8.000000000e+00, v45;
	[tilespmem:s17+$0x10500] =	vst v0  }
0x10a: {  	v51 =	vld [tilespmem:s17+$0x8580];
	v3 =	vmul.f32 $8.000000000e+00, v46;
	[tilespmem:s17+$0x10510] =	vst v1  }
0x10b: {  	[tilespmem:s17+$0x10520] =	vst v2;
	v5 =	vmul.f32 $8.000000000e+00, v47  }
0x10c: {  	v4 =	vmul.f32 $8.000000000e+00, v48;
	[tilespmem:s17+$0x10530] =	vst v3  }
0x10d: {  	s15 =	sshll.u32 s0, $0x9;
	v6 =	vmul.f32 $8.000000000e+00, v49;
	[tilespmem:s17+$0x10540] =	vst v5  }
.Ltmp7:
0x10e: {  	s5 =	sadd.s32 s15, s7;
	v0 =	vmul.f32 $8.000000000e+00, v50;
	[tilespmem:s17+$0x10550] =	vst v4;
	(pc) =	sbr.rel @p1 .LBB2_12-.Ltmp7, $4  }
0x10f: {  	s5 =	sshll.u32 s5, $0x3;
	v1 =	vmul.f32 $8.000000000e+00, v51;
	[tilespmem:s17+$0x10560] =	vst v6  }
0x110: {  	s5 =	sand.u32 $0x1FFFF400, s5;
	[tilespmem:s17+$0x10570] =	vst v0  }
0x111: {  	s5 =	sadd.s32 s2, s5;
	[tilespmem:s17+$0x10580] =	vst v1  }
0x112: {  	[hbm4b:s5+s3] =	stream.linear.scatter [tilespmem:s23], [sflag:$0x6], $0x2000, $0x38;
	[tilespmem:$0x16400] =	vst v63  }
.Ltmp8:
0x113: {  	(pc) =	sbr.rel .LBB2_13-.Ltmp8, $4  }
0x114: {  	_ = 	snop  }
0x115: {  	_ =	swait.ge [sflag:s24], $0x2000  }
0x116: {  	[sflag:s24] =	ssyncset.done $0x0  }
0x117: {  	[sflag:s24] =	ssyncadd.s32 $0xFFFFE000  }
.LBB2_12:
0x118: {  	s5 =	sand.u32 $0x3FFFFE00, s15  }
.Ltmp9:
0x119: {  	s5 =	sadd.s32 $0x280, s5;
	(pc) =	sbr.rel @p0 .LBB2_14-.Ltmp9, $4  }
0x11a: {  	[tilespmem:s14], [sflag:$0x2] =	stream.indirect.gather [hbm4b:s4+s12], $0x40, s5, s12, $0xb8;
	[tilespmem:$0x16400] =	vst v63  }
0x11b: {  	_ =	swait.ge [sflag:s24], $0x2000  }
0x11c: {  	[sflag:s24] =	ssyncset.done $0x0  }
0x11d: {  	[sflag:s24] =	ssyncadd.s32 $0xFFFFE000  }
.LBB2_13:
0x11e: {  	_ =	swait.ge [sflag:s25], $0x2000  }
0x11f: {  	[sflag:s25] =	ssyncset.done $0x0  }
0x120: {  	[sflag:s25] =	ssyncadd.s32 $0xFFFFE000  }
.LBB2_14:
0x121: {  	s17 =	simm.s32 $0x0  }
0x122: {  	v0 =	vld [tilespmem:s17+$0xA5F0]  }
0x123: {  	v1 =	vld [tilespmem:s17+$0xA400];
	_ =	sdelay $0x1  }
0x124: {  	v2 =	vld [tilespmem:s17+$0xA410]  }
0x125: {  	v3 =	vld [tilespmem:s17+$0xA420]  }
0x126: {  	v4 =	vld [tilespmem:s17+$0xA430];
	v0 =	vmul.f32 $8.000000000e+00, v0  }
0x127: {  	v5 =	vld [tilespmem:s17+$0xA440];
	v1 =	vmul.f32 $8.000000000e+00, v1  }
0x128: {  	v6 =	vld [tilespmem:s17+$0xA450];
	[tilespmem:s17+$0x125F0] =	vst v0  }
0x129: {  	v0 =	vmul.f32 $8.000000000e+00, v2;
	[tilespmem:s17+$0x12400] =	vst v1;
	v1 =	vld [tilespmem:s17+$0xA470]  }
0x12a: {  	v7 =	vld [tilespmem:s17+$0xA460];
	v2 =	vmul.f32 $8.000000000e+00, v3  }
0x12b: {  	v3 =	vmul.f32 $8.000000000e+00, v4;
	[tilespmem:s17+$0x12410] =	vst v0;
	v0 =	vld [tilespmem:s17+$0xA480]  }
0x12c: {  	v4 =	vmul.f32 $8.000000000e+00, v5;
	[tilespmem:s17+$0x12420] =	vst v2;
	v2 =	vld [tilespmem:s17+$0xA490]  }
0x12d: {  	v5 =	vmul.f32 $8.000000000e+00, v6;
	[tilespmem:s17+$0x12430] =	vst v3;
	v3 =	vld [tilespmem:s17+$0xA4A0]  }
0x12e: {  	[tilespmem:s17+$0x12440] =	vst v4;
	v4 =	vld [tilespmem:s17+$0xA4B0];
	v1 =	vmul.f32 $8.000000000e+00, v1  }
0x12f: {  	v6 =	vmul.f32 $8.000000000e+00, v7;
	[tilespmem:s17+$0x12450] =	vst v5;
	v5 =	vld [tilespmem:s17+$0xA4C0]  }
0x130: {  	v0 =	vmul.f32 $8.000000000e+00, v0;
	[tilespmem:s17+$0x12470] =	vst v1;
	v1 =	vld [tilespmem:s17+$0xA4E0]  }
0x131: {  	[tilespmem:s17+$0x12460] =	vst v6;
	v6 =	vld [tilespmem:s17+$0xA4D0];
	v2 =	vmul.f32 $8.000000000e+00, v2  }
0x132: {  	v3 =	vmul.f32 $8.000000000e+00, v3;
	[tilespmem:s17+$0x12480] =	vst v0;
	v0 =	vld [tilespmem:s17+$0xA4F0]  }
0x133: {  	v4 =	vmul.f32 $8.000000000e+00, v4;
	[tilespmem:s17+$0x12490] =	vst v2;
	v2 =	vld [tilespmem:s17+$0xA500]  }
0x134: {  	v5 =	vmul.f32 $8.000000000e+00, v5;
	[tilespmem:s17+$0x124A0] =	vst v3;
	v3 =	vld [tilespmem:s17+$0xA510]  }
0x135: {  	[tilespmem:s17+$0x124B0] =	vst v4;
	v4 =	vld [tilespmem:s17+$0xA520];
	v1 =	vmul.f32 $8.000000000e+00, v1  }
0x136: {  	v6 =	vmul.f32 $8.000000000e+00, v6;
	[tilespmem:s17+$0x124C0] =	vst v5;
	v5 =	vld [tilespmem:s17+$0xA530]  }
0x137: {  	v0 =	vmul.f32 $8.000000000e+00, v0;
	[tilespmem:s17+$0x124E0] =	vst v1;
	v1 =	vld [tilespmem:s17+$0xA550]  }
0x138: {  	[tilespmem:s17+$0x124D0] =	vst v6;
	v6 =	vld [tilespmem:s17+$0xA540];
	v2 =	vmul.f32 $8.000000000e+00, v2  }
0x139: {  	[tilespmem:s17+$0x124F0] =	vst v0;
	v0 =	vmul.f32 $8.000000000e+00, v3;
	v3 =	vld [tilespmem:s17+$0xA570]  }
0x13a: {  	v7 =	vld [tilespmem:s17+$0xA560];
	[tilespmem:s17+$0x12500] =	vst v2;
	v2 =	vmul.f32 $8.000000000e+00, v4  }
0x13b: {  	v4 =	vld [tilespmem:s17+$0xA580];
	[tilespmem:s17+$0x12510] =	vst v0;
	v0 =	vmul.f32 $8.000000000e+00, v5  }
0x13c: {  	v8 =	vld [tilespmem:s17+$0xA590];
	[tilespmem:s17+$0x12520] =	vst v2;
	v5 =	vmul.f32 $8.000000000e+00, v1  }
0x13d: {  	v2 =	vmul.f32 $8.000000000e+00, v6;
	[tilespmem:s17+$0x12530] =	vst v0;
	v0 =	vld [tilespmem:s17+$0xA5A0]  }
0x13e: {  	v1 =	vld [tilespmem:s17+$0xA5B0];
	[tilespmem:s17+$0x12550] =	vst v5;
	v5 =	vmul.f32 $8.000000000e+00, v3  }
0x13f: {  	v6 =	vmul.f32 $8.000000000e+00, v7;
	[tilespmem:s17+$0x12540] =	vst v2;
	v2 =	vld [tilespmem:s17+$0xA5C0]  }
0x140: {  	v3 =	vld [tilespmem:s17+$0xA5D0];
	[tilespmem:s17+$0x12570] =	vst v5;
	v5 =	vmul.f32 $8.000000000e+00, v4  }
0x141: {  	s5 =	simm.s32 $0x200;
	s10 =	simm.s32 $0x1000;
	[tilespmem:s17+$0x12560] =	vst v6;
	v6 =	vmul.f32 $8.000000000e+00, v8;
	v4 =	vld [tilespmem:s17+$0xA5E0]  }
.LBB2_15:
0x142: {  	p2 =	sne.s32 s10, $0x7800;
	v7 =	vld [tilespmem:s5+$0xA5F0];
	[tilespmem:s17+$0x12580] =	vst v5;
	v0 =	vmul.f32 $8.000000000e+00, v0  }
0x143: {  	v5 =	vld [tilespmem:s5+$0xA400];
	[tilespmem:s17+$0x12590] =	vst v6;
	v1 =	vmul.f32 $8.000000000e+00, v1  }
0x144: {  	v6 =	vld [tilespmem:s5+$0xA410];
	[tilespmem:s17+$0x125A0] =	vst v0;
	v0 =	vmul.f32 $8.000000000e+00, v2  }
0x145: {  	v2 =	vld [tilespmem:s5+$0xA420];
	[tilespmem:s17+$0x125B0] =	vst v1;
	v1 =	vmul.f32 $8.000000000e+00, v3  }
0x146: {  	v3 =	vld [tilespmem:s5+$0xA430];
	[tilespmem:s17+$0x125C0] =	vst v0;
	v0 =	vmul.f32 $8.000000000e+00, v4  }
0x147: {  	v4 =	vld [tilespmem:s5+$0xA440];
	v7 =	vmul.f32 $8.000000000e+00, v7;
	[tilespmem:s17+$0x125D0] =	vst v1  }
0x148: {  	v1 =	vmul.f32 $8.000000000e+00, v5;
	v5 =	vld [tilespmem:s5+$0xA450];
	[tilespmem:s17+$0x125E0] =	vst v0;
	s17 =	smov.u32 s5  }
0x149: {  	v0 =	vmul.f32 $8.000000000e+00, v6;
	v6 =	vld [tilespmem:s17+$0xA460];
	[tilespmem:s17+$0x125F0] =	vst v7  }
0x14a: {  	[tilespmem:s17+$0x12400] =	vst v1;
	v1 =	vmul.f32 $8.000000000e+00, v2;
	v2 =	vld [tilespmem:s17+$0xA470]  }
0x14b: {  	[tilespmem:s17+$0x12410] =	vst v0;
	v0 =	vmul.f32 $8.000000000e+00, v3;
	v3 =	vld [tilespmem:s17+$0xA480]  }
0x14c: {  	[tilespmem:s17+$0x12420] =	vst v1;
	v1 =	vmul.f32 $8.000000000e+00, v4;
	v4 =	vld [tilespmem:s17+$0xA490]  }
0x14d: {  	[tilespmem:s17+$0x12430] =	vst v0;
	v0 =	vmul.f32 $8.000000000e+00, v5;
	v5 =	vld [tilespmem:s17+$0xA4A0]  }
0x14e: {  	[tilespmem:s17+$0x12440] =	vst v1;
	v1 =	vmul.f32 $8.000000000e+00, v6;
	v6 =	vld [tilespmem:s17+$0xA4B0]  }
0x14f: {  	[tilespmem:s17+$0x12450] =	vst v0;
	v0 =	vmul.f32 $8.000000000e+00, v2;
	v2 =	vld [tilespmem:s17+$0xA4C0]  }
0x150: {  	[tilespmem:s17+$0x12460] =	vst v1;
	v1 =	vmul.f32 $8.000000000e+00, v3;
	v3 =	vld [tilespmem:s17+$0xA4D0]  }
0x151: {  	[tilespmem:s17+$0x12470] =	vst v0;
	v0 =	vmul.f32 $8.000000000e+00, v4;
	v4 =	vld [tilespmem:s17+$0xA4E0]  }
0x152: {  	[tilespmem:s17+$0x12480] =	vst v1;
	v1 =	vmul.f32 $8.000000000e+00, v5;
	v5 =	vld [tilespmem:s17+$0xA4F0]  }
0x153: {  	[tilespmem:s17+$0x12490] =	vst v0;
	v0 =	vmul.f32 $8.000000000e+00, v6;
	v6 =	vld [tilespmem:s17+$0xA500]  }
0x154: {  	[tilespmem:s17+$0x124A0] =	vst v1;
	v1 =	vmul.f32 $8.000000000e+00, v2;
	v2 =	vld [tilespmem:s17+$0xA510]  }
0x155: {  	[tilespmem:s17+$0x124B0] =	vst v0;
	v0 =	vmul.f32 $8.000000000e+00, v3;
	v3 =	vld [tilespmem:s17+$0xA520]  }
0x156: {  	[tilespmem:s17+$0x124C0] =	vst v1;
	v1 =	vmul.f32 $8.000000000e+00, v4;
	v4 =	vld [tilespmem:s17+$0xA530]  }
0x157: {  	[tilespmem:s17+$0x124D0] =	vst v0;
	v0 =	vmul.f32 $8.000000000e+00, v5;
	v5 =	vld [tilespmem:s17+$0xA540]  }
0x158: {  	[tilespmem:s17+$0x124E0] =	vst v1;
	v1 =	vmul.f32 $8.000000000e+00, v6;
	v6 =	vld [tilespmem:s17+$0xA550]  }
0x159: {  	[tilespmem:s17+$0x124F0] =	vst v0;
	v0 =	vmul.f32 $8.000000000e+00, v2;
	v2 =	vld [tilespmem:s17+$0xA560]  }
0x15a: {  	[tilespmem:s17+$0x12500] =	vst v1;
	v1 =	vmul.f32 $8.000000000e+00, v3;
	v3 =	vld [tilespmem:s17+$0xA570]  }
0x15b: {  	[tilespmem:s17+$0x12510] =	vst v0;
	v0 =	vmul.f32 $8.000000000e+00, v4;
	v4 =	vld [tilespmem:s17+$0xA580]  }
0x15c: {  	[tilespmem:s17+$0x12520] =	vst v1;
	v1 =	vmul.f32 $8.000000000e+00, v5;
	v7 =	vld [tilespmem:s17+$0xA590]  }
.Ltmp10:
0x15d: {  	[tilespmem:s17+$0x12530] =	vst v0;
	v5 =	vmul.f32 $8.000000000e+00, v6;
	v0 =	vld [tilespmem:s17+$0xA5A0];
	(pc) =	sbr.rel @p2 .LBB2_15-.Ltmp10, $4  }
0x15e: {  	[tilespmem:s17+$0x12540] =	vst v1;
	v6 =	vmul.f32 $8.000000000e+00, v2;
	v1 =	vld [tilespmem:s17+$0xA5B0]  }
0x15f: {  	[tilespmem:s17+$0x12550] =	vst v5;
	v8 =	vmul.f32 $8.000000000e+00, v3;
	v2 =	vld [tilespmem:s17+$0xA5C0]  }
0x160: {  	[tilespmem:s17+$0x12560] =	vst v6;
	v5 =	vmul.f32 $8.000000000e+00, v4;
	v3 =	vld [tilespmem:s17+$0xA5D0]  }
0x161: {  	s5 =	sshra.s32 s10, $0x2;
	s10 =	sadd.s32 $0x800, s10;
	[tilespmem:s17+$0x12570] =	vst v8;
	v6 =	vmul.f32 $8.000000000e+00, v7;
	v4 =	vld [tilespmem:s17+$0xA5E0]  }
0x162: {  	v7 =	vld [tilespmem:s5+$0xA5F0];
	[tilespmem:s17+$0x12580] =	vst v5;
	v0 =	vmul.f32 $8.000000000e+00, v0  }
0x163: {  	v5 =	vld [tilespmem:s5+$0xA400];
	[tilespmem:s17+$0x12590] =	vst v6;
	v1 =	vmul.f32 $8.000000000e+00, v1  }
0x164: {  	v6 =	vld [tilespmem:s5+$0xA410];
	[tilespmem:s17+$0x125A0] =	vst v0;
	v2 =	vmul.f32 $8.000000000e+00, v2  }
0x165: {  	v0 =	vld [tilespmem:s5+$0xA420];
	[tilespmem:s17+$0x125B0] =	vst v1;
	v3 =	vmul.f32 $8.000000000e+00, v3  }
0x166: {  	v1 =	vld [tilespmem:s5+$0xA430];
	[tilespmem:s17+$0x125C0] =	vst v2;
	v4 =	vmul.f32 $8.000000000e+00, v4  }
0x167: {  	v2 =	vld [tilespmem:s5+$0xA440];
	[tilespmem:s17+$0x125D0] =	vst v3;
	v7 =	vmul.f32 $8.000000000e+00, v7  }
0x168: {  	v3 =	vld [tilespmem:s5+$0xA450];
	[tilespmem:s17+$0x125E0] =	vst v4;
	v32 =	vmul.f32 $8.000000000e+00, v5  }
0x169: {  	v33 =	vld [tilespmem:s5+$0xA460];
	[tilespmem:s5+$0x125F0] =	vst v7;
	v6 =	vmul.f32 $8.000000000e+00, v6  }
0x16a: {  	v34 =	vld [tilespmem:s5+$0xA470];
	[tilespmem:s5+$0x12400] =	vst v32;
	v0 =	vmul.f32 $8.000000000e+00, v0  }
0x16b: {  	v35 =	vld [tilespmem:s5+$0xA480];
	[tilespmem:s5+$0x12410] =	vst v6;
	v1 =	vmul.f32 $8.000000000e+00, v1  }
0x16c: {  	v36 =	vld [tilespmem:s5+$0xA490];
	[tilespmem:s5+$0x12420] =	vst v0;
	v2 =	vmul.f32 $8.000000000e+00, v2  }
0x16d: {  	v37 =	vld [tilespmem:s5+$0xA4A0];
	[tilespmem:s5+$0x12430] =	vst v1;
	v3 =	vmul.f32 $8.000000000e+00, v3  }
0x16e: {  	v38 =	vld [tilespmem:s5+$0xA4B0];
	[tilespmem:s5+$0x12440] =	vst v2;
	v5 =	vmul.f32 $8.000000000e+00, v33  }
0x16f: {  	v52 =	vld [tilespmem:s5+$0xA590];
	v4 =	vmul.f32 $8.000000000e+00, v34;
	[tilespmem:s5+$0x12450] =	vst v3  }
0x170: {  	v53 =	vld [tilespmem:s5+$0xA5A0];
	v6 =	vmul.f32 $8.000000000e+00, v35;
	[tilespmem:s5+$0x12460] =	vst v5  }
0x171: {  	v54 =	vld [tilespmem:s5+$0xA5B0];
	v0 =	vmul.f32 $8.000000000e+00, v36;
	[tilespmem:s5+$0x12470] =	vst v4  }
0x172: {  	v55 =	vld [tilespmem:s5+$0xA5C0];
	v1 =	vmul.f32 $8.000000000e+00, v37;
	[tilespmem:s5+$0x12480] =	vst v6  }
0x173: {  	v56 =	vld [tilespmem:s5+$0xA5D0];
	v2 =	vmul.f32 $8.000000000e+00, v38;
	[tilespmem:s5+$0x12490] =	vst v0  }
0x174: {  	v58 =	vld [tilespmem:s5+$0xA5E0];
	v57 =	vmul.f32 $8.000000000e+00, v52;
	[tilespmem:s5+$0x124A0] =	vst v1  }
0x175: {  	v39 =	vld [tilespmem:s5+$0xA4C0];
	v59 =	vmul.f32 $8.000000000e+00, v53;
	[tilespmem:s5+$0x124B0] =	vst v2  }
0x176: {  	v40 =	vld [tilespmem:s5+$0xA4D0];
	v60 =	vmul.f32 $8.000000000e+00, v54;
	[tilespmem:s5+$0x12590] =	vst v57  }
0x177: {  	v41 =	vld [tilespmem:s5+$0xA4E0];
	v61 =	vmul.f32 $8.000000000e+00, v55;
	[tilespmem:s5+$0x125A0] =	vst v59  }
0x178: {  	v42 =	vld [tilespmem:s5+$0xA4F0];
	v62 =	vmul.f32 $8.000000000e+00, v56;
	[tilespmem:s5+$0x125B0] =	vst v60  }
0x179: {  	v43 =	vld [tilespmem:s5+$0xA500];
	v63 =	vmul.f32 $8.000000000e+00, v58;
	[tilespmem:s5+$0x125C0] =	vst v61  }
0x17a: {  	v44 =	vld [tilespmem:s5+$0xA510];
	v3 =	vmul.f32 $8.000000000e+00, v39;
	[tilespmem:s5+$0x125D0] =	vst v62  }
0x17b: {  	v45 =	vld [tilespmem:s5+$0xA520];
	v5 =	vmul.f32 $8.000000000e+00, v40;
	[tilespmem:s5+$0x125E0] =	vst v63  }
0x17c: {  	v46 =	vld [tilespmem:s5+$0xA530];
	v4 =	vmul.f32 $8.000000000e+00, v41;
	[tilespmem:s5+$0x124C0] =	vst v3  }
0x17d: {  	v47 =	vld [tilespmem:s5+$0xA540];
	v6 =	vmul.f32 $8.000000000e+00, v42;
	[tilespmem:s5+$0x124D0] =	vst v5  }
0x17e: {  	v48 =	vld [tilespmem:s5+$0xA550];
	v0 =	vmul.f32 $8.000000000e+00, v43;
	[tilespmem:s5+$0x124E0] =	vst v4  }
0x17f: {  	v49 =	vld [tilespmem:s5+$0xA560];
	v1 =	vmul.f32 $8.000000000e+00, v44;
	[tilespmem:s5+$0x124F0] =	vst v6  }
0x180: {  	v50 =	vld [tilespmem:s5+$0xA570];
	v2 =	vmul.f32 $8.000000000e+00, v45;
	[tilespmem:s5+$0x12500] =	vst v0  }
0x181: {  	v51 =	vld [tilespmem:s5+$0xA580];
	v3 =	vmul.f32 $8.000000000e+00, v46;
	[tilespmem:s5+$0x12510] =	vst v1  }
0x182: {  	[tilespmem:s5+$0x12520] =	vst v2;
	v5 =	vmul.f32 $8.000000000e+00, v47  }
0x183: {  	v4 =	vmul.f32 $8.000000000e+00, v48;
	[tilespmem:s5+$0x12530] =	vst v3  }
0x184: {  	v6 =	vmul.f32 $8.000000000e+00, v49;
	[tilespmem:s5+$0x12540] =	vst v5  }
.Ltmp11:
0x185: {  	s10 =	sadd.s32 s15, s8;
	v0 =	vmul.f32 $8.000000000e+00, v50;
	[tilespmem:s5+$0x12550] =	vst v4;
	(pc) =	sbr.rel @p1 .LBB2_18-.Ltmp11, $4  }
0x186: {  	s10 =	sshll.u32 s10, $0x3;
	v1 =	vmul.f32 $8.000000000e+00, v51;
	[tilespmem:s5+$0x12560] =	vst v6  }
0x187: {  	s10 =	sand.u32 $0x1FFFF800, s10;
	[tilespmem:s5+$0x12570] =	vst v0  }
0x188: {  	s17 =	sadd.s32 s2, s10;
	[tilespmem:s5+$0x12580] =	vst v1  }
0x189: {  	[hbm4b:s17+s3] =	stream.linear.scatter [tilespmem:s26], [sflag:$0x7], $0x2000, $0x38;
	[tilespmem:$0x16400] =	vst v63  }
.Ltmp12:
0x18a: {  	(pc) =	sbr.rel .LBB2_19-.Ltmp12, $4  }
0x18b: {  	_ = 	snop  }
0x18c: {  	_ =	swait.ge [sflag:s28], $0x2000  }
0x18d: {  	[sflag:s28] =	ssyncset.done $0x0  }
0x18e: {  	[sflag:s28] =	ssyncadd.s32 $0xFFFFE000  }
.LBB2_18:
0x18f: {  	s5 =	sand.u32 $0x3FFFFE00, s15  }
.Ltmp13:
0x190: {  	s5 =	sadd.s32 $0x300, s5;
	(pc) =	sbr.rel @p0 .LBB2_20-.Ltmp13, $4  }
0x191: {  	[tilespmem:s16], [sflag:$0x3] =	stream.indirect.gather [hbm4b:s4+s12], $0x40, s5, s12, $0xb8;
	[tilespmem:$0x16400] =	vst v63  }
0x192: {  	_ =	swait.ge [sflag:s28], $0x2000  }
0x193: {  	[sflag:s28] =	ssyncset.done $0x0  }
0x194: {  	[sflag:s28] =	ssyncadd.s32 $0xFFFFE000  }
.LBB2_19:
0x195: {  	_ =	swait.ge [sflag:s29], $0x2000  }
0x196: {  	[sflag:s29] =	ssyncset.done $0x0  }
0x197: {  	[sflag:s29] =	ssyncadd.s32 $0xFFFFE000  }
.LBB2_20:
0x198: {  	s17 =	simm.s32 $0x0  }
0x199: {  	v0 =	vld [tilespmem:s17+$0xC5F0]  }
0x19a: {  	v1 =	vld [tilespmem:s17+$0xC400];
	_ =	sdelay $0x1  }
0x19b: {  	v2 =	vld [tilespmem:s17+$0xC410]  }
0x19c: {  	v3 =	vld [tilespmem:s17+$0xC420]  }
0x19d: {  	v4 =	vld [tilespmem:s17+$0xC430];
	v0 =	vmul.f32 $8.000000000e+00, v0  }
0x19e: {  	v5 =	vld [tilespmem:s17+$0xC440];
	v1 =	vmul.f32 $8.000000000e+00, v1  }
0x19f: {  	v6 =	vld [tilespmem:s17+$0xC450];
	[tilespmem:s17+$0x145F0] =	vst v0  }
0x1a0: {  	v0 =	vmul.f32 $8.000000000e+00, v2;
	[tilespmem:s17+$0x14400] =	vst v1;
	v1 =	vld [tilespmem:s17+$0xC470]  }
0x1a1: {  	v7 =	vld [tilespmem:s17+$0xC460];
	v2 =	vmul.f32 $8.000000000e+00, v3  }
0x1a2: {  	v3 =	vmul.f32 $8.000000000e+00, v4;
	[tilespmem:s17+$0x14410] =	vst v0;
	v0 =	vld [tilespmem:s17+$0xC480]  }
0x1a3: {  	v4 =	vmul.f32 $8.000000000e+00, v5;
	[tilespmem:s17+$0x14420] =	vst v2;
	v2 =	vld [tilespmem:s17+$0xC490]  }
0x1a4: {  	v5 =	vmul.f32 $8.000000000e+00, v6;
	[tilespmem:s17+$0x14430] =	vst v3;
	v3 =	vld [tilespmem:s17+$0xC4A0]  }
0x1a5: {  	[tilespmem:s17+$0x14440] =	vst v4;
	v4 =	vld [tilespmem:s17+$0xC4B0];
	v1 =	vmul.f32 $8.000000000e+00, v1  }
0x1a6: {  	v6 =	vmul.f32 $8.000000000e+00, v7;
	[tilespmem:s17+$0x14450] =	vst v5;
	v5 =	vld [tilespmem:s17+$0xC4C0]  }
0x1a7: {  	v0 =	vmul.f32 $8.000000000e+00, v0;
	[tilespmem:s17+$0x14470] =	vst v1;
	v1 =	vld [tilespmem:s17+$0xC4E0]  }
0x1a8: {  	[tilespmem:s17+$0x14460] =	vst v6;
	v6 =	vld [tilespmem:s17+$0xC4D0];
	v2 =	vmul.f32 $8.000000000e+00, v2  }
0x1a9: {  	v3 =	vmul.f32 $8.000000000e+00, v3;
	[tilespmem:s17+$0x14480] =	vst v0;
	v0 =	vld [tilespmem:s17+$0xC4F0]  }
0x1aa: {  	v4 =	vmul.f32 $8.000000000e+00, v4;
	[tilespmem:s17+$0x14490] =	vst v2;
	v2 =	vld [tilespmem:s17+$0xC500]  }
0x1ab: {  	v5 =	vmul.f32 $8.000000000e+00, v5;
	[tilespmem:s17+$0x144A0] =	vst v3;
	v3 =	vld [tilespmem:s17+$0xC510]  }
0x1ac: {  	[tilespmem:s17+$0x144B0] =	vst v4;
	v4 =	vld [tilespmem:s17+$0xC520];
	v1 =	vmul.f32 $8.000000000e+00, v1  }
0x1ad: {  	v6 =	vmul.f32 $8.000000000e+00, v6;
	[tilespmem:s17+$0x144C0] =	vst v5;
	v5 =	vld [tilespmem:s17+$0xC530]  }
0x1ae: {  	v0 =	vmul.f32 $8.000000000e+00, v0;
	[tilespmem:s17+$0x144E0] =	vst v1;
	v1 =	vld [tilespmem:s17+$0xC550]  }
0x1af: {  	[tilespmem:s17+$0x144D0] =	vst v6;
	v6 =	vld [tilespmem:s17+$0xC540];
	v2 =	vmul.f32 $8.000000000e+00, v2  }
0x1b0: {  	[tilespmem:s17+$0x144F0] =	vst v0;
	v0 =	vmul.f32 $8.000000000e+00, v3;
	v3 =	vld [tilespmem:s17+$0xC570]  }
0x1b1: {  	v7 =	vld [tilespmem:s17+$0xC560];
	[tilespmem:s17+$0x14500] =	vst v2;
	v2 =	vmul.f32 $8.000000000e+00, v4  }
0x1b2: {  	v4 =	vld [tilespmem:s17+$0xC580];
	[tilespmem:s17+$0x14510] =	vst v0;
	v0 =	vmul.f32 $8.000000000e+00, v5  }
0x1b3: {  	v8 =	vld [tilespmem:s17+$0xC590];
	[tilespmem:s17+$0x14520] =	vst v2;
	v5 =	vmul.f32 $8.000000000e+00, v1  }
0x1b4: {  	v2 =	vmul.f32 $8.000000000e+00, v6;
	[tilespmem:s17+$0x14530] =	vst v0;
	v0 =	vld [tilespmem:s17+$0xC5A0]  }
0x1b5: {  	v1 =	vld [tilespmem:s17+$0xC5B0];
	[tilespmem:s17+$0x14550] =	vst v5;
	v5 =	vmul.f32 $8.000000000e+00, v3  }
0x1b6: {  	v6 =	vmul.f32 $8.000000000e+00, v7;
	[tilespmem:s17+$0x14540] =	vst v2;
	v2 =	vld [tilespmem:s17+$0xC5C0]  }
0x1b7: {  	v3 =	vld [tilespmem:s17+$0xC5D0];
	[tilespmem:s17+$0x14570] =	vst v5;
	v5 =	vmul.f32 $8.000000000e+00, v4  }
0x1b8: {  	s5 =	simm.s32 $0x200;
	s10 =	simm.s32 $0x1000;
	[tilespmem:s17+$0x14560] =	vst v6;
	v6 =	vmul.f32 $8.000000000e+00, v8;
	v4 =	vld [tilespmem:s17+$0xC5E0]  }
.LBB2_21:
0x1b9: {  	p0 =	sne.s32 s10, $0x7800;
	v7 =	vld [tilespmem:s5+$0xC5F0];
	[tilespmem:s17+$0x14580] =	vst v5;
	v0 =	vmul.f32 $8.000000000e+00, v0  }
0x1ba: {  	v5 =	vld [tilespmem:s5+$0xC400];
	[tilespmem:s17+$0x14590] =	vst v6;
	v1 =	vmul.f32 $8.000000000e+00, v1  }
0x1bb: {  	v6 =	vld [tilespmem:s5+$0xC410];
	[tilespmem:s17+$0x145A0] =	vst v0;
	v0 =	vmul.f32 $8.000000000e+00, v2  }
0x1bc: {  	v2 =	vld [tilespmem:s5+$0xC420];
	[tilespmem:s17+$0x145B0] =	vst v1;
	v1 =	vmul.f32 $8.000000000e+00, v3  }
0x1bd: {  	v3 =	vld [tilespmem:s5+$0xC430];
	[tilespmem:s17+$0x145C0] =	vst v0;
	v0 =	vmul.f32 $8.000000000e+00, v4  }
0x1be: {  	v4 =	vld [tilespmem:s5+$0xC440];
	v7 =	vmul.f32 $8.000000000e+00, v7;
	[tilespmem:s17+$0x145D0] =	vst v1  }
0x1bf: {  	v1 =	vmul.f32 $8.000000000e+00, v5;
	v5 =	vld [tilespmem:s5+$0xC450];
	[tilespmem:s17+$0x145E0] =	vst v0;
	s17 =	smov.u32 s5  }
0x1c0: {  	v0 =	vmul.f32 $8.000000000e+00, v6;
	v6 =	vld [tilespmem:s17+$0xC460];
	[tilespmem:s17+$0x145F0] =	vst v7  }
0x1c1: {  	[tilespmem:s17+$0x14400] =	vst v1;
	v1 =	vmul.f32 $8.000000000e+00, v2;
	v2 =	vld [tilespmem:s17+$0xC470]  }
0x1c2: {  	[tilespmem:s17+$0x14410] =	vst v0;
	v0 =	vmul.f32 $8.000000000e+00, v3;
	v3 =	vld [tilespmem:s17+$0xC480]  }
0x1c3: {  	[tilespmem:s17+$0x14420] =	vst v1;
	v1 =	vmul.f32 $8.000000000e+00, v4;
	v4 =	vld [tilespmem:s17+$0xC490]  }
0x1c4: {  	[tilespmem:s17+$0x14430] =	vst v0;
	v0 =	vmul.f32 $8.000000000e+00, v5;
	v5 =	vld [tilespmem:s17+$0xC4A0]  }
0x1c5: {  	[tilespmem:s17+$0x14440] =	vst v1;
	v1 =	vmul.f32 $8.000000000e+00, v6;
	v6 =	vld [tilespmem:s17+$0xC4B0]  }
0x1c6: {  	[tilespmem:s17+$0x14450] =	vst v0;
	v0 =	vmul.f32 $8.000000000e+00, v2;
	v2 =	vld [tilespmem:s17+$0xC4C0]  }
0x1c7: {  	[tilespmem:s17+$0x14460] =	vst v1;
	v1 =	vmul.f32 $8.000000000e+00, v3;
	v3 =	vld [tilespmem:s17+$0xC4D0]  }
0x1c8: {  	[tilespmem:s17+$0x14470] =	vst v0;
	v0 =	vmul.f32 $8.000000000e+00, v4;
	v4 =	vld [tilespmem:s17+$0xC4E0]  }
0x1c9: {  	[tilespmem:s17+$0x14480] =	vst v1;
	v1 =	vmul.f32 $8.000000000e+00, v5;
	v5 =	vld [tilespmem:s17+$0xC4F0]  }
0x1ca: {  	[tilespmem:s17+$0x14490] =	vst v0;
	v0 =	vmul.f32 $8.000000000e+00, v6;
	v6 =	vld [tilespmem:s17+$0xC500]  }
0x1cb: {  	[tilespmem:s17+$0x144A0] =	vst v1;
	v1 =	vmul.f32 $8.000000000e+00, v2;
	v2 =	vld [tilespmem:s17+$0xC510]  }
0x1cc: {  	[tilespmem:s17+$0x144B0] =	vst v0;
	v0 =	vmul.f32 $8.000000000e+00, v3;
	v3 =	vld [tilespmem:s17+$0xC520]  }
0x1cd: {  	[tilespmem:s17+$0x144C0] =	vst v1;
	v1 =	vmul.f32 $8.000000000e+00, v4;
	v4 =	vld [tilespmem:s17+$0xC530]  }
0x1ce: {  	[tilespmem:s17+$0x144D0] =	vst v0;
	v0 =	vmul.f32 $8.000000000e+00, v5;
	v5 =	vld [tilespmem:s17+$0xC540]  }
0x1cf: {  	[tilespmem:s17+$0x144E0] =	vst v1;
	v1 =	vmul.f32 $8.000000000e+00, v6;
	v6 =	vld [tilespmem:s17+$0xC550]  }
0x1d0: {  	[tilespmem:s17+$0x144F0] =	vst v0;
	v0 =	vmul.f32 $8.000000000e+00, v2;
	v2 =	vld [tilespmem:s17+$0xC560]  }
0x1d1: {  	[tilespmem:s17+$0x14500] =	vst v1;
	v1 =	vmul.f32 $8.000000000e+00, v3;
	v3 =	vld [tilespmem:s17+$0xC570]  }
0x1d2: {  	[tilespmem:s17+$0x14510] =	vst v0;
	v0 =	vmul.f32 $8.000000000e+00, v4;
	v4 =	vld [tilespmem:s17+$0xC580]  }
0x1d3: {  	[tilespmem:s17+$0x14520] =	vst v1;
	v1 =	vmul.f32 $8.000000000e+00, v5;
	v7 =	vld [tilespmem:s17+$0xC590]  }
.Ltmp14:
0x1d4: {  	[tilespmem:s17+$0x14530] =	vst v0;
	v5 =	vmul.f32 $8.000000000e+00, v6;
	v0 =	vld [tilespmem:s17+$0xC5A0];
	(pc) =	sbr.rel @p0 .LBB2_21-.Ltmp14, $4  }
0x1d5: {  	[tilespmem:s17+$0x14540] =	vst v1;
	v6 =	vmul.f32 $8.000000000e+00, v2;
	v1 =	vld [tilespmem:s17+$0xC5B0]  }
0x1d6: {  	[tilespmem:s17+$0x14550] =	vst v5;
	v8 =	vmul.f32 $8.000000000e+00, v3;
	v2 =	vld [tilespmem:s17+$0xC5C0]  }
0x1d7: {  	[tilespmem:s17+$0x14560] =	vst v6;
	v5 =	vmul.f32 $8.000000000e+00, v4;
	v3 =	vld [tilespmem:s17+$0xC5D0]  }
0x1d8: {  	s5 =	sshra.s32 s10, $0x2;
	s10 =	sadd.s32 $0x800, s10;
	[tilespmem:s17+$0x14570] =	vst v8;
	v6 =	vmul.f32 $8.000000000e+00, v7;
	v4 =	vld [tilespmem:s17+$0xC5E0]  }
0x1d9: {  	v7 =	vld [tilespmem:s5+$0xC5F0];
	[tilespmem:s17+$0x14580] =	vst v5;
	v0 =	vmul.f32 $8.000000000e+00, v0  }
0x1da: {  	v5 =	vld [tilespmem:s5+$0xC400];
	[tilespmem:s17+$0x14590] =	vst v6;
	v1 =	vmul.f32 $8.000000000e+00, v1  }
0x1db: {  	v6 =	vld [tilespmem:s5+$0xC410];
	[tilespmem:s17+$0x145A0] =	vst v0;
	v2 =	vmul.f32 $8.000000000e+00, v2  }
0x1dc: {  	v0 =	vld [tilespmem:s5+$0xC420];
	[tilespmem:s17+$0x145B0] =	vst v1;
	v3 =	vmul.f32 $8.000000000e+00, v3  }
0x1dd: {  	v1 =	vld [tilespmem:s5+$0xC430];
	[tilespmem:s17+$0x145C0] =	vst v2;
	v4 =	vmul.f32 $8.000000000e+00, v4  }
0x1de: {  	v2 =	vld [tilespmem:s5+$0xC440];
	[tilespmem:s17+$0x145D0] =	vst v3;
	v7 =	vmul.f32 $8.000000000e+00, v7  }
0x1df: {  	v3 =	vld [tilespmem:s5+$0xC450];
	[tilespmem:s17+$0x145E0] =	vst v4;
	v32 =	vmul.f32 $8.000000000e+00, v5  }
0x1e0: {  	v33 =	vld [tilespmem:s5+$0xC460];
	[tilespmem:s5+$0x145F0] =	vst v7;
	v6 =	vmul.f32 $8.000000000e+00, v6  }
0x1e1: {  	v34 =	vld [tilespmem:s5+$0xC470];
	[tilespmem:s5+$0x14400] =	vst v32;
	v0 =	vmul.f32 $8.000000000e+00, v0  }
0x1e2: {  	v35 =	vld [tilespmem:s5+$0xC480];
	[tilespmem:s5+$0x14410] =	vst v6;
	v1 =	vmul.f32 $8.000000000e+00, v1  }
0x1e3: {  	v36 =	vld [tilespmem:s5+$0xC490];
	[tilespmem:s5+$0x14420] =	vst v0;
	v2 =	vmul.f32 $8.000000000e+00, v2  }
0x1e4: {  	v37 =	vld [tilespmem:s5+$0xC4A0];
	[tilespmem:s5+$0x14430] =	vst v1;
	v3 =	vmul.f32 $8.000000000e+00, v3  }
0x1e5: {  	v38 =	vld [tilespmem:s5+$0xC4B0];
	[tilespmem:s5+$0x14440] =	vst v2;
	v5 =	vmul.f32 $8.000000000e+00, v33  }
0x1e6: {  	v52 =	vld [tilespmem:s5+$0xC590];
	v4 =	vmul.f32 $8.000000000e+00, v34;
	[tilespmem:s5+$0x14450] =	vst v3  }
0x1e7: {  	v53 =	vld [tilespmem:s5+$0xC5A0];
	v6 =	vmul.f32 $8.000000000e+00, v35;
	[tilespmem:s5+$0x14460] =	vst v5  }
0x1e8: {  	v54 =	vld [tilespmem:s5+$0xC5B0];
	v0 =	vmul.f32 $8.000000000e+00, v36;
	[tilespmem:s5+$0x14470] =	vst v4  }
0x1e9: {  	v55 =	vld [tilespmem:s5+$0xC5C0];
	v1 =	vmul.f32 $8.000000000e+00, v37;
	[tilespmem:s5+$0x14480] =	vst v6  }
0x1ea: {  	v56 =	vld [tilespmem:s5+$0xC5D0];
	v2 =	vmul.f32 $8.000000000e+00, v38;
	[tilespmem:s5+$0x14490] =	vst v0  }
0x1eb: {  	v58 =	vld [tilespmem:s5+$0xC5E0];
	v57 =	vmul.f32 $8.000000000e+00, v52;
	[tilespmem:s5+$0x144A0] =	vst v1  }
0x1ec: {  	v39 =	vld [tilespmem:s5+$0xC4C0];
	v59 =	vmul.f32 $8.000000000e+00, v53;
	[tilespmem:s5+$0x144B0] =	vst v2  }
0x1ed: {  	v40 =	vld [tilespmem:s5+$0xC4D0];
	v60 =	vmul.f32 $8.000000000e+00, v54;
	[tilespmem:s5+$0x14590] =	vst v57  }
0x1ee: {  	v41 =	vld [tilespmem:s5+$0xC4E0];
	v61 =	vmul.f32 $8.000000000e+00, v55;
	[tilespmem:s5+$0x145A0] =	vst v59  }
0x1ef: {  	v42 =	vld [tilespmem:s5+$0xC4F0];
	v62 =	vmul.f32 $8.000000000e+00, v56;
	[tilespmem:s5+$0x145B0] =	vst v60  }
0x1f0: {  	v43 =	vld [tilespmem:s5+$0xC500];
	v63 =	vmul.f32 $8.000000000e+00, v58;
	[tilespmem:s5+$0x145C0] =	vst v61  }
0x1f1: {  	v44 =	vld [tilespmem:s5+$0xC510];
	v3 =	vmul.f32 $8.000000000e+00, v39;
	[tilespmem:s5+$0x145D0] =	vst v62  }
0x1f2: {  	v45 =	vld [tilespmem:s5+$0xC520];
	v5 =	vmul.f32 $8.000000000e+00, v40;
	[tilespmem:s5+$0x145E0] =	vst v63  }
0x1f3: {  	v46 =	vld [tilespmem:s5+$0xC530];
	v4 =	vmul.f32 $8.000000000e+00, v41;
	[tilespmem:s5+$0x144C0] =	vst v3  }
0x1f4: {  	v47 =	vld [tilespmem:s5+$0xC540];
	v6 =	vmul.f32 $8.000000000e+00, v42;
	[tilespmem:s5+$0x144D0] =	vst v5  }
0x1f5: {  	v48 =	vld [tilespmem:s5+$0xC550];
	v0 =	vmul.f32 $8.000000000e+00, v43;
	[tilespmem:s5+$0x144E0] =	vst v4  }
0x1f6: {  	v49 =	vld [tilespmem:s5+$0xC560];
	v1 =	vmul.f32 $8.000000000e+00, v44;
	[tilespmem:s5+$0x144F0] =	vst v6  }
0x1f7: {  	v50 =	vld [tilespmem:s5+$0xC570];
	v2 =	vmul.f32 $8.000000000e+00, v45;
	[tilespmem:s5+$0x14500] =	vst v0  }
0x1f8: {  	v51 =	vld [tilespmem:s5+$0xC580];
	v3 =	vmul.f32 $8.000000000e+00, v46;
	[tilespmem:s5+$0x14510] =	vst v1  }
0x1f9: {  	[tilespmem:s5+$0x14520] =	vst v2;
	v5 =	vmul.f32 $8.000000000e+00, v47  }
0x1fa: {  	v4 =	vmul.f32 $8.000000000e+00, v48;
	[tilespmem:s5+$0x14530] =	vst v3  }
0x1fb: {  	p0 =	seq.s32 s0, $0x31;
	v6 =	vmul.f32 $8.000000000e+00, v49;
	[tilespmem:s5+$0x14540] =	vst v5  }
.Ltmp15:
0x1fc: {  	s10 =	sadd.s32 s15, s9;
	v0 =	vmul.f32 $8.000000000e+00, v50;
	[tilespmem:s5+$0x14550] =	vst v4;
	(pc) =	sbr.rel @p0 .LBB2_24-.Ltmp15, $4  }
0x1fd: {  	s10 =	sshll.u32 s10, $0x3;
	v1 =	vmul.f32 $8.000000000e+00, v51;
	[tilespmem:s5+$0x14560] =	vst v6  }
0x1fe: {  	s10 =	sand.u32 $0x1FFFFC00, s10;
	[tilespmem:s5+$0x14570] =	vst v0  }
0x1ff: {  	s17 =	sadd.s32 s2, s10;
	[tilespmem:s5+$0x14580] =	vst v1  }
0x200: {  	[hbm4b:s17+s3] =	stream.linear.scatter [tilespmem:s30], [sflag:$0x8], $0x2000, $0x38;
	[tilespmem:$0x16400] =	vst v63  }
.Ltmp16:
0x201: {  	(pc) =	sbr.rel .LBB2_2-.Ltmp16, $4  }
0x202: {  	_ = 	snop  }
0x203: {  	s5 =	sand.u32 $0x3FFFFE00, s15  }
0x204: {  	s0 =	sadd.s32 $0x1, s0;
	s5 =	sadd.s32 $0x380, s5  }
0x205: {  	[tilespmem:s18], [sflag:$0x4] =	stream.indirect.gather [hbm4b:s4+s12], $0x40, s5, s12, $0xb8;
	[tilespmem:$0x16400] =	vst v63  }
.LBB2_25:
0x206: {  	_ =	sfence.sel $0x180000  }
0x207: {  	[bflag:$0x0] =	sbarrier.arrive $0xFFFF  }
0x208: {  	_ =	strace $0x90000047  }
0x209: {  	s0 =	stileid.u32;
	[bflag:$0x2] =	sbarrier.arrive $0xFFFF  }
0x20a: {  	p0 =	sne.s32 s0, $0x0;
	s0 =	rddreg [dreg:$0x2]  }
0x20b: {  	s0 =	sadd.s32 @!p0 $0x100000, s0  }
0x20c: {  	[sflag:s0] =	ssyncadd.tile.s32 @!p0 $0x1;
	_ =	shalt  }
.Lfunc_end2:
_tile_overlayer_lowered:
.L_overlay_start_2:
0x20d: {  	(tag) =	ssettag $0x2  }
0x20e: {  	s0 =	rddreg [dreg:$0x0];
	s2 =	stileid.u32  }
0x20f: {  	s1 =	rddreg [dreg:$0x1];
	p0 =	sne.s32 s2, $0x0  }
0x210: {  	s3 =	rddreg [dreg:$0x2];
	[bflag:$0x3] =	sbarrier.arrive $0xFFFF;
	s2 =	simm.s32 @!p0 $0x1C09  }
0x211: {  	[timem:s3], [sflag:s2] =	dma.local @!p0 [hbm:s0], s1  }
0x212: {  	s0 =	simm.s32 @!p0 $0x9  }
0x213: {  	_ =	swait.ge @!p0 [sflag:s0], s1  }
0x214: {  	s1 =	ssub.s32 @!p0 $0x0, s1;
	[sflag:s0] =	ssyncset.done @!p0 $0x0  }
0x215: {  	[sflag:s0] =	ssyncadd.s32 @!p0 s1  }
0x216: {  	[bflag:$0x3] =	sbarrier.arrive $0xFFFF  }
0x217: {  	_ =	shalt  }

// kernel: sparse-core-data-format-call.cloned.1.call-start
scs
called_computation_lowered:
.L_overlay_start_0:
0x0: {  	s2 =	sld [smem:$0x3FD9]  }
0x1: {  	s3 =	sld [smem:$0x3FFE];
	_ =	sdelay $0x1  }
0x2: {  	s1 =	srdreg.scid  }
0x3: {  	s0 =	sand.u32 $0x1, s1  }
0x4: {  	s18 =	sshll.u32 s0, $0xA;
	s2 =	sadd.s32 s3, s2  }
0x5: {  	s2 =	sadd.s32 s2, s18  }
0x6: {  	[smem:$0x3FC6] =	sst s2  }
0x7: {  	_ = 	snop  }
0x8: {  	s2 =	sld [smem:$0x3FD0];
	(tm) =	ssettm $0x1  }
0x9: {  	s19 =	sld [smem:$0x3FFB];
	_ =	sdelay $0x3  }
0xa: {  	_ =	strace s19  }
0xb: {  	s3 =	sld [smem:$0x3FFC];
	_ =	sdelay $0x3  }
0xc: {  	_ =	strace s3  }
0xd: {  	s3 =	sld [smem:$0x3FFD];
	_ =	sdelay $0x3  }
0xe: {  	_ =	strace s3  }
0xf: {  	_ =	strace $0x8FFFFFFF  }
0x10: {  	s20 =	sld [smem:$0x3FDB];
	_ =	sdelay $0x1  }
0x11: {  	s4 =	simm.s32 $_scs_section_size  }
0x12: {  	s5 =	simm.s32 $_size__tile_overlayer_lowered;
	s6 =	simm.s32 $_tile_overlayer_lowered  }
0x13: {  	s23 =	simm.s32 $0x1BFF;
	s22 =	sshll.u32 s6, $0x1;
	s3 =	sadd.s32 s4, s20  }
0x14: {  	s7 =	simm.s32 $0x0;
	s21 =	sshll.u32 s5, $0x1;
	s5 =	sadd.s32 s22, s3  }
0x15: {  	[timem:s7], [sflag:s23] =	dma.local [hbm:s5], s21  }
0x16: {  	_ =	swait.ge [sflag:s23], s21  }
0x17: {  	s4 =	ssub.s32 $0x0, s21;
	[sflag:s23] =	ssyncset.done $0x0  }
0x18: {  	[sflag:s23] =	ssyncadd.s32 s4;
	_ =	sdelay $0x1  }
0x19: {  	s24 =	simm.s32 $0x1B8B  }
0x1a: {  	_ =	swait.ge [sflag:s24], $0x1  }
0x1b: {  	[sflag:s24] =	ssyncset.done $0x0  }
0x1c: {  	s26 =	simm.s32 $0x1B8E;
	s25 =	sld [smem:$0x3FFE];
	[sflag:s24] =	ssyncadd.s32 $0xFFFFFFFF  }
0x1d: {  	s27 =	simm.s32 $execute0_lowered;
	[smem:$0x3FD2] =	sst s26  }
0x1e: {  	s5 =	sshll.u32 s27, $0x1;
	_ =	strace $0x80000049;
	[dreg:$0x1] =	wrdreg $0xFFFFFFFF  }
0x1f: {  	s28 =	simm.s32 $_size_execute0_lowered;
	s3 =	sadd.s32 s3, s5;
	[dreg:$0x0] =	wrdreg $0x0  }
0x20: {  	s5 =	sshll.u32 s28, $0x1;
	[dreg:$0x2] =	wrdreg s3  }
0x21: {  	[dreg:$0x3] =	wrdreg s5  }
0x22: {  	[dreg:$0x4] =	wrdreg $0xC0  }
0x23: {  	_ =	task [dreg:s7], $0x5FFFF  }
0x24: {  	[dreg:$0x1] =	wrdreg $0xFFFFFFFF  }
0x25: {  	[dreg:$0x0] =	wrdreg $0x60  }
0x26: {  	[dreg:$0x2] =	wrdreg s25  }
0x27: {  	[dreg:$0x3] =	wrdreg s2  }
0x28: {  	[dreg:$0x4] =	wrdreg $0x9  }
0x29: {  	_ =	task.clear_ibuf [dreg:s7], $0x5FFFF;
	_ =	strace $0x90000049  }
0x2a: {  	s29 =	simm.s32 $0x9;
	_ =	strace $0x8000004B  }
0x2b: {  	_ =	swait.ge [sflag:s29], $0x1  }
0x2c: {  	[sflag:s29] =	ssyncadd.s32 $0xFFFFFFFF  }
0x2d: {  	_ =	strace $0x9000004B  }
0x2e: {  	_ =	sfence  }
0x2f: {  	s30 =	sld [smem:$0x0];
	_ =	sdelay $0x2  }
0x30: {  	s31 =	sshll.u32 s1, $0xD;
	s1 =	sshrl.u32 s1, $0x2  }
0x31: {  	s3 =	sand.u32 $0x4000, s31;
	s1 =	sadd.s32 s1, s30  }
0x32: {  	s0 =	sor.u32 s3, s0;
	s1 =	sshll.u32 s1, $0x11  }
0x33: {  	s0 =	sor.u32 s1, s0  }
0x34: {  	s0 =	sadd.s32 $0x8F2B, s0  }
0x35: {  	[sflag:s0] =	ssyncadd.remote.s32 $0x1  }
0x36: {  	_ =	sfence.sel $0xFFFF  }
0x37: {  	[dreg:$0x0] =	wrdreg $0xFFFFFFFF;
	(pc) =	sbr.abs _section_cstart, $3  }
0x38: {  	[dreg:$0x1] =	wrdreg $0xFFFFFFFF  }
0x39: {  	_ =	task.clear_ibuf [dreg:s7], $0x2FFFF;
	_ =	strace $0x9FFFFFFF  }
0x3a: {  	(tm) =	ssettm $0x7FFFFFFF  }
0x3b: {  	_ =	shalt  }
tec
execute0_lowered:
.L_overlay_start_1:
0x0: {  	(tag) =	ssettag $0x1  }
0x1: {  	s0 =	srdreg.scid  }
0x2: {  	s1 =	sshll.u32 s0, $0x4  }
0x3: {  	s0 =	stileid.u32;
	s1 =	sand.u32 $0x10, s1  }
0x4: {  	s1 =	sor.u32 s0, s1  }
0x5: {  	s6 =	rddreg [dreg:$0x0];
	s4 =	simm.s32 $0x1;
	s2 =	sshll.u32 s1, $0x7  }
0x6: {  	s7 =	simm.s32 $0x2;
	s12 =	simm.s32 $0x0;
	s1 =	ssub.s32 $0x1000, s2  }
0x7: {  	s8 =	simm.s32 $0x8000;
	s13 =	simm.s32 $0x0;
	s3 =	sand.u32 $0xF80, s1  }
0x8: {  	s9 =	simm.s32 $0x0;
	s5 =	sshrl.u32 s1, $0xC;
	p0 =	sne.s32 s3, $0x0  }
.Ltmp0:
0x9: {  	s1 =	rddreg [dreg:$0x2];
	s4 =	simm.s32 @!p0 $0x0;
	(pc) =	sbr.rel .LBB1_1-.Ltmp0, $4  }
0xa: {  	s11 =	simm.s32 $0x0;
	s3 =	rddreg [dreg:$0x1];
	s5 =	sadd.s32 s4, s5  }
0xb: {  	_ =	strace $0x8000004A;
	s4 =	simm.s32 $0x1;
	s5 =	smul.u32 $0xC8, s5  }
0xc: {  	s6 =	sadd.s32 $0xA00, s6;
	s10 =	smov.u32 s2;
	[sflag:s4] =	ssyncpa.u1 $0x0  }
0xd: {  	p0 =	por $0x0, $0x0;
	[sflag:s7] =	ssyncpa.u1 $0x0;
	s7 =	sor.u32 $0x1, s5  }
.LBB1_4:
0xe: {  	s16 =	sshll.u32 s13, $0x3;
	s17 =	sand.u32 $0x78, s13  }
0xf: {  	s30 =	sand.u32 $0x7E00, s13;
	s12 =	sshll.u32 s12, $0xF;
	s16 =	sand.u32 $0xC00, s16  }
0x10: {  	[tilespmem:s15+$0x810 ss:$0x81] =	vst.msk $0xffff, v2;
	s31 =	sand.u32 $0x7, s13;
	s16 =	sor.u32 s17, s16;
	s17 =	sadd.s32 s3, s30  }
0x11: {  	[tilespmem:s15+$0x1020 ss:$0x81] =	vst.msk $0xffff, v0;
	s13 =	sshll.u32 s31, $0x12;
	s12 =	sadd.s32 s12, s17;
	s16 =	sshrl.u32 s16, $0x3  }
0x12: {  	[tilespmem:s15+$0x0 ss:$0x81] =	vst.msk $0xffff, v1;
	s13 =	sor.u32 $0x400, s13;
	s12 =	sadd.s32 s16, s12  }
0x13: {  	[hbm4b:s12+s13] =	stream.strided.scatter [tilespmem:s14], [sflag:$0x2], $0x2000, s8, s13, $0x20;
	[tilespmem:$0x8080] =	vst v63  }
.LBB1_5:
0x14: {  	s14 =	sadd.s32 $0x1, s9  }
0x15: {  	s12 =	sadd.s32 $0x1000, s10;
	s16 =	smov.u32 s10;
	p2 =	sgt.s32 s14, $0xC7  }
0x16: {  	s16 =	smov.u32 @p2 s12  }
0x17: {  	s14 =	simm.s32 @p2 $0x0;
	p2 =	sgt.s32 s16, $0xFFF  }
0x18: {  	s16 =	smov.u32 @p2 s2;
	p2 =	sne.s32 s11, s7  }
.Ltmp1:
0x19: {  	p1 =	slt.u32 s11, $0x2;
	(pc) =	sbr.rel @!p2 .LBB1_6-.Ltmp1, $4  }
0x1a: {  	s15 =	simm.s32 @!p1 $0x2  }
0x1b: {  	s13 =	smov.u32 s10;
	p0 =	por !p0, !p0;
	_ =	swait.ge @!p1 [sflag:s15], $0x2000  }
0x1c: {  	s12 =	smov.u32 s9;
	[sflag:s15] =	ssyncset.done @!p1 $0x0;
	s9 =	smov.u32 s14  }
0x1d: {  	s11 =	sadd.s32 $0x1, s11;
	[sflag:s15] =	ssyncadd.s32 @!p1 $0xFFFFE000;
	s10 =	smov.u32 s16  }
.LBB1_1:
0x1e: {  	p1 =	sge.u32 s11, s5  }
0x1f: {  	s14 =	sand.u32 @!p1 $0x1FFFFFF, s9  }
0x20: {  	s15 =	smulhi.u32 @!p1 $0x147AE15, s14;
	_ =	sdelay $0x1  }
0x21: {  	s15 =	smul.u32 @!p1 $0xC8, s15  }
0x22: {  	s16 =	sxor.u32 @!p1 $0xFFFFFFFF, s11;
	s17 =	smul.u32 @!p1 $0xC80, s10  }
0x23: {  	s31 =	sadd.s32 $0xFFFFFFFF, s11;
	s16 =	sshll.u32 @!p1 s16, $0xD;
	s14 =	ssub.s32 @!p1 s14, s15  }
0x24: {  	s15 =	sand.u32 @!p1 $0x2000, s16;
	s16 =	sadd.s32 @!p1 s6, s17;
	s14 =	sshll.u32 @!p1 s14, $0x4  }
0x25: {  	s17 =	simm.s32 @!p1 $0x6400;
	s14 =	sadd.s32 @!p1 s14, s16;
	s16 =	simm.s32 @!p1 $0x40  }
0x26: {  	[tilespmem:s15], [sflag:$0x1] =	stream.strided.gather @!p1 [hbm4b:s14+s16], $0x2000, s17, s16, $0x38;
	[tilespmem:$0x8080] =	vst v63  }
0x27: {  	p1 =	sge.u32 s31, s5  }
.Ltmp2:
0x28: {  	_ = 	snop;
	(pc) =	sbr.rel @p1 .LBB1_5-.Ltmp2, $1  }
0x29: {  	_ =	sdelay $0x3  }
0x2a: {  	s14 =	simm.s32 $0x1  }
0x2b: {  	_ =	swait.ge [sflag:s4], $0x2000;
	s14 =	simm.s32 @!p0 $0x0  }
0x2c: {  	[sflag:s4] =	ssyncset.done $0x0;
	s15 =	sshll.u32 s14, $0xD  }
0x2d: {  	[sflag:s4] =	ssyncadd.s32 $0xFFFFE000;
	s18 =	sor.u32 $0x20, s15  }
0x2e: {  	s14 =	smul.u32 $0x8100, s14;
	v3 =	vld [tilespmem:s18+$0x10]  }
0x2f: {  	s30 =	sand.u32 $0x1, s11;
	v2 =	vld [tilespmem:s18+$0xFFFFFFF0]  }
0x30: {  	s15 =	smul.u32 $0x8100, s30;
	s14 =	sshrl.u32 s14, $0x2;
	v0 =	vld [tilespmem:s18+$0x0]  }
0x31: {  	v1 =	vld [tilespmem:s18+$0xFFFFFFE0];
	s16 =	sor.u32 $0x4000, s14  }
0x32: {  	s31 =	sshrl.u32 s15, $0x2;
	s15 =	sadd.s32 $0x0, s16  }
0x33: {  	s17 =	simm.s32 $0x4;
	s18 =	sadd.s32 $0x40, s18;
	s14 =	sor.u32 $0x4000, s31;
	[tilespmem:s15+$0x1830 ss:$0x81] =	vst.msk $0xffff, v3  }
.LBB1_3:
0x34: {  	v3 =	vld [tilespmem:s18+$0x10];
	p1 =	sne.s32 s17, $0x1FC;
	[tilespmem:s15+$0x810 ss:$0x81] =	vst.msk $0xffff, v2;
	s19 =	smov.u32 s17;
	s17 =	sadd.s32 $0x4, s17  }
.Ltmp3:
0x35: {  	v2 =	vld [tilespmem:s18+$0xFFFFFFF0];
	[tilespmem:s15+$0x1020 ss:$0x81] =	vst.msk $0xffff, v0;
	(pc) =	sbr.rel @p1 .LBB1_3-.Ltmp3, $4  }
0x36: {  	v0 =	vld [tilespmem:s18+$0x0];
	[tilespmem:s15+$0x0 ss:$0x81] =	vst.msk $0xffff, v1  }
0x37: {  	s15 =	sshra.s32 s19, $0x2;
	v1 =	vld [tilespmem:s18+$0xFFFFFFE0]  }
0x38: {  	s15 =	sadd.s32 s15, s16  }
0x39: {  	s18 =	sadd.s32 $0x40, s18;
	[tilespmem:s15+$0x1830 ss:$0x81] =	vst.msk $0xffff, v3  }
.Ltmp4:
0x3a: {  	_ = 	snop;
	(pc) =	sbr.rel .LBB1_4-.Ltmp4, $1  }
0x3b: {  	_ =	sdelay $0x3  }
.LBB1_6:
0x3c: {  	_ =	sfence.sel $0x180000  }
0x3d: {  	s2 =	simm.s32 $0x1;
	[bflag:$0x0] =	sbarrier.arrive $0xFFFF  }
0x3e: {  	s31 =	simm.s32 $0x2;
	[sflag:s2] =	ssyncpa.u1 $0x1  }
0x3f: {  	[sflag:s31] =	ssyncpa.u1 $0x1  }
0x40: {  	p0 =	sne.s32 s0, $0x0;
	_ =	strace $0x9000004A  }
0x41: {  	s0 =	sadd.s32 @!p0 $0x100000, s1;
	[bflag:$0x2] =	sbarrier.arrive $0xFFFF  }
0x42: {  	[sflag:s0] =	ssyncadd.tile.s32 @!p0 $0x1;
	_ =	shalt  }
.Lfunc_end1:
_tile_overlayer_lowered:
.L_overlay_start_2:
0x43: {  	(tag) =	ssettag $0x2  }
0x44: {  	s0 =	rddreg [dreg:$0x0];
	s2 =	stileid.u32  }
0x45: {  	s1 =	rddreg [dreg:$0x1];
	p0 =	sne.s32 s2, $0x0  }
0x46: {  	s3 =	rddreg [dreg:$0x2];
	[bflag:$0x3] =	sbarrier.arrive $0xFFFF;
	s2 =	simm.s32 @!p0 $0x1C01  }
0x47: {  	[timem:s3], [sflag:s2] =	dma.local @!p0 [hbm:s0], s1  }
0x48: {  	s0 =	simm.s32 @!p0 $0x1  }
0x49: {  	_ =	swait.ge @!p0 [sflag:s0], s1  }
0x4a: {  	s1 =	ssub.s32 @!p0 $0x0, s1;
	[sflag:s0] =	ssyncset.done @!p0 $0x0  }
0x4b: {  	[sflag:s0] =	ssyncadd.s32 @!p0 s1  }
0x4c: {  	[bflag:$0x3] =	sbarrier.arrive $0xFFFF  }
0x4d: {  	_ =	shalt  }

</sc_bundles>
